<compile_context>
chip_gen: v7x
topology: tpu7x:2x2x1
jax: 0.10.2.dev20260603
libtpu: 0.0.44.dev20260713+nightly
codegen_flags: <defaults>
</compile_context>

<pallas_src>
import functools

import jax
import jax.numpy as jnp
import numpy as np
from jax import lax
from jax.experimental import pallas as pl
from jax.experimental.pallas import tpu as pltpu
from jax.experimental.pallas import tpu_sc as plsc

_COULOMB_FACTOR = 14.399645478425668
_MAGIC = np.int32(0x5F3759DF)
_SPLIT_SEG = 9


def _pair_energy_sc(x, y, z, q, num_graphs, atoms, seg_start):
    L = 16
    n_chunks = atoms // L
    mesh = plsc.VectorSubcoreMesh(core_axis_name="c", subcore_axis_name="s")

    @functools.partial(
        pl.kernel,
        out_type=jax.ShapeDtypeStruct((num_graphs, L), jnp.float32),
        mesh=mesh,
        scratch_types=[
            pltpu.VMEM((atoms + L,), jnp.float32),
            pltpu.VMEM((atoms + L,), jnp.float32),
            pltpu.VMEM((atoms + L,), jnp.float32),
            pltpu.VMEM((atoms + L,), jnp.float32),
            pltpu.VMEM((L,), jnp.float32),
            pltpu.SemaphoreType.DMA,
        ],
    )
    def body(x_hbm, y_hbm, z_hbm, q_hbm, out_hbm, xv, yv, zv, qv, outv, sem):
        wid = lax.axis_index("s") * 2 + lax.axis_index("c")
        base = wid * atoms
        copies = [
            pltpu.async_copy(src.at[pl.ds(base, atoms)],
                             dst.at[pl.ds(0, atoms)], sem)
            for src, dst in ((x_hbm, xv), (y_hbm, yv), (z_hbm, zv),
                             (q_hbm, qv))
        ]
        for cp in copies:
            cp.wait()

        lane = lax.iota(jnp.int32, L)
        eps = jnp.float32(1e-6)
        half = jnp.float32(0.5)
        three_half = jnp.float32(1.5)

        def pair_chunk(i_vec, xi, yi, zi, qi, jc, acc, masked):
            off = jc * L
            xj = xv[pl.ds(off, L)]
            yj = yv[pl.ds(off, L)]
            zj = zv[pl.ds(off, L)]
            qj = qv[pl.ds(off, L)]
            dx = xi - xj
            dy = yi - yj
            dz = zi - zj
            s = dx * dx + dy * dy + dz * dz
            s_bits = lax.bitcast_convert_type(s, jnp.int32)
            r = lax.bitcast_convert_type(_MAGIC - (s_bits >> 1), jnp.float32)
            h = half * s
            r = r * (three_half - h * r * r)
            r = r * (three_half - h * r * r)
            c = qi * qj * r
            if masked:
                j_idx = lane + off
                c = jnp.where(j_idx > i_vec, c, jnp.float32(0.0))
            return acc + c

        def make_seg_body(seg):
            def seg_body(i, acc):
                i_vec = jnp.full((L,), i, dtype=jnp.int32)
                xi = jnp.full((L,), xv[pl.ds(i, L)][0], dtype=jnp.float32) + eps
                yi = jnp.full((L,), yv[pl.ds(i, L)][0], dtype=jnp.float32) + eps
                zi = jnp.full((L,), zv[pl.ds(i, L)][0], dtype=jnp.float32) + eps
                qi = jnp.full((L,), qv[pl.ds(i, L)][0], dtype=jnp.float32)
                for jc in range(seg, n_chunks):
                    acc = pair_chunk(i_vec, xi, yi, zi, qi, jc, acc,
                                     masked=jc == seg)
                return acc
            return seg_body

        acc = jnp.zeros((L,), jnp.float32)
        for seg in range(seg_start, n_chunks):
            acc = lax.fori_loop(seg * L, (seg + 1) * L, make_seg_body(seg),
                                acc, unroll=False)

        dnums = lax.GatherDimensionNumbers(
            offset_dims=(), collapsed_slice_dims=(0,), start_index_map=(0,))
        for stride in (8, 4, 2, 1):
            idx = lax.iota(jnp.int32, L) ^ stride
            shuffled = lax.gather(
                acc, idx[:, None], dimension_numbers=dnums, slice_sizes=(1,),
                mode=lax.GatherScatterMode.PROMISE_IN_BOUNDS)
            acc = acc + shuffled

        outv[...] = acc * jnp.float32(_COULOMB_FACTOR)
        pltpu.sync_copy(outv, out_hbm.at[wid])

    return body(x, y, z, q)


def _pair_energy_tc(x, y, z, q, num_graphs, atoms, rows):

    mols_per_step = 4

    def body(x_ref, y_ref, z_ref, q_ref, o_ref):
        eps = jnp.float32(1e-6)
        row_ids = lax.broadcasted_iota(jnp.int32, (rows, atoms), 0)
        col_ids = lax.broadcasted_iota(jnp.int32, (rows, atoms), 1)
        mask = col_ids > row_ids
        for m in range(mols_per_step):
            xr = x_ref[m, 0, :]
            yr = y_ref[m, 0, :]
            zr = z_ref[m, 0, :]
            qr = q_ref[m, 0, :]
            dx = xr[:rows].reshape(rows, 1) - xr.reshape(1, atoms) + eps
            dy = yr[:rows].reshape(rows, 1) - yr.reshape(1, atoms) + eps
            dz = zr[:rows].reshape(rows, 1) - zr.reshape(1, atoms) + eps
            s = dx * dx + dy * dy + dz * dz
            r = lax.rsqrt(s)
            qq = qr[:rows].reshape(rows, 1) * qr.reshape(1, atoms)
            e = jnp.where(mask, qq * r, jnp.float32(0.0))
            acc8 = jnp.zeros((8, 128), jnp.float32)
            for rr in range(0, rows, 8):
                for cc in range(0, atoms, 128):
                    acc8 = acc8 + e[rr:rr + 8, cc:cc + 128]
            tot = jnp.sum(acc8) * jnp.float32(_COULOMB_FACTOR)
            o_ref[m, 0, :] = jnp.full((128,), tot, dtype=jnp.float32)

    spec = pl.BlockSpec((mols_per_step, 1, atoms), lambda g: (g, 0, 0))
    return pl.pallas_call(
        body,
        grid=(num_graphs // mols_per_step,),
        in_specs=[spec, spec, spec, spec],
        out_specs=pl.BlockSpec((mols_per_step, 1, 128), lambda g: (g, 0, 0)),
        out_shape=jax.ShapeDtypeStruct((num_graphs, 1, 128), jnp.float32),
    )(x, y, z, q)


def kernel(pos, charges, ptr):
    num_graphs = ptr.shape[0] - 1
    atoms = pos.shape[0] // num_graphs
    x = pos[:, 0]
    y = pos[:, 1]
    z = pos[:, 2]
    q = charges[:, 0]
    sc_out = _pair_energy_sc(x, y, z, q, num_graphs, atoms, _SPLIT_SEG)
    xb = x.reshape(num_graphs, 1, atoms)
    yb = y.reshape(num_graphs, 1, atoms)
    zb = z.reshape(num_graphs, 1, atoms)
    qb = q.reshape(num_graphs, 1, atoms)
    tc_out = _pair_energy_tc(xb, yb, zb, qb, num_graphs, atoms,
                             _SPLIT_SEG * 16)
    return sc_out[:, :1] + tc_out[:, 0, :1]

# --- scband reference (transcript-rebuilt; emitter-appended) ---
"""Pipeline reference for scband-electrostatic-correction-38225208934574 (READ-ONLY COPY).

The authoritative reference and input builder live on the scoring server;
editing this copy changes nothing except your own understanding.
"""

import jax, jax.numpy as jnp
import numpy as np

COULOMB_FACTOR = 14.399645478425668
ENERGY_SCALE = 1.0


def _pair_indices_within_batch(ptr):
    ptr = np.asarray(ptr)
    batch_size = ptr.shape[0] - 1
    src_list, dst_list, batch_list = [], [], []
    for bi in range(batch_size):
        n = int(ptr[bi + 1] - ptr[bi])
        iu0, iu1 = np.triu_indices(n, k=1)
        src_list.append(iu0.astype(np.int64) + int(ptr[bi]))
        dst_list.append(iu1.astype(np.int64) + int(ptr[bi]))
        batch_list.append(np.full(iu0.shape[0], bi, dtype=np.int64))
    src = np.concatenate(src_list)
    dst = np.concatenate(dst_list)
    batch = np.concatenate(batch_list)
    return src, dst, batch


def setup_inputs(seed: int = 0) -> dict:
    key = jax.random.key(seed)
    k1, k2 = jax.random.split(key)
    N = 8192  # total atoms: 32 molecules x 256 atoms each
    B = 32
    pos = jax.random.normal(k1, (N, 3), dtype=jnp.float32) * 5.0
    charges = jax.random.normal(k2, (N, 1), dtype=jnp.float32)
    ptr = jnp.arange(B + 1, dtype=jnp.int32) * (N // B)
    return {"pos": pos, "charges": charges, "ptr": ptr}


def reference(pos, charges, ptr):
    num_graphs = ptr.shape[0] - 1
    n = pos.shape[0] // num_graphs
    iu0, iu1 = np.triu_indices(n, k=1)
    num_pairs_per_graph = iu0.shape[0]
    batch_np = np.repeat(np.arange(num_graphs, dtype=np.int64), num_pairs_per_graph)
    batch_idx = jnp.asarray(batch_np)
    base = ptr[batch_idx]
    src = jnp.asarray(np.tile(iu0.astype(np.int64), num_graphs)) + base
    dst = jnp.asarray(np.tile(iu1.astype(np.int64), num_graphs)) + base

    # torch.pairwise_distance: || x1 - x2 + eps ||_2, keepdim=True
    diff = pos[src] - pos[dst] + 1e-06
    dists = jnp.sqrt(jnp.sum(diff * diff, axis=-1, keepdims=True))

    ele_pair = charges[src] * charges[dst] / dists
    ele = jax.ops.segment_sum(ele_pair, batch_idx, num_segments=num_graphs)
    ele = COULOMB_FACTOR * ele / ENERGY_SCALE
    return ele

if __name__ == "__main__":
    import jax
    _d = setup_inputs()
    print(jax.jit(kernel)(*tuple(_d.values())))

</pallas_src>

<mosaic_0001>
#map = affine_map<(d0, d1) -> (0)>
#map1 = affine_map<(d0, d1) -> (0, 0)>
module attributes {stable_mosaic.version = 14 : i64} {
  func.func @body(%arg0: i32, %arg1: i32, %arg2: memref<8192xf32, #tpu.memory_space<hbm>>, %arg3: memref<8192xf32, #tpu.memory_space<hbm>>, %arg4: memref<8192xf32, #tpu.memory_space<hbm>>, %arg5: memref<8192xf32, #tpu.memory_space<hbm>>, %arg6: memref<32x16xf32, #tpu.memory_space<hbm>>, %arg7: memref<272xf32, #tpu.memory_space<vmem>>, %arg8: memref<272xf32, #tpu.memory_space<vmem>>, %arg9: memref<272xf32, #tpu.memory_space<vmem>>, %arg10: memref<272xf32, #tpu.memory_space<vmem>>, %arg11: memref<16xf32, #tpu.memory_space<vmem>>, %arg12: memref<!tpu.dma_semaphore, #tpu.memory_space<semaphore_mem>>) attributes {dimension_semantics = [#tpu.dimension_semantics<core_parallel>, #tpu.dimension_semantics<subcore_parallel>], iteration_bounds = array<i64: 2, 16>, scalar_prefetch = 0 : i64, scratch_operands = 6 : i64, tpu.core_type = #tpu.core_type<sc_vector_subcore>, window_params = [{transform_indices = #map}, {transform_indices = #map}, {transform_indices = #map}, {transform_indices = #map}, {transform_indices = #map1}]} {
    %mul3A = arith.constant 2 : i32
    %mul3A_0 = arith.muli %arg1, %mul3A : i32
    %add3A = arith.addi %mul3A_0, %arg0 : i32
    %mul3A_1 = arith.constant 256 : i32
    %mul3A_2 = arith.muli %add3A, %mul3A_1 : i32
    %dma_start3A = arith.constant 0 : i32
    %dma_start3A_3 = tpu.memref_slice %arg7[%dma_start3A] : memref<272xf32, #tpu.memory_space<vmem>> -> memref<256xf32, #tpu.memory_space<vmem>>
    %dma_start3A_4 = tpu.memref_slice %arg2[%mul3A_2] : memref<8192xf32, #tpu.memory_space<hbm>> -> memref<256xf32, #tpu.memory_space<hbm>>
    %dma_start3A_5 = arith.constant 0 : i32
    %dma_start3A_6 = tpu.memref_slice %arg7[%dma_start3A_5] : memref<272xf32, #tpu.memory_space<vmem>> -> memref<256xf32, #tpu.memory_space<vmem>>
    %dma_start3A_7 = tpu.memref_slice %arg2[%mul3A_2] : memref<8192xf32, #tpu.memory_space<hbm>> -> memref<256xf32, #tpu.memory_space<hbm>>
    tpu.enqueue_dma source(%dma_start3A_7 : memref<256xf32, #tpu.memory_space<hbm>>) target(%dma_start3A_6 : memref<256xf32, #tpu.memory_space<vmem>>) target_semaphore(%arg12 : memref<!tpu.dma_semaphore, #tpu.memory_space<semaphore_mem>>)
    %dma_start3A_8 = arith.constant 0 : i32
    %dma_start3A_9 = tpu.memref_slice %arg8[%dma_start3A_8] : memref<272xf32, #tpu.memory_space<vmem>> -> memref<256xf32, #tpu.memory_space<vmem>>
    %dma_start3A_10 = tpu.memref_slice %arg3[%mul3A_2] : memref<8192xf32, #tpu.memory_space<hbm>> -> memref<256xf32, #tpu.memory_space<hbm>>
    %dma_start3A_11 = arith.constant 0 : i32
    %dma_start3A_12 = tpu.memref_slice %arg8[%dma_start3A_11] : memref<272xf32, #tpu.memory_space<vmem>> -> memref<256xf32, #tpu.memory_space<vmem>>
    %dma_start3A_13 = tpu.memref_slice %arg3[%mul3A_2] : memref<8192xf32, #tpu.memory_space<hbm>> -> memref<256xf32, #tpu.memory_space<hbm>>
    tpu.enqueue_dma source(%dma_start3A_13 : memref<256xf32, #tpu.memory_space<hbm>>) target(%dma_start3A_12 : memref<256xf32, #tpu.memory_space<vmem>>) target_semaphore(%arg12 : memref<!tpu.dma_semaphore, #tpu.memory_space<semaphore_mem>>)
    %dma_start3A_14 = arith.constant 0 : i32
    %dma_start3A_15 = tpu.memref_slice %arg9[%dma_start3A_14] : memref<272xf32, #tpu.memory_space<vmem>> -> memref<256xf32, #tpu.memory_space<vmem>>
    %dma_start3A_16 = tpu.memref_slice %arg4[%mul3A_2] : memref<8192xf32, #tpu.memory_space<hbm>> -> memref<256xf32, #tpu.memory_space<hbm>>
    %dma_start3A_17 = arith.constant 0 : i32
    %dma_start3A_18 = tpu.memref_slice %arg9[%dma_start3A_17] : memref<272xf32, #tpu.memory_space<vmem>> -> memref<256xf32, #tpu.memory_space<vmem>>
    %dma_start3A_19 = tpu.memref_slice %arg4[%mul3A_2] : memref<8192xf32, #tpu.memory_space<hbm>> -> memref<256xf32, #tpu.memory_space<hbm>>
    tpu.enqueue_dma source(%dma_start3A_19 : memref<256xf32, #tpu.memory_space<hbm>>) target(%dma_start3A_18 : memref<256xf32, #tpu.memory_space<vmem>>) target_semaphore(%arg12 : memref<!tpu.dma_semaphore, #tpu.memory_space<semaphore_mem>>)
    %dma_start3A_20 = arith.constant 0 : i32
    %dma_start3A_21 = tpu.memref_slice %arg10[%dma_start3A_20] : memref<272xf32, #tpu.memory_space<vmem>> -> memref<256xf32, #tpu.memory_space<vmem>>
    %dma_start3A_22 = tpu.memref_slice %arg5[%mul3A_2] : memref<8192xf32, #tpu.memory_space<hbm>> -> memref<256xf32, #tpu.memory_space<hbm>>
    %dma_start3A_23 = arith.constant 0 : i32
    %dma_start3A_24 = tpu.memref_slice %arg10[%dma_start3A_23] : memref<272xf32, #tpu.memory_space<vmem>> -> memref<256xf32, #tpu.memory_space<vmem>>
    %dma_start3A_25 = tpu.memref_slice %arg5[%mul3A_2] : memref<8192xf32, #tpu.memory_space<hbm>> -> memref<256xf32, #tpu.memory_space<hbm>>
    tpu.enqueue_dma source(%dma_start3A_25 : memref<256xf32, #tpu.memory_space<hbm>>) target(%dma_start3A_24 : memref<256xf32, #tpu.memory_space<vmem>>) target_semaphore(%arg12 : memref<!tpu.dma_semaphore, #tpu.memory_space<semaphore_mem>>)
    %dma_wait3A = arith.constant 0 : i32
    %dma_wait3A_26 = tpu.memref_slice %arg7[%dma_wait3A] : memref<272xf32, #tpu.memory_space<vmem>> -> memref<256xf32, #tpu.memory_space<vmem>>
    %dma_wait3A_27 = tpu.memref_slice %arg2[%mul3A_2] : memref<8192xf32, #tpu.memory_space<hbm>> -> memref<256xf32, #tpu.memory_space<hbm>>
    %dma_wait3A_28 = arith.constant 0 : i32
    %dma_wait3A_29 = tpu.memref_slice %arg7[%dma_wait3A_28] : memref<272xf32, #tpu.memory_space<vmem>> -> memref<256xf32, #tpu.memory_space<vmem>>
    %dma_wait3A_30 = tpu.memref_slice %arg2[%mul3A_2] : memref<8192xf32, #tpu.memory_space<hbm>> -> memref<256xf32, #tpu.memory_space<hbm>>
    tpu.wait_dma2 semaphore(%arg12 : memref<!tpu.dma_semaphore, #tpu.memory_space<semaphore_mem>>) src(%dma_wait3A_30 : memref<256xf32, #tpu.memory_space<hbm>>) dst(%dma_wait3A_29 : memref<256xf32, #tpu.memory_space<vmem>>)
    %dma_wait3A_31 = arith.constant 0 : i32
    %dma_wait3A_32 = tpu.memref_slice %arg8[%dma_wait3A_31] : memref<272xf32, #tpu.memory_space<vmem>> -> memref<256xf32, #tpu.memory_space<vmem>>
    %dma_wait3A_33 = tpu.memref_slice %arg3[%mul3A_2] : memref<8192xf32, #tpu.memory_space<hbm>> -> memref<256xf32, #tpu.memory_space<hbm>>
    %dma_wait3A_34 = arith.constant 0 : i32
    %dma_wait3A_35 = tpu.memref_slice %arg8[%dma_wait3A_34] : memref<272xf32, #tpu.memory_space<vmem>> -> memref<256xf32, #tpu.memory_space<vmem>>
    %dma_wait3A_36 = tpu.memref_slice %arg3[%mul3A_2] : memref<8192xf32, #tpu.memory_space<hbm>> -> memref<256xf32, #tpu.memory_space<hbm>>
    tpu.wait_dma2 semaphore(%arg12 : memref<!tpu.dma_semaphore, #tpu.memory_space<semaphore_mem>>) src(%dma_wait3A_36 : memref<256xf32, #tpu.memory_space<hbm>>) dst(%dma_wait3A_35 : memref<256xf32, #tpu.memory_space<vmem>>)
    %dma_wait3A_37 = arith.constant 0 : i32
    %dma_wait3A_38 = tpu.memref_slice %arg9[%dma_wait3A_37] : memref<272xf32, #tpu.memory_space<vmem>> -> memref<256xf32, #tpu.memory_space<vmem>>
    %dma_wait3A_39 = tpu.memref_slice %arg4[%mul3A_2] : memref<8192xf32, #tpu.memory_space<hbm>> -> memref<256xf32, #tpu.memory_space<hbm>>
    %dma_wait3A_40 = arith.constant 0 : i32
    %dma_wait3A_41 = tpu.memref_slice %arg9[%dma_wait3A_40] : memref<272xf32, #tpu.memory_space<vmem>> -> memref<256xf32, #tpu.memory_space<vmem>>
    %dma_wait3A_42 = tpu.memref_slice %arg4[%mul3A_2] : memref<8192xf32, #tpu.memory_space<hbm>> -> memref<256xf32, #tpu.memory_space<hbm>>
    tpu.wait_dma2 semaphore(%arg12 : memref<!tpu.dma_semaphore, #tpu.memory_space<semaphore_mem>>) src(%dma_wait3A_42 : memref<256xf32, #tpu.memory_space<hbm>>) dst(%dma_wait3A_41 : memref<256xf32, #tpu.memory_space<vmem>>)
    %dma_wait3A_43 = arith.constant 0 : i32
    %dma_wait3A_44 = tpu.memref_slice %arg10[%dma_wait3A_43] : memref<272xf32, #tpu.memory_space<vmem>> -> memref<256xf32, #tpu.memory_space<vmem>>
    %dma_wait3A_45 = tpu.memref_slice %arg5[%mul3A_2] : memref<8192xf32, #tpu.memory_space<hbm>> -> memref<256xf32, #tpu.memory_space<hbm>>
    %dma_wait3A_46 = arith.constant 0 : i32
    %dma_wait3A_47 = tpu.memref_slice %arg10[%dma_wait3A_46] : memref<272xf32, #tpu.memory_space<vmem>> -> memref<256xf32, #tpu.memory_space<vmem>>
    %dma_wait3A_48 = tpu.memref_slice %arg5[%mul3A_2] : memref<8192xf32, #tpu.memory_space<hbm>> -> memref<256xf32, #tpu.memory_space<hbm>>
    tpu.wait_dma2 semaphore(%arg12 : memref<!tpu.dma_semaphore, #tpu.memory_space<semaphore_mem>>) src(%dma_wait3A_48 : memref<256xf32, #tpu.memory_space<hbm>>) dst(%dma_wait3A_47 : memref<256xf32, #tpu.memory_space<vmem>>)
    %iota3A = tpu.iota {dimensions = array<i32: 0>} : vector<16xi32>
    %broadcast_in_dim3A = arith.constant 0.000000e+00 : f32
    %broadcast_in_dim3A_49 = vector.broadcast %broadcast_in_dim3A : f32 to vector<16xf32>
    %scan3A = arith.constant 9.99999997E-7 : f32
    %scan3A_50 = arith.constant 5.000000e-01 : f32
    %scan3A_51 = arith.constant 1.500000e+00 : f32
    %scan3A_52 = arith.constant 144 : i32
    %scan3A_53 = arith.constant 16 : i32
    %scan3A_54 = arith.addi %scan3A_52, %scan3A_53 : i32
    %scan3A_55 = arith.constant 1 : i32
    %scan3A_56 = scf.for %scan3A_148 = %scan3A_52 to %scan3A_54 step %scan3A_55 iter_args(%scan3A_149 = %broadcast_in_dim3A_49) -> (vector<16xf32>)  : i32 {
      %broadcast_in_dim3A_150 = vector.broadcast %scan3A_148 : i32 to vector<16xi32>
      %get3A = arith.index_cast %scan3A_148 : i32 to index
      %get3A_151 = tpu.vector_load %arg7[%get3A] {strides = array<i32>} : memref<272xf32, #tpu.memory_space<vmem>>, vector<16xf32>,
      %get3A_152 = vector.shape_cast %get3A_151 : vector<16xf32> to vector<16xf32>
      %slice3A = vector.extract_strided_slice %get3A_152 {offsets = [0], sizes = [1], strides = [1]} : vector<16xf32> to vector<1xf32>
      %squeeze3A = vector.extract %slice3A[0] : f32 from vector<1xf32>
      %broadcast_in_dim3A_153 = vector.broadcast %squeeze3A : f32 to vector<16xf32>
      %add3A_154 = vector.broadcast %scan3A : f32 to vector<16xf32>
      %add3A_155 = arith.addf %broadcast_in_dim3A_153, %add3A_154 : vector<16xf32>
      %get3A_156 = arith.index_cast %scan3A_148 : i32 to index
      %get3A_157 = tpu.vector_load %arg8[%get3A_156] {strides = array<i32>} : memref<272xf32, #tpu.memory_space<vmem>>, vector<16xf32>,
      %get3A_158 = vector.shape_cast %get3A_157 : vector<16xf32> to vector<16xf32>
      %slice3A_159 = vector.extract_strided_slice %get3A_158 {offsets = [0], sizes = [1], strides = [1]} : vector<16xf32> to vector<1xf32>
      %squeeze3A_160 = vector.extract %slice3A_159[0] : f32 from vector<1xf32>
      %broadcast_in_dim3A_161 = vector.broadcast %squeeze3A_160 : f32 to vector<16xf32>
      %add3A_162 = vector.broadcast %scan3A : f32 to vector<16xf32>
      %add3A_163 = arith.addf %broadcast_in_dim3A_161, %add3A_162 : vector<16xf32>
      %get3A_164 = arith.index_cast %scan3A_148 : i32 to index
      %get3A_165 = tpu.vector_load %arg9[%get3A_164] {strides = array<i32>} : memref<272xf32, #tpu.memory_space<vmem>>, vector<16xf32>,
      %get3A_166 = vector.shape_cast %get3A_165 : vector<16xf32> to vector<16xf32>
      %slice3A_167 = vector.extract_strided_slice %get3A_166 {offsets = [0], sizes = [1], strides = [1]} : vector<16xf32> to vector<1xf32>
      %squeeze3A_168 = vector.extract %slice3A_167[0] : f32 from vector<1xf32>
      %broadcast_in_dim3A_169 = vector.broadcast %squeeze3A_168 : f32 to vector<16xf32>
      %add3A_170 = vector.broadcast %scan3A : f32 to vector<16xf32>
      %add3A_171 = arith.addf %broadcast_in_dim3A_169, %add3A_170 : vector<16xf32>
      %get3A_172 = arith.index_cast %scan3A_148 : i32 to index
      %get3A_173 = tpu.vector_load %arg10[%get3A_172] {strides = array<i32>} : memref<272xf32, #tpu.memory_space<vmem>>, vector<16xf32>,
      %get3A_174 = vector.shape_cast %get3A_173 : vector<16xf32> to vector<16xf32>
      %slice3A_175 = vector.extract_strided_slice %get3A_174 {offsets = [0], sizes = [1], strides = [1]} : vector<16xf32> to vector<1xf32>
      %squeeze3A_176 = vector.extract %slice3A_175[0] : f32 from vector<1xf32>
      %broadcast_in_dim3A_177 = vector.broadcast %squeeze3A_176 : f32 to vector<16xf32>
      %get3A_178 = arith.constant 144 : index
      %get3A_179 = tpu.vector_load %arg7[%get3A_178] {strides = array<i32>} : memref<272xf32, #tpu.memory_space<vmem>>, vector<16xf32>,
      %get3A_180 = vector.shape_cast %get3A_179 : vector<16xf32> to vector<16xf32>
      %get3A_181 = arith.constant 144 : index
      %get3A_182 = tpu.vector_load %arg8[%get3A_181] {strides = array<i32>} : memref<272xf32, #tpu.memory_space<vmem>>, vector<16xf32>,
      %get3A_183 = vector.shape_cast %get3A_182 : vector<16xf32> to vector<16xf32>
      %get3A_184 = arith.constant 144 : index
      %get3A_185 = tpu.vector_load %arg9[%get3A_184] {strides = array<i32>} : memref<272xf32, #tpu.memory_space<vmem>>, vector<16xf32>,
      %get3A_186 = vector.shape_cast %get3A_185 : vector<16xf32> to vector<16xf32>
      %get3A_187 = arith.constant 144 : index
      %get3A_188 = tpu.vector_load %arg10[%get3A_187] {strides = array<i32>} : memref<272xf32, #tpu.memory_space<vmem>>, vector<16xf32>,
      %get3A_189 = vector.shape_cast %get3A_188 : vector<16xf32> to vector<16xf32>
      %sub3A = arith.subf %add3A_155, %get3A_180 : vector<16xf32>
      %sub3A_190 = arith.subf %add3A_163, %get3A_183 : vector<16xf32>
      %sub3A_191 = arith.subf %add3A_171, %get3A_186 : vector<16xf32>
      %mul3A_192 = arith.mulf %sub3A, %sub3A : vector<16xf32>
      %mul3A_193 = arith.mulf %sub3A_190, %sub3A_190 : vector<16xf32>
      %add3A_194 = arith.addf %mul3A_192, %mul3A_193 : vector<16xf32>
      %mul3A_195 = arith.mulf %sub3A_191, %sub3A_191 : vector<16xf32>
      %add3A_196 = arith.addf %add3A_194, %mul3A_195 : vector<16xf32>
      %bitcast_convert_type3A = tpu.bitcast %add3A_196 : vector<16xf32> -> vector<16xi32>
      %shift_right_arithmetic3A = arith.constant 1 : i32
      %shift_right_arithmetic3A_197 = vector.broadcast %shift_right_arithmetic3A : i32 to vector<16xi32>
      %shift_right_arithmetic3A_198 = arith.shrsi %bitcast_convert_type3A, %shift_right_arithmetic3A_197 : vector<16xi32>
      %sub3A_199 = arith.constant 1597463007 : i32
      %sub3A_200 = vector.broadcast %sub3A_199 : i32 to vector<16xi32>
      %sub3A_201 = arith.subi %sub3A_200, %shift_right_arithmetic3A_198 : vector<16xi32>
      %bitcast_convert_type3A_202 = tpu.bitcast %sub3A_201 : vector<16xi32> -> vector<16xf32>
      %mul3A_203 = vector.broadcast %scan3A_50 : f32 to vector<16xf32>
      %mul3A_204 = arith.mulf %mul3A_203, %add3A_196 : vector<16xf32>
      %mul3A_205 = arith.mulf %mul3A_204, %bitcast_convert_type3A_202 : vector<16xf32>
      %mul3A_206 = arith.mulf %mul3A_205, %bitcast_convert_type3A_202 : vector<16xf32>
      %sub3A_207 = vector.broadcast %scan3A_51 : f32 to vector<16xf32>
      %sub3A_208 = arith.subf %sub3A_207, %mul3A_206 : vector<16xf32>
      %mul3A_209 = arith.mulf %bitcast_convert_type3A_202, %sub3A_208 : vector<16xf32>
      %mul3A_210 = arith.mulf %mul3A_204, %mul3A_209 : vector<16xf32>
      %mul3A_211 = arith.mulf %mul3A_210, %mul3A_209 : vector<16xf32>
      %sub3A_212 = vector.broadcast %scan3A_51 : f32 to vector<16xf32>
      %sub3A_213 = arith.subf %sub3A_212, %mul3A_211 : vector<16xf32>
      %mul3A_214 = arith.mulf %mul3A_209, %sub3A_213 : vector<16xf32>
      %mul3A_215 = arith.mulf %broadcast_in_dim3A_177, %get3A_189 : vector<16xf32>
      %mul3A_216 = arith.mulf %mul3A_215, %mul3A_214 : vector<16xf32>
      %add3A_217 = arith.constant 144 : i32
      %add3A_218 = vector.broadcast %add3A_217 : i32 to vector<16xi32>
      %add3A_219 = arith.addi %iota3A, %add3A_218 : vector<16xi32>
      %gt3A = arith.cmpi sgt, %add3A_219, %broadcast_in_dim3A_150 : vector<16xi32>
      %jit3A = arith.constant 0.000000e+00 : f32
      %broadcast_in_dim3A_220 = vector.broadcast %jit3A : f32 to vector<16xf32>
      %select_n3A = arith.select %gt3A, %mul3A_216, %broadcast_in_dim3A_220 : vector<16xi1>, vector<16xf32>
      %add3A_221 = arith.addf %scan3A_149, %select_n3A : vector<16xf32>
      %get3A_222 = arith.constant 160 : index
      %get3A_223 = tpu.vector_load %arg7[%get3A_222] {strides = array<i32>} : memref<272xf32, #tpu.memory_space<vmem>>, vector<16xf32>,
      %get3A_224 = vector.shape_cast %get3A_223 : vector<16xf32> to vector<16xf32>
      %get3A_225 = arith.constant 160 : index
      %get3A_226 = tpu.vector_load %arg8[%get3A_225] {strides = array<i32>} : memref<272xf32, #tpu.memory_space<vmem>>, vector<16xf32>,
      %get3A_227 = vector.shape_cast %get3A_226 : vector<16xf32> to vector<16xf32>
      %get3A_228 = arith.constant 160 : index
      %get3A_229 = tpu.vector_load %arg9[%get3A_228] {strides = array<i32>} : memref<272xf32, #tpu.memory_space<vmem>>, vector<16xf32>,
      %get3A_230 = vector.shape_cast %get3A_229 : vector<16xf32> to vector<16xf32>
      %get3A_231 = arith.constant 160 : index
      %get3A_232 = tpu.vector_load %arg10[%get3A_231] {strides = array<i32>} : memref<272xf32, #tpu.memory_space<vmem>>, vector<16xf32>,
      %get3A_233 = vector.shape_cast %get3A_232 : vector<16xf32> to vector<16xf32>
      %sub3A_234 = arith.subf %add3A_155, %get3A_224 : vector<16xf32>
      %sub3A_235 = arith.subf %add3A_163, %get3A_227 : vector<16xf32>
      %sub3A_236 = arith.subf %add3A_171, %get3A_230 : vector<16xf32>
      %mul3A_237 = arith.mulf %sub3A_234, %sub3A_234 : vector<16xf32>
      %mul3A_238 = arith.mulf %sub3A_235, %sub3A_235 : vector<16xf32>
      %add3A_239 = arith.addf %mul3A_237, %mul3A_238 : vector<16xf32>
      %mul3A_240 = arith.mulf %sub3A_236, %sub3A_236 : vector<16xf32>
      %add3A_241 = arith.addf %add3A_239, %mul3A_240 : vector<16xf32>
      %bitcast_convert_type3A_242 = tpu.bitcast %add3A_241 : vector<16xf32> -> vector<16xi32>
      %shift_right_arithmetic3A_243 = arith.constant 1 : i32
      %shift_right_arithmetic3A_244 = vector.broadcast %shift_right_arithmetic3A_243 : i32 to vector<16xi32>
      %shift_right_arithmetic3A_245 = arith.shrsi %bitcast_convert_type3A_242, %shift_right_arithmetic3A_244 : vector<16xi32>
      %sub3A_246 = arith.constant 1597463007 : i32
      %sub3A_247 = vector.broadcast %sub3A_246 : i32 to vector<16xi32>
      %sub3A_248 = arith.subi %sub3A_247, %shift_right_arithmetic3A_245 : vector<16xi32>
      %bitcast_convert_type3A_249 = tpu.bitcast %sub3A_248 : vector<16xi32> -> vector<16xf32>
      %mul3A_250 = vector.broadcast %scan3A_50 : f32 to vector<16xf32>
      %mul3A_251 = arith.mulf %mul3A_250, %add3A_241 : vector<16xf32>
      %mul3A_252 = arith.mulf %mul3A_251, %bitcast_convert_type3A_249 : vector<16xf32>
      %mul3A_253 = arith.mulf %mul3A_252, %bitcast_convert_type3A_249 : vector<16xf32>
      %sub3A_254 = vector.broadcast %scan3A_51 : f32 to vector<16xf32>
      %sub3A_255 = arith.subf %sub3A_254, %mul3A_253 : vector<16xf32>
      %mul3A_256 = arith.mulf %bitcast_convert_type3A_249, %sub3A_255 : vector<16xf32>
      %mul3A_257 = arith.mulf %mul3A_251, %mul3A_256 : vector<16xf32>
      %mul3A_258 = arith.mulf %mul3A_257, %mul3A_256 : vector<16xf32>
      %sub3A_259 = vector.broadcast %scan3A_51 : f32 to vector<16xf32>
      %sub3A_260 = arith.subf %sub3A_259, %mul3A_258 : vector<16xf32>
      %mul3A_261 = arith.mulf %mul3A_256, %sub3A_260 : vector<16xf32>
      %mul3A_262 = arith.mulf %broadcast_in_dim3A_177, %get3A_233 : vector<16xf32>
      %mul3A_263 = arith.mulf %mul3A_262, %mul3A_261 : vector<16xf32>
      %add3A_264 = arith.addf %add3A_221, %mul3A_263 : vector<16xf32>
      %get3A_265 = arith.constant 176 : index
      %get3A_266 = tpu.vector_load %arg7[%get3A_265] {strides = array<i32>} : memref<272xf32, #tpu.memory_space<vmem>>, vector<16xf32>,
      %get3A_267 = vector.shape_cast %get3A_266 : vector<16xf32> to vector<16xf32>
      %get3A_268 = arith.constant 176 : index
      %get3A_269 = tpu.vector_load %arg8[%get3A_268] {strides = array<i32>} : memref<272xf32, #tpu.memory_space<vmem>>, vector<16xf32>,
      %get3A_270 = vector.shape_cast %get3A_269 : vector<16xf32> to vector<16xf32>
      %get3A_271 = arith.constant 176 : index
      %get3A_272 = tpu.vector_load %arg9[%get3A_271] {strides = array<i32>} : memref<272xf32, #tpu.memory_space<vmem>>, vector<16xf32>,
      %get3A_273 = vector.shape_cast %get3A_272 : vector<16xf32> to vector<16xf32>
      %get3A_274 = arith.constant 176 : index
      %get3A_275 = tpu.vector_load %arg10[%get3A_274] {strides = array<i32>} : memref<272xf32, #tpu.memory_space<vmem>>, vector<16xf32>,
      %get3A_276 = vector.shape_cast %get3A_275 : vector<16xf32> to vector<16xf32>
      %sub3A_277 = arith.subf %add3A_155, %get3A_267 : vector<16xf32>
      %sub3A_278 = arith.subf %add3A_163, %get3A_270 : vector<16xf32>
      %sub3A_279 = arith.subf %add3A_171, %get3A_273 : vector<16xf32>
      %mul3A_280 = arith.mulf %sub3A_277, %sub3A_277 : vector<16xf32>
      %mul3A_281 = arith.mulf %sub3A_278, %sub3A_278 : vector<16xf32>
      %add3A_282 = arith.addf %mul3A_280, %mul3A_281 : vector<16xf32>
      %mul3A_283 = arith.mulf %sub3A_279, %sub3A_279 : vector<16xf32>
      %add3A_284 = arith.addf %add3A_282, %mul3A_283 : vector<16xf32>
      %bitcast_convert_type3A_285 = tpu.bitcast %add3A_284 : vector<16xf32> -> vector<16xi32>
      %shift_right_arithmetic3A_286 = arith.constant 1 : i32
      %shift_right_arithmetic3A_287 = vector.broadcast %shift_right_arithmetic3A_286 : i32 to vector<16xi32>
      %shift_right_arithmetic3A_288 = arith.shrsi %bitcast_convert_type3A_285, %shift_right_arithmetic3A_287 : vector<16xi32>
      %sub3A_289 = arith.constant 1597463007 : i32
      %sub3A_290 = vector.broadcast %sub3A_289 : i32 to vector<16xi32>
      %sub3A_291 = arith.subi %sub3A_290, %shift_right_arithmetic3A_288 : vector<16xi32>
      %bitcast_convert_type3A_292 = tpu.bitcast %sub3A_291 : vector<16xi32> -> vector<16xf32>
      %mul3A_293 = vector.broadcast %scan3A_50 : f32 to vector<16xf32>
      %mul3A_294 = arith.mulf %mul3A_293, %add3A_284 : vector<16xf32>
      %mul3A_295 = arith.mulf %mul3A_294, %bitcast_convert_type3A_292 : vector<16xf32>
      %mul3A_296 = arith.mulf %mul3A_295, %bitcast_convert_type3A_292 : vector<16xf32>
      %sub3A_297 = vector.broadcast %scan3A_51 : f32 to vector<16xf32>
      %sub3A_298 = arith.subf %sub3A_297, %mul3A_296 : vector<16xf32>
      %mul3A_299 = arith.mulf %bitcast_convert_type3A_292, %sub3A_298 : vector<16xf32>
      %mul3A_300 = arith.mulf %mul3A_294, %mul3A_299 : vector<16xf32>
      %mul3A_301 = arith.mulf %mul3A_300, %mul3A_299 : vector<16xf32>
      %sub3A_302 = vector.broadcast %scan3A_51 : f32 to vector<16xf32>
      %sub3A_303 = arith.subf %sub3A_302, %mul3A_301 : vector<16xf32>
      %mul3A_304 = arith.mulf %mul3A_299, %sub3A_303 : vector<16xf32>
      %mul3A_305 = arith.mulf %broadcast_in_dim3A_177, %get3A_276 : vector<16xf32>
      %mul3A_306 = arith.mulf %mul3A_305, %mul3A_304 : vector<16xf32>
      %add3A_307 = arith.addf %add3A_264, %mul3A_306 : vector<16xf32>
      %get3A_308 = arith.constant 192 : index
      %get3A_309 = tpu.vector_load %arg7[%get3A_308] {strides = array<i32>} : memref<272xf32, #tpu.memory_space<vmem>>, vector<16xf32>,
      %get3A_310 = vector.shape_cast %get3A_309 : vector<16xf32> to vector<16xf32>
      %get3A_311 = arith.constant 192 : index
      %get3A_312 = tpu.vector_load %arg8[%get3A_311] {strides = array<i32>} : memref<272xf32, #tpu.memory_space<vmem>>, vector<16xf32>,
      %get3A_313 = vector.shape_cast %get3A_312 : vector<16xf32> to vector<16xf32>
      %get3A_314 = arith.constant 192 : index
      %get3A_315 = tpu.vector_load %arg9[%get3A_314] {strides = array<i32>} : memref<272xf32, #tpu.memory_space<vmem>>, vector<16xf32>,
      %get3A_316 = vector.shape_cast %get3A_315 : vector<16xf32> to vector<16xf32>
      %get3A_317 = arith.constant 192 : index
      %get3A_318 = tpu.vector_load %arg10[%get3A_317] {strides = array<i32>} : memref<272xf32, #tpu.memory_space<vmem>>, vector<16xf32>,
      %get3A_319 = vector.shape_cast %get3A_318 : vector<16xf32> to vector<16xf32>
      %sub3A_320 = arith.subf %add3A_155, %get3A_310 : vector<16xf32>
      %sub3A_321 = arith.subf %add3A_163, %get3A_313 : vector<16xf32>
      %sub3A_322 = arith.subf %add3A_171, %get3A_316 : vector<16xf32>
      %mul3A_323 = arith.mulf %sub3A_320, %sub3A_320 : vector<16xf32>
      %mul3A_324 = arith.mulf %sub3A_321, %sub3A_321 : vector<16xf32>
      %add3A_325 = arith.addf %mul3A_323, %mul3A_324 : vector<16xf32>
      %mul3A_326 = arith.mulf %sub3A_322, %sub3A_322 : vector<16xf32>
      %add3A_327 = arith.addf %add3A_325, %mul3A_326 : vector<16xf32>
      %bitcast_convert_type3A_328 = tpu.bitcast %add3A_327 : vector<16xf32> -> vector<16xi32>
      %shift_right_arithmetic3A_329 = arith.constant 1 : i32
      %shift_right_arithmetic3A_330 = vector.broadcast %shift_right_arithmetic3A_329 : i32 to vector<16xi32>
      %shift_right_arithmetic3A_331 = arith.shrsi %bitcast_convert_type3A_328, %shift_right_arithmetic3A_330 : vector<16xi32>
      %sub3A_332 = arith.constant 1597463007 : i32
      %sub3A_333 = vector.broadcast %sub3A_332 : i32 to vector<16xi32>
      %sub3A_334 = arith.subi %sub3A_333, %shift_right_arithmetic3A_331 : vector<16xi32>
      %bitcast_convert_type3A_335 = tpu.bitcast %sub3A_334 : vector<16xi32> -> vector<16xf32>
      %mul3A_336 = vector.broadcast %scan3A_50 : f32 to vector<16xf32>
      %mul3A_337 = arith.mulf %mul3A_336, %add3A_327 : vector<16xf32>
      %mul3A_338 = arith.mulf %mul3A_337, %bitcast_convert_type3A_335 : vector<16xf32>
      %mul3A_339 = arith.mulf %mul3A_338, %bitcast_convert_type3A_335 : vector<16xf32>
      %sub3A_340 = vector.broadcast %scan3A_51 : f32 to vector<16xf32>
      %sub3A_341 = arith.subf %sub3A_340, %mul3A_339 : vector<16xf32>
      %mul3A_342 = arith.mulf %bitcast_convert_type3A_335, %sub3A_341 : vector<16xf32>
      %mul3A_343 = arith.mulf %mul3A_337, %mul3A_342 : vector<16xf32>
      %mul3A_344 = arith.mulf %mul3A_343, %mul3A_342 : vector<16xf32>
      %sub3A_345 = vector.broadcast %scan3A_51 : f32 to vector<16xf32>
      %sub3A_346 = arith.subf %sub3A_345, %mul3A_344 : vector<16xf32>
      %mul3A_347 = arith.mulf %mul3A_342, %sub3A_346 : vector<16xf32>
      %mul3A_348 = arith.mulf %broadcast_in_dim3A_177, %get3A_319 : vector<16xf32>
      %mul3A_349 = arith.mulf %mul3A_348, %mul3A_347 : vector<16xf32>
      %add3A_350 = arith.addf %add3A_307, %mul3A_349 : vector<16xf32>
      %get3A_351 = arith.constant 208 : index
      %get3A_352 = tpu.vector_load %arg7[%get3A_351] {strides = array<i32>} : memref<272xf32, #tpu.memory_space<vmem>>, vector<16xf32>,
      %get3A_353 = vector.shape_cast %get3A_352 : vector<16xf32> to vector<16xf32>
      %get3A_354 = arith.constant 208 : index
      %get3A_355 = tpu.vector_load %arg8[%get3A_354] {strides = array<i32>} : memref<272xf32, #tpu.memory_space<vmem>>, vector<16xf32>,
      %get3A_356 = vector.shape_cast %get3A_355 : vector<16xf32> to vector<16xf32>
      %get3A_357 = arith.constant 208 : index
      %get3A_358 = tpu.vector_load %arg9[%get3A_357] {strides = array<i32>} : memref<272xf32, #tpu.memory_space<vmem>>, vector<16xf32>,
      %get3A_359 = vector.shape_cast %get3A_358 : vector<16xf32> to vector<16xf32>
      %get3A_360 = arith.constant 208 : index
      %get3A_361 = tpu.vector_load %arg10[%get3A_360] {strides = array<i32>} : memref<272xf32, #tpu.memory_space<vmem>>, vector<16xf32>,
      %get3A_362 = vector.shape_cast %get3A_361 : vector<16xf32> to vector<16xf32>
      %sub3A_363 = arith.subf %add3A_155, %get3A_353 : vector<16xf32>
      %sub3A_364 = arith.subf %add3A_163, %get3A_356 : vector<16xf32>
      %sub3A_365 = arith.subf %add3A_171, %get3A_359 : vector<16xf32>
      %mul3A_366 = arith.mulf %sub3A_363, %sub3A_363 : vector<16xf32>
      %mul3A_367 = arith.mulf %sub3A_364, %sub3A_364 : vector<16xf32>
      %add3A_368 = arith.addf %mul3A_366, %mul3A_367 : vector<16xf32>
      %mul3A_369 = arith.mulf %sub3A_365, %sub3A_365 : vector<16xf32>
      %add3A_370 = arith.addf %add3A_368, %mul3A_369 : vector<16xf32>
      %bitcast_convert_type3A_371 = tpu.bitcast %add3A_370 : vector<16xf32> -> vector<16xi32>
      %shift_right_arithmetic3A_372 = arith.constant 1 : i32
      %shift_right_arithmetic3A_373 = vector.broadcast %shift_right_arithmetic3A_372 : i32 to vector<16xi32>
      %shift_right_arithmetic3A_374 = arith.shrsi %bitcast_convert_type3A_371, %shift_right_arithmetic3A_373 : vector<16xi32>
      %sub3A_375 = arith.constant 1597463007 : i32
      %sub3A_376 = vector.broadcast %sub3A_375 : i32 to vector<16xi32>
      %sub3A_377 = arith.subi %sub3A_376, %shift_right_arithmetic3A_374 : vector<16xi32>
      %bitcast_convert_type3A_378 = tpu.bitcast %sub3A_377 : vector<16xi32> -> vector<16xf32>
      %mul3A_379 = vector.broadcast %scan3A_50 : f32 to vector<16xf32>
      %mul3A_380 = arith.mulf %mul3A_379, %add3A_370 : vector<16xf32>
      %mul3A_381 = arith.mulf %mul3A_380, %bitcast_convert_type3A_378 : vector<16xf32>
      %mul3A_382 = arith.mulf %mul3A_381, %bitcast_convert_type3A_378 : vector<16xf32>
      %sub3A_383 = vector.broadcast %scan3A_51 : f32 to vector<16xf32>
      %sub3A_384 = arith.subf %sub3A_383, %mul3A_382 : vector<16xf32>
      %mul3A_385 = arith.mulf %bitcast_convert_type3A_378, %sub3A_384 : vector<16xf32>
      %mul3A_386 = arith.mulf %mul3A_380, %mul3A_385 : vector<16xf32>
      %mul3A_387 = arith.mulf %mul3A_386, %mul3A_385 : vector<16xf32>
      %sub3A_388 = vector.broadcast %scan3A_51 : f32 to vector<16xf32>
      %sub3A_389 = arith.subf %sub3A_388, %mul3A_387 : vector<16xf32>
      %mul3A_390 = arith.mulf %mul3A_385, %sub3A_389 : vector<16xf32>
      %mul3A_391 = arith.mulf %broadcast_in_dim3A_177, %get3A_362 : vector<16xf32>
      %mul3A_392 = arith.mulf %mul3A_391, %mul3A_390 : vector<16xf32>
      %add3A_393 = arith.addf %add3A_350, %mul3A_392 : vector<16xf32>
      %get3A_394 = arith.constant 224 : index
      %get3A_395 = tpu.vector_load %arg7[%get3A_394] {strides = array<i32>} : memref<272xf32, #tpu.memory_space<vmem>>, vector<16xf32>,
      %get3A_396 = vector.shape_cast %get3A_395 : vector<16xf32> to vector<16xf32>
      %get3A_397 = arith.constant 224 : index
      %get3A_398 = tpu.vector_load %arg8[%get3A_397] {strides = array<i32>} : memref<272xf32, #tpu.memory_space<vmem>>, vector<16xf32>,
      %get3A_399 = vector.shape_cast %get3A_398 : vector<16xf32> to vector<16xf32>
      %get3A_400 = arith.constant 224 : index
      %get3A_401 = tpu.vector_load %arg9[%get3A_400] {strides = array<i32>} : memref<272xf32, #tpu.memory_space<vmem>>, vector<16xf32>,
      %get3A_402 = vector.shape_cast %get3A_401 : vector<16xf32> to vector<16xf32>
      %get3A_403 = arith.constant 224 : index
      %get3A_404 = tpu.vector_load %arg10[%get3A_403] {strides = array<i32>} : memref<272xf32, #tpu.memory_space<vmem>>, vector<16xf32>,
      %get3A_405 = vector.shape_cast %get3A_404 : vector<16xf32> to vector<16xf32>
      %sub3A_406 = arith.subf %add3A_155, %get3A_396 : vector<16xf32>
      %sub3A_407 = arith.subf %add3A_163, %get3A_399 : vector<16xf32>
      %sub3A_408 = arith.subf %add3A_171, %get3A_402 : vector<16xf32>
      %mul3A_409 = arith.mulf %sub3A_406, %sub3A_406 : vector<16xf32>
      %mul3A_410 = arith.mulf %sub3A_407, %sub3A_407 : vector<16xf32>
      %add3A_411 = arith.addf %mul3A_409, %mul3A_410 : vector<16xf32>
      %mul3A_412 = arith.mulf %sub3A_408, %sub3A_408 : vector<16xf32>
      %add3A_413 = arith.addf %add3A_411, %mul3A_412 : vector<16xf32>
      %bitcast_convert_type3A_414 = tpu.bitcast %add3A_413 : vector<16xf32> -> vector<16xi32>
      %shift_right_arithmetic3A_415 = arith.constant 1 : i32
      %shift_right_arithmetic3A_416 = vector.broadcast %shift_right_arithmetic3A_415 : i32 to vector<16xi32>
      %shift_right_arithmetic3A_417 = arith.shrsi %bitcast_convert_type3A_414, %shift_right_arithmetic3A_416 : vector<16xi32>
      %sub3A_418 = arith.constant 1597463007 : i32
      %sub3A_419 = vector.broadcast %sub3A_418 : i32 to vector<16xi32>
      %sub3A_420 = arith.subi %sub3A_419, %shift_right_arithmetic3A_417 : vector<16xi32>
      %bitcast_convert_type3A_421 = tpu.bitcast %sub3A_420 : vector<16xi32> -> vector<16xf32>
      %mul3A_422 = vector.broadcast %scan3A_50 : f32 to vector<16xf32>
      %mul3A_423 = arith.mulf %mul3A_422, %add3A_413 : vector<16xf32>
      %mul3A_424 = arith.mulf %mul3A_423, %bitcast_convert_type3A_421 : vector<16xf32>
      %mul3A_425 = arith.mulf %mul3A_424, %bitcast_convert_type3A_421 : vector<16xf32>
      %sub3A_426 = vector.broadcast %scan3A_51 : f32 to vector<16xf32>
      %sub3A_427 = arith.subf %sub3A_426, %mul3A_425 : vector<16xf32>
      %mul3A_428 = arith.mulf %bitcast_convert_type3A_421, %sub3A_427 : vector<16xf32>
      %mul3A_429 = arith.mulf %mul3A_423, %mul3A_428 : vector<16xf32>
      %mul3A_430 = arith.mulf %mul3A_429, %mul3A_428 : vector<16xf32>
      %sub3A_431 = vector.broadcast %scan3A_51 : f32 to vector<16xf32>
      %sub3A_432 = arith.subf %sub3A_431, %mul3A_430 : vector<16xf32>
      %mul3A_433 = arith.mulf %mul3A_428, %sub3A_432 : vector<16xf32>
      %mul3A_434 = arith.mulf %broadcast_in_dim3A_177, %get3A_405 : vector<16xf32>
      %mul3A_435 = arith.mulf %mul3A_434, %mul3A_433 : vector<16xf32>
      %add3A_436 = arith.addf %add3A_393, %mul3A_435 : vector<16xf32>
      %get3A_437 = arith.constant 240 : index
      %get3A_438 = tpu.vector_load %arg7[%get3A_437] {strides = array<i32>} : memref<272xf32, #tpu.memory_space<vmem>>, vector<16xf32>,
      %get3A_439 = vector.shape_cast %get3A_438 : vector<16xf32> to vector<16xf32>
      %get3A_440 = arith.constant 240 : index
      %get3A_441 = tpu.vector_load %arg8[%get3A_440] {strides = array<i32>} : memref<272xf32, #tpu.memory_space<vmem>>, vector<16xf32>,
      %get3A_442 = vector.shape_cast %get3A_441 : vector<16xf32> to vector<16xf32>
      %get3A_443 = arith.constant 240 : index
      %get3A_444 = tpu.vector_load %arg9[%get3A_443] {strides = array<i32>} : memref<272xf32, #tpu.memory_space<vmem>>, vector<16xf32>,
      %get3A_445 = vector.shape_cast %get3A_444 : vector<16xf32> to vector<16xf32>
      %get3A_446 = arith.constant 240 : index
      %get3A_447 = tpu.vector_load %arg10[%get3A_446] {strides = array<i32>} : memref<272xf32, #tpu.memory_space<vmem>>, vector<16xf32>,
      %get3A_448 = vector.shape_cast %get3A_447 : vector<16xf32> to vector<16xf32>
      %sub3A_449 = arith.subf %add3A_155, %get3A_439 : vector<16xf32>
      %sub3A_450 = arith.subf %add3A_163, %get3A_442 : vector<16xf32>
      %sub3A_451 = arith.subf %add3A_171, %get3A_445 : vector<16xf32>
      %mul3A_452 = arith.mulf %sub3A_449, %sub3A_449 : vector<16xf32>
      %mul3A_453 = arith.mulf %sub3A_450, %sub3A_450 : vector<16xf32>
      %add3A_454 = arith.addf %mul3A_452, %mul3A_453 : vector<16xf32>
      %mul3A_455 = arith.mulf %sub3A_451, %sub3A_451 : vector<16xf32>
      %add3A_456 = arith.addf %add3A_454, %mul3A_455 : vector<16xf32>
      %bitcast_convert_type3A_457 = tpu.bitcast %add3A_456 : vector<16xf32> -> vector<16xi32>
      %shift_right_arithmetic3A_458 = arith.constant 1 : i32
      %shift_right_arithmetic3A_459 = vector.broadcast %shift_right_arithmetic3A_458 : i32 to vector<16xi32>
      %shift_right_arithmetic3A_460 = arith.shrsi %bitcast_convert_type3A_457, %shift_right_arithmetic3A_459 : vector<16xi32>
      %sub3A_461 = arith.constant 1597463007 : i32
      %sub3A_462 = vector.broadcast %sub3A_461 : i32 to vector<16xi32>
      %sub3A_463 = arith.subi %sub3A_462, %shift_right_arithmetic3A_460 : vector<16xi32>
      %bitcast_convert_type3A_464 = tpu.bitcast %sub3A_463 : vector<16xi32> -> vector<16xf32>
      %mul3A_465 = vector.broadcast %scan3A_50 : f32 to vector<16xf32>
      %mul3A_466 = arith.mulf %mul3A_465, %add3A_456 : vector<16xf32>
      %mul3A_467 = arith.mulf %mul3A_466, %bitcast_convert_type3A_464 : vector<16xf32>
      %mul3A_468 = arith.mulf %mul3A_467, %bitcast_convert_type3A_464 : vector<16xf32>
      %sub3A_469 = vector.broadcast %scan3A_51 : f32 to vector<16xf32>
      %sub3A_470 = arith.subf %sub3A_469, %mul3A_468 : vector<16xf32>
      %mul3A_471 = arith.mulf %bitcast_convert_type3A_464, %sub3A_470 : vector<16xf32>
      %mul3A_472 = arith.mulf %mul3A_466, %mul3A_471 : vector<16xf32>
      %mul3A_473 = arith.mulf %mul3A_472, %mul3A_471 : vector<16xf32>
      %sub3A_474 = vector.broadcast %scan3A_51 : f32 to vector<16xf32>
      %sub3A_475 = arith.subf %sub3A_474, %mul3A_473 : vector<16xf32>
      %mul3A_476 = arith.mulf %mul3A_471, %sub3A_475 : vector<16xf32>
      %mul3A_477 = arith.mulf %broadcast_in_dim3A_177, %get3A_448 : vector<16xf32>
      %mul3A_478 = arith.mulf %mul3A_477, %mul3A_476 : vector<16xf32>
      %add3A_479 = arith.addf %add3A_436, %mul3A_478 : vector<16xf32>
      scf.yield %add3A_479 : vector<16xf32>
    }
    %scan3A_57 = arith.constant 16 : i32
    %scan3A_58 = arith.constant 9.99999997E-7 : f32
    %scan3A_59 = arith.constant 5.000000e-01 : f32
    %scan3A_60 = arith.constant 1.500000e+00 : f32
    %scan3A_61 = arith.constant 160 : i32
    %scan3A_62 = arith.constant 16 : i32
    %scan3A_63 = arith.addi %scan3A_61, %scan3A_62 : i32
    %scan3A_64 = arith.constant 1 : i32
    %scan3A_65 = scf.for %scan3A_148 = %scan3A_61 to %scan3A_63 step %scan3A_64 iter_args(%scan3A_149 = %scan3A_56) -> (vector<16xf32>)  : i32 {
      %broadcast_in_dim3A_150 = vector.broadcast %scan3A_148 : i32 to vector<16xi32>
      %get3A = arith.index_cast %scan3A_148 : i32 to index
      %get3A_151 = tpu.vector_load %arg7[%get3A] {strides = array<i32>} : memref<272xf32, #tpu.memory_space<vmem>>, vector<16xf32>,
      %get3A_152 = vector.shape_cast %get3A_151 : vector<16xf32> to vector<16xf32>
      %slice3A = vector.extract_strided_slice %get3A_152 {offsets = [0], sizes = [1], strides = [1]} : vector<16xf32> to vector<1xf32>
      %squeeze3A = vector.extract %slice3A[0] : f32 from vector<1xf32>
      %broadcast_in_dim3A_153 = vector.broadcast %squeeze3A : f32 to vector<16xf32>
      %add3A_154 = vector.broadcast %scan3A_58 : f32 to vector<16xf32>
      %add3A_155 = arith.addf %broadcast_in_dim3A_153, %add3A_154 : vector<16xf32>
      %get3A_156 = arith.index_cast %scan3A_148 : i32 to index
      %get3A_157 = tpu.vector_load %arg8[%get3A_156] {strides = array<i32>} : memref<272xf32, #tpu.memory_space<vmem>>, vector<16xf32>,
      %get3A_158 = vector.shape_cast %get3A_157 : vector<16xf32> to vector<16xf32>
      %slice3A_159 = vector.extract_strided_slice %get3A_158 {offsets = [0], sizes = [1], strides = [1]} : vector<16xf32> to vector<1xf32>
      %squeeze3A_160 = vector.extract %slice3A_159[0] : f32 from vector<1xf32>
      %broadcast_in_dim3A_161 = vector.broadcast %squeeze3A_160 : f32 to vector<16xf32>
      %add3A_162 = vector.broadcast %scan3A_58 : f32 to vector<16xf32>
      %add3A_163 = arith.addf %broadcast_in_dim3A_161, %add3A_162 : vector<16xf32>
      %get3A_164 = arith.index_cast %scan3A_148 : i32 to index
      %get3A_165 = tpu.vector_load %arg9[%get3A_164] {strides = array<i32>} : memref<272xf32, #tpu.memory_space<vmem>>, vector<16xf32>,
      %get3A_166 = vector.shape_cast %get3A_165 : vector<16xf32> to vector<16xf32>
      %slice3A_167 = vector.extract_strided_slice %get3A_166 {offsets = [0], sizes = [1], strides = [1]} : vector<16xf32> to vector<1xf32>
      %squeeze3A_168 = vector.extract %slice3A_167[0] : f32 from vector<1xf32>
      %broadcast_in_dim3A_169 = vector.broadcast %squeeze3A_168 : f32 to vector<16xf32>
      %add3A_170 = vector.broadcast %scan3A_58 : f32 to vector<16xf32>
      %add3A_171 = arith.addf %broadcast_in_dim3A_169, %add3A_170 : vector<16xf32>
      %get3A_172 = arith.index_cast %scan3A_148 : i32 to index
      %get3A_173 = tpu.vector_load %arg10[%get3A_172] {strides = array<i32>} : memref<272xf32, #tpu.memory_space<vmem>>, vector<16xf32>,
      %get3A_174 = vector.shape_cast %get3A_173 : vector<16xf32> to vector<16xf32>
      %slice3A_175 = vector.extract_strided_slice %get3A_174 {offsets = [0], sizes = [1], strides = [1]} : vector<16xf32> to vector<1xf32>
      %squeeze3A_176 = vector.extract %slice3A_175[0] : f32 from vector<1xf32>
      %broadcast_in_dim3A_177 = vector.broadcast %squeeze3A_176 : f32 to vector<16xf32>
      %get3A_178 = arith.constant 160 : index
      %get3A_179 = tpu.vector_load %arg7[%get3A_178] {strides = array<i32>} : memref<272xf32, #tpu.memory_space<vmem>>, vector<16xf32>,
      %get3A_180 = vector.shape_cast %get3A_179 : vector<16xf32> to vector<16xf32>
      %get3A_181 = arith.constant 160 : index
      %get3A_182 = tpu.vector_load %arg8[%get3A_181] {strides = array<i32>} : memref<272xf32, #tpu.memory_space<vmem>>, vector<16xf32>,
      %get3A_183 = vector.shape_cast %get3A_182 : vector<16xf32> to vector<16xf32>
      %get3A_184 = arith.constant 160 : index
      %get3A_185 = tpu.vector_load %arg9[%get3A_184] {strides = array<i32>} : memref<272xf32, #tpu.memory_space<vmem>>, vector<16xf32>,
      %get3A_186 = vector.shape_cast %get3A_185 : vector<16xf32> to vector<16xf32>
      %get3A_187 = arith.constant 160 : index
      %get3A_188 = tpu.vector_load %arg10[%get3A_187] {strides = array<i32>} : memref<272xf32, #tpu.memory_space<vmem>>, vector<16xf32>,
      %get3A_189 = vector.shape_cast %get3A_188 : vector<16xf32> to vector<16xf32>
      %sub3A = arith.subf %add3A_155, %get3A_180 : vector<16xf32>
      %sub3A_190 = arith.subf %add3A_163, %get3A_183 : vector<16xf32>
      %sub3A_191 = arith.subf %add3A_171, %get3A_186 : vector<16xf32>
      %mul3A_192 = arith.mulf %sub3A, %sub3A : vector<16xf32>
      %mul3A_193 = arith.mulf %sub3A_190, %sub3A_190 : vector<16xf32>
      %add3A_194 = arith.addf %mul3A_192, %mul3A_193 : vector<16xf32>
      %mul3A_195 = arith.mulf %sub3A_191, %sub3A_191 : vector<16xf32>
      %add3A_196 = arith.addf %add3A_194, %mul3A_195 : vector<16xf32>
      %bitcast_convert_type3A = tpu.bitcast %add3A_196 : vector<16xf32> -> vector<16xi32>
      %shift_right_arithmetic3A = arith.constant 1 : i32
      %shift_right_arithmetic3A_197 = vector.broadcast %shift_right_arithmetic3A : i32 to vector<16xi32>
      %shift_right_arithmetic3A_198 = arith.shrsi %bitcast_convert_type3A, %shift_right_arithmetic3A_197 : vector<16xi32>
      %sub3A_199 = arith.constant 1597463007 : i32
      %sub3A_200 = vector.broadcast %sub3A_199 : i32 to vector<16xi32>
      %sub3A_201 = arith.subi %sub3A_200, %shift_right_arithmetic3A_198 : vector<16xi32>
      %bitcast_convert_type3A_202 = tpu.bitcast %sub3A_201 : vector<16xi32> -> vector<16xf32>
      %mul3A_203 = vector.broadcast %scan3A_59 : f32 to vector<16xf32>
      %mul3A_204 = arith.mulf %mul3A_203, %add3A_196 : vector<16xf32>
      %mul3A_205 = arith.mulf %mul3A_204, %bitcast_convert_type3A_202 : vector<16xf32>
      %mul3A_206 = arith.mulf %mul3A_205, %bitcast_convert_type3A_202 : vector<16xf32>
      %sub3A_207 = vector.broadcast %scan3A_60 : f32 to vector<16xf32>
      %sub3A_208 = arith.subf %sub3A_207, %mul3A_206 : vector<16xf32>
      %mul3A_209 = arith.mulf %bitcast_convert_type3A_202, %sub3A_208 : vector<16xf32>
      %mul3A_210 = arith.mulf %mul3A_204, %mul3A_209 : vector<16xf32>
      %mul3A_211 = arith.mulf %mul3A_210, %mul3A_209 : vector<16xf32>
      %sub3A_212 = vector.broadcast %scan3A_60 : f32 to vector<16xf32>
      %sub3A_213 = arith.subf %sub3A_212, %mul3A_211 : vector<16xf32>
      %mul3A_214 = arith.mulf %mul3A_209, %sub3A_213 : vector<16xf32>
      %mul3A_215 = arith.mulf %broadcast_in_dim3A_177, %get3A_189 : vector<16xf32>
      %mul3A_216 = arith.mulf %mul3A_215, %mul3A_214 : vector<16xf32>
      %add3A_217 = arith.constant 160 : i32
      %add3A_218 = vector.broadcast %add3A_217 : i32 to vector<16xi32>
      %add3A_219 = arith.addi %iota3A, %add3A_218 : vector<16xi32>
      %gt3A = arith.cmpi sgt, %add3A_219, %broadcast_in_dim3A_150 : vector<16xi32>
      %jit3A = arith.constant 0.000000e+00 : f32
      %broadcast_in_dim3A_220 = vector.broadcast %jit3A : f32 to vector<16xf32>
      %select_n3A = arith.select %gt3A, %mul3A_216, %broadcast_in_dim3A_220 : vector<16xi1>, vector<16xf32>
      %add3A_221 = arith.addf %scan3A_149, %select_n3A : vector<16xf32>
      %get3A_222 = arith.constant 176 : index
      %get3A_223 = tpu.vector_load %arg7[%get3A_222] {strides = array<i32>} : memref<272xf32, #tpu.memory_space<vmem>>, vector<16xf32>,
      %get3A_224 = vector.shape_cast %get3A_223 : vector<16xf32> to vector<16xf32>
      %get3A_225 = arith.constant 176 : index
      %get3A_226 = tpu.vector_load %arg8[%get3A_225] {strides = array<i32>} : memref<272xf32, #tpu.memory_space<vmem>>, vector<16xf32>,
      %get3A_227 = vector.shape_cast %get3A_226 : vector<16xf32> to vector<16xf32>
      %get3A_228 = arith.constant 176 : index
      %get3A_229 = tpu.vector_load %arg9[%get3A_228] {strides = array<i32>} : memref<272xf32, #tpu.memory_space<vmem>>, vector<16xf32>,
      %get3A_230 = vector.shape_cast %get3A_229 : vector<16xf32> to vector<16xf32>
      %get3A_231 = arith.constant 176 : index
      %get3A_232 = tpu.vector_load %arg10[%get3A_231] {strides = array<i32>} : memref<272xf32, #tpu.memory_space<vmem>>, vector<16xf32>,
      %get3A_233 = vector.shape_cast %get3A_232 : vector<16xf32> to vector<16xf32>
      %sub3A_234 = arith.subf %add3A_155, %get3A_224 : vector<16xf32>
      %sub3A_235 = arith.subf %add3A_163, %get3A_227 : vector<16xf32>
      %sub3A_236 = arith.subf %add3A_171, %get3A_230 : vector<16xf32>
      %mul3A_237 = arith.mulf %sub3A_234, %sub3A_234 : vector<16xf32>
      %mul3A_238 = arith.mulf %sub3A_235, %sub3A_235 : vector<16xf32>
      %add3A_239 = arith.addf %mul3A_237, %mul3A_238 : vector<16xf32>
      %mul3A_240 = arith.mulf %sub3A_236, %sub3A_236 : vector<16xf32>
      %add3A_241 = arith.addf %add3A_239, %mul3A_240 : vector<16xf32>
      %bitcast_convert_type3A_242 = tpu.bitcast %add3A_241 : vector<16xf32> -> vector<16xi32>
      %shift_right_arithmetic3A_243 = arith.constant 1 : i32
      %shift_right_arithmetic3A_244 = vector.broadcast %shift_right_arithmetic3A_243 : i32 to vector<16xi32>
      %shift_right_arithmetic3A_245 = arith.shrsi %bitcast_convert_type3A_242, %shift_right_arithmetic3A_244 : vector<16xi32>
      %sub3A_246 = arith.constant 1597463007 : i32
      %sub3A_247 = vector.broadcast %sub3A_246 : i32 to vector<16xi32>
      %sub3A_248 = arith.subi %sub3A_247, %shift_right_arithmetic3A_245 : vector<16xi32>
      %bitcast_convert_type3A_249 = tpu.bitcast %sub3A_248 : vector<16xi32> -> vector<16xf32>
      %mul3A_250 = vector.broadcast %scan3A_59 : f32 to vector<16xf32>
      %mul3A_251 = arith.mulf %mul3A_250, %add3A_241 : vector<16xf32>
      %mul3A_252 = arith.mulf %mul3A_251, %bitcast_convert_type3A_249 : vector<16xf32>
      %mul3A_253 = arith.mulf %mul3A_252, %bitcast_convert_type3A_249 : vector<16xf32>
      %sub3A_254 = vector.broadcast %scan3A_60 : f32 to vector<16xf32>
      %sub3A_255 = arith.subf %sub3A_254, %mul3A_253 : vector<16xf32>
      %mul3A_256 = arith.mulf %bitcast_convert_type3A_249, %sub3A_255 : vector<16xf32>
      %mul3A_257 = arith.mulf %mul3A_251, %mul3A_256 : vector<16xf32>
      %mul3A_258 = arith.mulf %mul3A_257, %mul3A_256 : vector<16xf32>
      %sub3A_259 = vector.broadcast %scan3A_60 : f32 to vector<16xf32>
      %sub3A_260 = arith.subf %sub3A_259, %mul3A_258 : vector<16xf32>
      %mul3A_261 = arith.mulf %mul3A_256, %sub3A_260 : vector<16xf32>
      %mul3A_262 = arith.mulf %broadcast_in_dim3A_177, %get3A_233 : vector<16xf32>
      %mul3A_263 = arith.mulf %mul3A_262, %mul3A_261 : vector<16xf32>
      %add3A_264 = arith.addf %add3A_221, %mul3A_263 : vector<16xf32>
      %get3A_265 = arith.constant 192 : index
      %get3A_266 = tpu.vector_load %arg7[%get3A_265] {strides = array<i32>} : memref<272xf32, #tpu.memory_space<vmem>>, vector<16xf32>,
      %get3A_267 = vector.shape_cast %get3A_266 : vector<16xf32> to vector<16xf32>
      %get3A_268 = arith.constant 192 : index
      %get3A_269 = tpu.vector_load %arg8[%get3A_268] {strides = array<i32>} : memref<272xf32, #tpu.memory_space<vmem>>, vector<16xf32>,
      %get3A_270 = vector.shape_cast %get3A_269 : vector<16xf32> to vector<16xf32>
      %get3A_271 = arith.constant 192 : index
      %get3A_272 = tpu.vector_load %arg9[%get3A_271] {strides = array<i32>} : memref<272xf32, #tpu.memory_space<vmem>>, vector<16xf32>,
      %get3A_273 = vector.shape_cast %get3A_272 : vector<16xf32> to vector<16xf32>
      %get3A_274 = arith.constant 192 : index
      %get3A_275 = tpu.vector_load %arg10[%get3A_274] {strides = array<i32>} : memref<272xf32, #tpu.memory_space<vmem>>, vector<16xf32>,
      %get3A_276 = vector.shape_cast %get3A_275 : vector<16xf32> to vector<16xf32>
      %sub3A_277 = arith.subf %add3A_155, %get3A_267 : vector<16xf32>
      %sub3A_278 = arith.subf %add3A_163, %get3A_270 : vector<16xf32>
      %sub3A_279 = arith.subf %add3A_171, %get3A_273 : vector<16xf32>
      %mul3A_280 = arith.mulf %sub3A_277, %sub3A_277 : vector<16xf32>
      %mul3A_281 = arith.mulf %sub3A_278, %sub3A_278 : vector<16xf32>
      %add3A_282 = arith.addf %mul3A_280, %mul3A_281 : vector<16xf32>
      %mul3A_283 = arith.mulf %sub3A_279, %sub3A_279 : vector<16xf32>
      %add3A_284 = arith.addf %add3A_282, %mul3A_283 : vector<16xf32>
      %bitcast_convert_type3A_285 = tpu.bitcast %add3A_284 : vector<16xf32> -> vector<16xi32>
      %shift_right_arithmetic3A_286 = arith.constant 1 : i32
      %shift_right_arithmetic3A_287 = vector.broadcast %shift_right_arithmetic3A_286 : i32 to vector<16xi32>
      %shift_right_arithmetic3A_288 = arith.shrsi %bitcast_convert_type3A_285, %shift_right_arithmetic3A_287 : vector<16xi32>
      %sub3A_289 = arith.constant 1597463007 : i32
      %sub3A_290 = vector.broadcast %sub3A_289 : i32 to vector<16xi32>
      %sub3A_291 = arith.subi %sub3A_290, %shift_right_arithmetic3A_288 : vector<16xi32>
      %bitcast_convert_type3A_292 = tpu.bitcast %sub3A_291 : vector<16xi32> -> vector<16xf32>
      %mul3A_293 = vector.broadcast %scan3A_59 : f32 to vector<16xf32>
      %mul3A_294 = arith.mulf %mul3A_293, %add3A_284 : vector<16xf32>
      %mul3A_295 = arith.mulf %mul3A_294, %bitcast_convert_type3A_292 : vector<16xf32>
      %mul3A_296 = arith.mulf %mul3A_295, %bitcast_convert_type3A_292 : vector<16xf32>
      %sub3A_297 = vector.broadcast %scan3A_60 : f32 to vector<16xf32>
      %sub3A_298 = arith.subf %sub3A_297, %mul3A_296 : vector<16xf32>
      %mul3A_299 = arith.mulf %bitcast_convert_type3A_292, %sub3A_298 : vector<16xf32>
      %mul3A_300 = arith.mulf %mul3A_294, %mul3A_299 : vector<16xf32>
      %mul3A_301 = arith.mulf %mul3A_300, %mul3A_299 : vector<16xf32>
      %sub3A_302 = vector.broadcast %scan3A_60 : f32 to vector<16xf32>
      %sub3A_303 = arith.subf %sub3A_302, %mul3A_301 : vector<16xf32>
      %mul3A_304 = arith.mulf %mul3A_299, %sub3A_303 : vector<16xf32>
      %mul3A_305 = arith.mulf %broadcast_in_dim3A_177, %get3A_276 : vector<16xf32>
      %mul3A_306 = arith.mulf %mul3A_305, %mul3A_304 : vector<16xf32>
      %add3A_307 = arith.addf %add3A_264, %mul3A_306 : vector<16xf32>
      %get3A_308 = arith.constant 208 : index
      %get3A_309 = tpu.vector_load %arg7[%get3A_308] {strides = array<i32>} : memref<272xf32, #tpu.memory_space<vmem>>, vector<16xf32>,
      %get3A_310 = vector.shape_cast %get3A_309 : vector<16xf32> to vector<16xf32>
      %get3A_311 = arith.constant 208 : index
      %get3A_312 = tpu.vector_load %arg8[%get3A_311] {strides = array<i32>} : memref<272xf32, #tpu.memory_space<vmem>>, vector<16xf32>,
      %get3A_313 = vector.shape_cast %get3A_312 : vector<16xf32> to vector<16xf32>
      %get3A_314 = arith.constant 208 : index
      %get3A_315 = tpu.vector_load %arg9[%get3A_314] {strides = array<i32>} : memref<272xf32, #tpu.memory_space<vmem>>, vector<16xf32>,
      %get3A_316 = vector.shape_cast %get3A_315 : vector<16xf32> to vector<16xf32>
      %get3A_317 = arith.constant 208 : index
      %get3A_318 = tpu.vector_load %arg10[%get3A_317] {strides = array<i32>} : memref<272xf32, #tpu.memory_space<vmem>>, vector<16xf32>,
      %get3A_319 = vector.shape_cast %get3A_318 : vector<16xf32> to vector<16xf32>
      %sub3A_320 = arith.subf %add3A_155, %get3A_310 : vector<16xf32>
      %sub3A_321 = arith.subf %add3A_163, %get3A_313 : vector<16xf32>
      %sub3A_322 = arith.subf %add3A_171, %get3A_316 : vector<16xf32>
      %mul3A_323 = arith.mulf %sub3A_320, %sub3A_320 : vector<16xf32>
      %mul3A_324 = arith.mulf %sub3A_321, %sub3A_321 : vector<16xf32>
      %add3A_325 = arith.addf %mul3A_323, %mul3A_324 : vector<16xf32>
      %mul3A_326 = arith.mulf %sub3A_322, %sub3A_322 : vector<16xf32>
      %add3A_327 = arith.addf %add3A_325, %mul3A_326 : vector<16xf32>
      %bitcast_convert_type3A_328 = tpu.bitcast %add3A_327 : vector<16xf32> -> vector<16xi32>
      %shift_right_arithmetic3A_329 = arith.constant 1 : i32
      %shift_right_arithmetic3A_330 = vector.broadcast %shift_right_arithmetic3A_329 : i32 to vector<16xi32>
      %shift_right_arithmetic3A_331 = arith.shrsi %bitcast_convert_type3A_328, %shift_right_arithmetic3A_330 : vector<16xi32>
      %sub3A_332 = arith.constant 1597463007 : i32
      %sub3A_333 = vector.broadcast %sub3A_332 : i32 to vector<16xi32>
      %sub3A_334 = arith.subi %sub3A_333, %shift_right_arithmetic3A_331 : vector<16xi32>
      %bitcast_convert_type3A_335 = tpu.bitcast %sub3A_334 : vector<16xi32> -> vector<16xf32>
      %mul3A_336 = vector.broadcast %scan3A_59 : f32 to vector<16xf32>
      %mul3A_337 = arith.mulf %mul3A_336, %add3A_327 : vector<16xf32>
      %mul3A_338 = arith.mulf %mul3A_337, %bitcast_convert_type3A_335 : vector<16xf32>
      %mul3A_339 = arith.mulf %mul3A_338, %bitcast_convert_type3A_335 : vector<16xf32>
      %sub3A_340 = vector.broadcast %scan3A_60 : f32 to vector<16xf32>
      %sub3A_341 = arith.subf %sub3A_340, %mul3A_339 : vector<16xf32>
      %mul3A_342 = arith.mulf %bitcast_convert_type3A_335, %sub3A_341 : vector<16xf32>
      %mul3A_343 = arith.mulf %mul3A_337, %mul3A_342 : vector<16xf32>
      %mul3A_344 = arith.mulf %mul3A_343, %mul3A_342 : vector<16xf32>
      %sub3A_345 = vector.broadcast %scan3A_60 : f32 to vector<16xf32>
      %sub3A_346 = arith.subf %sub3A_345, %mul3A_344 : vector<16xf32>
      %mul3A_347 = arith.mulf %mul3A_342, %sub3A_346 : vector<16xf32>
      %mul3A_348 = arith.mulf %broadcast_in_dim3A_177, %get3A_319 : vector<16xf32>
      %mul3A_349 = arith.mulf %mul3A_348, %mul3A_347 : vector<16xf32>
      %add3A_350 = arith.addf %add3A_307, %mul3A_349 : vector<16xf32>
      %get3A_351 = arith.constant 224 : index
      %get3A_352 = tpu.vector_load %arg7[%get3A_351] {strides = array<i32>} : memref<272xf32, #tpu.memory_space<vmem>>, vector<16xf32>,
      %get3A_353 = vector.shape_cast %get3A_352 : vector<16xf32> to vector<16xf32>
      %get3A_354 = arith.constant 224 : index
      %get3A_355 = tpu.vector_load %arg8[%get3A_354] {strides = array<i32>} : memref<272xf32, #tpu.memory_space<vmem>>, vector<16xf32>,
      %get3A_356 = vector.shape_cast %get3A_355 : vector<16xf32> to vector<16xf32>
      %get3A_357 = arith.constant 224 : index
      %get3A_358 = tpu.vector_load %arg9[%get3A_357] {strides = array<i32>} : memref<272xf32, #tpu.memory_space<vmem>>, vector<16xf32>,
      %get3A_359 = vector.shape_cast %get3A_358 : vector<16xf32> to vector<16xf32>
      %get3A_360 = arith.constant 224 : index
      %get3A_361 = tpu.vector_load %arg10[%get3A_360] {strides = array<i32>} : memref<272xf32, #tpu.memory_space<vmem>>, vector<16xf32>,
      %get3A_362 = vector.shape_cast %get3A_361 : vector<16xf32> to vector<16xf32>
      %sub3A_363 = arith.subf %add3A_155, %get3A_353 : vector<16xf32>
      %sub3A_364 = arith.subf %add3A_163, %get3A_356 : vector<16xf32>
      %sub3A_365 = arith.subf %add3A_171, %get3A_359 : vector<16xf32>
      %mul3A_366 = arith.mulf %sub3A_363, %sub3A_363 : vector<16xf32>
      %mul3A_367 = arith.mulf %sub3A_364, %sub3A_364 : vector<16xf32>
      %add3A_368 = arith.addf %mul3A_366, %mul3A_367 : vector<16xf32>
      %mul3A_369 = arith.mulf %sub3A_365, %sub3A_365 : vector<16xf32>
      %add3A_370 = arith.addf %add3A_368, %mul3A_369 : vector<16xf32>
      %bitcast_convert_type3A_371 = tpu.bitcast %add3A_370 : vector<16xf32> -> vector<16xi32>
      %shift_right_arithmetic3A_372 = arith.constant 1 : i32
      %shift_right_arithmetic3A_373 = vector.broadcast %shift_right_arithmetic3A_372 : i32 to vector<16xi32>
      %shift_right_arithmetic3A_374 = arith.shrsi %bitcast_convert_type3A_371, %shift_right_arithmetic3A_373 : vector<16xi32>
      %sub3A_375 = arith.constant 1597463007 : i32
      %sub3A_376 = vector.broadcast %sub3A_375 : i32 to vector<16xi32>
      %sub3A_377 = arith.subi %sub3A_376, %shift_right_arithmetic3A_374 : vector<16xi32>
      %bitcast_convert_type3A_378 = tpu.bitcast %sub3A_377 : vector<16xi32> -> vector<16xf32>
      %mul3A_379 = vector.broadcast %scan3A_59 : f32 to vector<16xf32>
      %mul3A_380 = arith.mulf %mul3A_379, %add3A_370 : vector<16xf32>
      %mul3A_381 = arith.mulf %mul3A_380, %bitcast_convert_type3A_378 : vector<16xf32>
      %mul3A_382 = arith.mulf %mul3A_381, %bitcast_convert_type3A_378 : vector<16xf32>
      %sub3A_383 = vector.broadcast %scan3A_60 : f32 to vector<16xf32>
      %sub3A_384 = arith.subf %sub3A_383, %mul3A_382 : vector<16xf32>
      %mul3A_385 = arith.mulf %bitcast_convert_type3A_378, %sub3A_384 : vector<16xf32>
      %mul3A_386 = arith.mulf %mul3A_380, %mul3A_385 : vector<16xf32>
      %mul3A_387 = arith.mulf %mul3A_386, %mul3A_385 : vector<16xf32>
      %sub3A_388 = vector.broadcast %scan3A_60 : f32 to vector<16xf32>
      %sub3A_389 = arith.subf %sub3A_388, %mul3A_387 : vector<16xf32>
      %mul3A_390 = arith.mulf %mul3A_385, %sub3A_389 : vector<16xf32>
      %mul3A_391 = arith.mulf %broadcast_in_dim3A_177, %get3A_362 : vector<16xf32>
      %mul3A_392 = arith.mulf %mul3A_391, %mul3A_390 : vector<16xf32>
      %add3A_393 = arith.addf %add3A_350, %mul3A_392 : vector<16xf32>
      %get3A_394 = arith.constant 240 : index
      %get3A_395 = tpu.vector_load %arg7[%get3A_394] {strides = array<i32>} : memref<272xf32, #tpu.memory_space<vmem>>, vector<16xf32>,
      %get3A_396 = vector.shape_cast %get3A_395 : vector<16xf32> to vector<16xf32>
      %get3A_397 = arith.constant 240 : index
      %get3A_398 = tpu.vector_load %arg8[%get3A_397] {strides = array<i32>} : memref<272xf32, #tpu.memory_space<vmem>>, vector<16xf32>,
      %get3A_399 = vector.shape_cast %get3A_398 : vector<16xf32> to vector<16xf32>
      %get3A_400 = arith.constant 240 : index
      %get3A_401 = tpu.vector_load %arg9[%get3A_400] {strides = array<i32>} : memref<272xf32, #tpu.memory_space<vmem>>, vector<16xf32>,
      %get3A_402 = vector.shape_cast %get3A_401 : vector<16xf32> to vector<16xf32>
      %get3A_403 = arith.constant 240 : index
      %get3A_404 = tpu.vector_load %arg10[%get3A_403] {strides = array<i32>} : memref<272xf32, #tpu.memory_space<vmem>>, vector<16xf32>,
      %get3A_405 = vector.shape_cast %get3A_404 : vector<16xf32> to vector<16xf32>
      %sub3A_406 = arith.subf %add3A_155, %get3A_396 : vector<16xf32>
      %sub3A_407 = arith.subf %add3A_163, %get3A_399 : vector<16xf32>
      %sub3A_408 = arith.subf %add3A_171, %get3A_402 : vector<16xf32>
      %mul3A_409 = arith.mulf %sub3A_406, %sub3A_406 : vector<16xf32>
      %mul3A_410 = arith.mulf %sub3A_407, %sub3A_407 : vector<16xf32>
      %add3A_411 = arith.addf %mul3A_409, %mul3A_410 : vector<16xf32>
      %mul3A_412 = arith.mulf %sub3A_408, %sub3A_408 : vector<16xf32>
      %add3A_413 = arith.addf %add3A_411, %mul3A_412 : vector<16xf32>
      %bitcast_convert_type3A_414 = tpu.bitcast %add3A_413 : vector<16xf32> -> vector<16xi32>
      %shift_right_arithmetic3A_415 = arith.constant 1 : i32
      %shift_right_arithmetic3A_416 = vector.broadcast %shift_right_arithmetic3A_415 : i32 to vector<16xi32>
      %shift_right_arithmetic3A_417 = arith.shrsi %bitcast_convert_type3A_414, %shift_right_arithmetic3A_416 : vector<16xi32>
      %sub3A_418 = arith.constant 1597463007 : i32
      %sub3A_419 = vector.broadcast %sub3A_418 : i32 to vector<16xi32>
      %sub3A_420 = arith.subi %sub3A_419, %shift_right_arithmetic3A_417 : vector<16xi32>
      %bitcast_convert_type3A_421 = tpu.bitcast %sub3A_420 : vector<16xi32> -> vector<16xf32>
      %mul3A_422 = vector.broadcast %scan3A_59 : f32 to vector<16xf32>
      %mul3A_423 = arith.mulf %mul3A_422, %add3A_413 : vector<16xf32>
      %mul3A_424 = arith.mulf %mul3A_423, %bitcast_convert_type3A_421 : vector<16xf32>
      %mul3A_425 = arith.mulf %mul3A_424, %bitcast_convert_type3A_421 : vector<16xf32>
      %sub3A_426 = vector.broadcast %scan3A_60 : f32 to vector<16xf32>
      %sub3A_427 = arith.subf %sub3A_426, %mul3A_425 : vector<16xf32>
      %mul3A_428 = arith.mulf %bitcast_convert_type3A_421, %sub3A_427 : vector<16xf32>
      %mul3A_429 = arith.mulf %mul3A_423, %mul3A_428 : vector<16xf32>
      %mul3A_430 = arith.mulf %mul3A_429, %mul3A_428 : vector<16xf32>
      %sub3A_431 = vector.broadcast %scan3A_60 : f32 to vector<16xf32>
      %sub3A_432 = arith.subf %sub3A_431, %mul3A_430 : vector<16xf32>
      %mul3A_433 = arith.mulf %mul3A_428, %sub3A_432 : vector<16xf32>
      %mul3A_434 = arith.mulf %broadcast_in_dim3A_177, %get3A_405 : vector<16xf32>
      %mul3A_435 = arith.mulf %mul3A_434, %mul3A_433 : vector<16xf32>
      %add3A_436 = arith.addf %add3A_393, %mul3A_435 : vector<16xf32>
      scf.yield %add3A_436 : vector<16xf32>
    }
    %scan3A_66 = arith.constant 16 : i32
    %scan3A_67 = arith.constant 9.99999997E-7 : f32
    %scan3A_68 = arith.constant 5.000000e-01 : f32
    %scan3A_69 = arith.constant 1.500000e+00 : f32
    %scan3A_70 = arith.constant 176 : i32
    %scan3A_71 = arith.constant 16 : i32
    %scan3A_72 = arith.addi %scan3A_70, %scan3A_71 : i32
    %scan3A_73 = arith.constant 1 : i32
    %scan3A_74 = scf.for %scan3A_148 = %scan3A_70 to %scan3A_72 step %scan3A_73 iter_args(%scan3A_149 = %scan3A_65) -> (vector<16xf32>)  : i32 {
      %broadcast_in_dim3A_150 = vector.broadcast %scan3A_148 : i32 to vector<16xi32>
      %get3A = arith.index_cast %scan3A_148 : i32 to index
      %get3A_151 = tpu.vector_load %arg7[%get3A] {strides = array<i32>} : memref<272xf32, #tpu.memory_space<vmem>>, vector<16xf32>,
      %get3A_152 = vector.shape_cast %get3A_151 : vector<16xf32> to vector<16xf32>
      %slice3A = vector.extract_strided_slice %get3A_152 {offsets = [0], sizes = [1], strides = [1]} : vector<16xf32> to vector<1xf32>
      %squeeze3A = vector.extract %slice3A[0] : f32 from vector<1xf32>
      %broadcast_in_dim3A_153 = vector.broadcast %squeeze3A : f32 to vector<16xf32>
      %add3A_154 = vector.broadcast %scan3A_67 : f32 to vector<16xf32>
      %add3A_155 = arith.addf %broadcast_in_dim3A_153, %add3A_154 : vector<16xf32>
      %get3A_156 = arith.index_cast %scan3A_148 : i32 to index
      %get3A_157 = tpu.vector_load %arg8[%get3A_156] {strides = array<i32>} : memref<272xf32, #tpu.memory_space<vmem>>, vector<16xf32>,
      %get3A_158 = vector.shape_cast %get3A_157 : vector<16xf32> to vector<16xf32>
      %slice3A_159 = vector.extract_strided_slice %get3A_158 {offsets = [0], sizes = [1], strides = [1]} : vector<16xf32> to vector<1xf32>
      %squeeze3A_160 = vector.extract %slice3A_159[0] : f32 from vector<1xf32>
      %broadcast_in_dim3A_161 = vector.broadcast %squeeze3A_160 : f32 to vector<16xf32>
      %add3A_162 = vector.broadcast %scan3A_67 : f32 to vector<16xf32>
      %add3A_163 = arith.addf %broadcast_in_dim3A_161, %add3A_162 : vector<16xf32>
      %get3A_164 = arith.index_cast %scan3A_148 : i32 to index
      %get3A_165 = tpu.vector_load %arg9[%get3A_164] {strides = array<i32>} : memref<272xf32, #tpu.memory_space<vmem>>, vector<16xf32>,
      %get3A_166 = vector.shape_cast %get3A_165 : vector<16xf32> to vector<16xf32>
      %slice3A_167 = vector.extract_strided_slice %get3A_166 {offsets = [0], sizes = [1], strides = [1]} : vector<16xf32> to vector<1xf32>
      %squeeze3A_168 = vector.extract %slice3A_167[0] : f32 from vector<1xf32>
      %broadcast_in_dim3A_169 = vector.broadcast %squeeze3A_168 : f32 to vector<16xf32>
      %add3A_170 = vector.broadcast %scan3A_67 : f32 to vector<16xf32>
      %add3A_171 = arith.addf %broadcast_in_dim3A_169, %add3A_170 : vector<16xf32>
      %get3A_172 = arith.index_cast %scan3A_148 : i32 to index
      %get3A_173 = tpu.vector_load %arg10[%get3A_172] {strides = array<i32>} : memref<272xf32, #tpu.memory_space<vmem>>, vector<16xf32>,
      %get3A_174 = vector.shape_cast %get3A_173 : vector<16xf32> to vector<16xf32>
      %slice3A_175 = vector.extract_strided_slice %get3A_174 {offsets = [0], sizes = [1], strides = [1]} : vector<16xf32> to vector<1xf32>
      %squeeze3A_176 = vector.extract %slice3A_175[0] : f32 from vector<1xf32>
      %broadcast_in_dim3A_177 = vector.broadcast %squeeze3A_176 : f32 to vector<16xf32>
      %get3A_178 = arith.constant 176 : index
      %get3A_179 = tpu.vector_load %arg7[%get3A_178] {strides = array<i32>} : memref<272xf32, #tpu.memory_space<vmem>>, vector<16xf32>,
      %get3A_180 = vector.shape_cast %get3A_179 : vector<16xf32> to vector<16xf32>
      %get3A_181 = arith.constant 176 : index
      %get3A_182 = tpu.vector_load %arg8[%get3A_181] {strides = array<i32>} : memref<272xf32, #tpu.memory_space<vmem>>, vector<16xf32>,
      %get3A_183 = vector.shape_cast %get3A_182 : vector<16xf32> to vector<16xf32>
      %get3A_184 = arith.constant 176 : index
      %get3A_185 = tpu.vector_load %arg9[%get3A_184] {strides = array<i32>} : memref<272xf32, #tpu.memory_space<vmem>>, vector<16xf32>,
      %get3A_186 = vector.shape_cast %get3A_185 : vector<16xf32> to vector<16xf32>
      %get3A_187 = arith.constant 176 : index
      %get3A_188 = tpu.vector_load %arg10[%get3A_187] {strides = array<i32>} : memref<272xf32, #tpu.memory_space<vmem>>, vector<16xf32>,
      %get3A_189 = vector.shape_cast %get3A_188 : vector<16xf32> to vector<16xf32>
      %sub3A = arith.subf %add3A_155, %get3A_180 : vector<16xf32>
      %sub3A_190 = arith.subf %add3A_163, %get3A_183 : vector<16xf32>
      %sub3A_191 = arith.subf %add3A_171, %get3A_186 : vector<16xf32>
      %mul3A_192 = arith.mulf %sub3A, %sub3A : vector<16xf32>
      %mul3A_193 = arith.mulf %sub3A_190, %sub3A_190 : vector<16xf32>
      %add3A_194 = arith.addf %mul3A_192, %mul3A_193 : vector<16xf32>
      %mul3A_195 = arith.mulf %sub3A_191, %sub3A_191 : vector<16xf32>
      %add3A_196 = arith.addf %add3A_194, %mul3A_195 : vector<16xf32>
      %bitcast_convert_type3A = tpu.bitcast %add3A_196 : vector<16xf32> -> vector<16xi32>
      %shift_right_arithmetic3A = arith.constant 1 : i32
      %shift_right_arithmetic3A_197 = vector.broadcast %shift_right_arithmetic3A : i32 to vector<16xi32>
      %shift_right_arithmetic3A_198 = arith.shrsi %bitcast_convert_type3A, %shift_right_arithmetic3A_197 : vector<16xi32>
      %sub3A_199 = arith.constant 1597463007 : i32
      %sub3A_200 = vector.broadcast %sub3A_199 : i32 to vector<16xi32>
      %sub3A_201 = arith.subi %sub3A_200, %shift_right_arithmetic3A_198 : vector<16xi32>
      %bitcast_convert_type3A_202 = tpu.bitcast %sub3A_201 : vector<16xi32> -> vector<16xf32>
      %mul3A_203 = vector.broadcast %scan3A_68 : f32 to vector<16xf32>
      %mul3A_204 = arith.mulf %mul3A_203, %add3A_196 : vector<16xf32>
      %mul3A_205 = arith.mulf %mul3A_204, %bitcast_convert_type3A_202 : vector<16xf32>
      %mul3A_206 = arith.mulf %mul3A_205, %bitcast_convert_type3A_202 : vector<16xf32>
      %sub3A_207 = vector.broadcast %scan3A_69 : f32 to vector<16xf32>
      %sub3A_208 = arith.subf %sub3A_207, %mul3A_206 : vector<16xf32>
      %mul3A_209 = arith.mulf %bitcast_convert_type3A_202, %sub3A_208 : vector<16xf32>
      %mul3A_210 = arith.mulf %mul3A_204, %mul3A_209 : vector<16xf32>
      %mul3A_211 = arith.mulf %mul3A_210, %mul3A_209 : vector<16xf32>
      %sub3A_212 = vector.broadcast %scan3A_69 : f32 to vector<16xf32>
      %sub3A_213 = arith.subf %sub3A_212, %mul3A_211 : vector<16xf32>
      %mul3A_214 = arith.mulf %mul3A_209, %sub3A_213 : vector<16xf32>
      %mul3A_215 = arith.mulf %broadcast_in_dim3A_177, %get3A_189 : vector<16xf32>
      %mul3A_216 = arith.mulf %mul3A_215, %mul3A_214 : vector<16xf32>
      %add3A_217 = arith.constant 176 : i32
      %add3A_218 = vector.broadcast %add3A_217 : i32 to vector<16xi32>
      %add3A_219 = arith.addi %iota3A, %add3A_218 : vector<16xi32>
      %gt3A = arith.cmpi sgt, %add3A_219, %broadcast_in_dim3A_150 : vector<16xi32>
      %jit3A = arith.constant 0.000000e+00 : f32
      %broadcast_in_dim3A_220 = vector.broadcast %jit3A : f32 to vector<16xf32>
      %select_n3A = arith.select %gt3A, %mul3A_216, %broadcast_in_dim3A_220 : vector<16xi1>, vector<16xf32>
      %add3A_221 = arith.addf %scan3A_149, %select_n3A : vector<16xf32>
      %get3A_222 = arith.constant 192 : index
      %get3A_223 = tpu.vector_load %arg7[%get3A_222] {strides = array<i32>} : memref<272xf32, #tpu.memory_space<vmem>>, vector<16xf32>,
      %get3A_224 = vector.shape_cast %get3A_223 : vector<16xf32> to vector<16xf32>
      %get3A_225 = arith.constant 192 : index
      %get3A_226 = tpu.vector_load %arg8[%get3A_225] {strides = array<i32>} : memref<272xf32, #tpu.memory_space<vmem>>, vector<16xf32>,
      %get3A_227 = vector.shape_cast %get3A_226 : vector<16xf32> to vector<16xf32>
      %get3A_228 = arith.constant 192 : index
      %get3A_229 = tpu.vector_load %arg9[%get3A_228] {strides = array<i32>} : memref<272xf32, #tpu.memory_space<vmem>>, vector<16xf32>,
      %get3A_230 = vector.shape_cast %get3A_229 : vector<16xf32> to vector<16xf32>
      %get3A_231 = arith.constant 192 : index
      %get3A_232 = tpu.vector_load %arg10[%get3A_231] {strides = array<i32>} : memref<272xf32, #tpu.memory_space<vmem>>, vector<16xf32>,
      %get3A_233 = vector.shape_cast %get3A_232 : vector<16xf32> to vector<16xf32>
      %sub3A_234 = arith.subf %add3A_155, %get3A_224 : vector<16xf32>
      %sub3A_235 = arith.subf %add3A_163, %get3A_227 : vector<16xf32>
      %sub3A_236 = arith.subf %add3A_171, %get3A_230 : vector<16xf32>
      %mul3A_237 = arith.mulf %sub3A_234, %sub3A_234 : vector<16xf32>
      %mul3A_238 = arith.mulf %sub3A_235, %sub3A_235 : vector<16xf32>
      %add3A_239 = arith.addf %mul3A_237, %mul3A_238 : vector<16xf32>
      %mul3A_240 = arith.mulf %sub3A_236, %sub3A_236 : vector<16xf32>
      %add3A_241 = arith.addf %add3A_239, %mul3A_240 : vector<16xf32>
      %bitcast_convert_type3A_242 = tpu.bitcast %add3A_241 : vector<16xf32> -> vector<16xi32>
      %shift_right_arithmetic3A_243 = arith.constant 1 : i32
      %shift_right_arithmetic3A_244 = vector.broadcast %shift_right_arithmetic3A_243 : i32 to vector<16xi32>
      %shift_right_arithmetic3A_245 = arith.shrsi %bitcast_convert_type3A_242, %shift_right_arithmetic3A_244 : vector<16xi32>
      %sub3A_246 = arith.constant 1597463007 : i32
      %sub3A_247 = vector.broadcast %sub3A_246 : i32 to vector<16xi32>
      %sub3A_248 = arith.subi %sub3A_247, %shift_right_arithmetic3A_245 : vector<16xi32>
      %bitcast_convert_type3A_249 = tpu.bitcast %sub3A_248 : vector<16xi32> -> vector<16xf32>
      %mul3A_250 = vector.broadcast %scan3A_68 : f32 to vector<16xf32>
      %mul3A_251 = arith.mulf %mul3A_250, %add3A_241 : vector<16xf32>
      %mul3A_252 = arith.mulf %mul3A_251, %bitcast_convert_type3A_249 : vector<16xf32>
      %mul3A_253 = arith.mulf %mul3A_252, %bitcast_convert_type3A_249 : vector<16xf32>
      %sub3A_254 = vector.broadcast %scan3A_69 : f32 to vector<16xf32>
      %sub3A_255 = arith.subf %sub3A_254, %mul3A_253 : vector<16xf32>
      %mul3A_256 = arith.mulf %bitcast_convert_type3A_249, %sub3A_255 : vector<16xf32>
      %mul3A_257 = arith.mulf %mul3A_251, %mul3A_256 : vector<16xf32>
      %mul3A_258 = arith.mulf %mul3A_257, %mul3A_256 : vector<16xf32>
      %sub3A_259 = vector.broadcast %scan3A_69 : f32 to vector<16xf32>
      %sub3A_260 = arith.subf %sub3A_259, %mul3A_258 : vector<16xf32>
      %mul3A_261 = arith.mulf %mul3A_256, %sub3A_260 : vector<16xf32>
      %mul3A_262 = arith.mulf %broadcast_in_dim3A_177, %get3A_233 : vector<16xf32>
      %mul3A_263 = arith.mulf %mul3A_262, %mul3A_261 : vector<16xf32>
      %add3A_264 = arith.addf %add3A_221, %mul3A_263 : vector<16xf32>
      %get3A_265 = arith.constant 208 : index
      %get3A_266 = tpu.vector_load %arg7[%get3A_265] {strides = array<i32>} : memref<272xf32, #tpu.memory_space<vmem>>, vector<16xf32>,
      %get3A_267 = vector.shape_cast %get3A_266 : vector<16xf32> to vector<16xf32>
      %get3A_268 = arith.constant 208 : index
      %get3A_269 = tpu.vector_load %arg8[%get3A_268] {strides = array<i32>} : memref<272xf32, #tpu.memory_space<vmem>>, vector<16xf32>,
      %get3A_270 = vector.shape_cast %get3A_269 : vector<16xf32> to vector<16xf32>
      %get3A_271 = arith.constant 208 : index
      %get3A_272 = tpu.vector_load %arg9[%get3A_271] {strides = array<i32>} : memref<272xf32, #tpu.memory_space<vmem>>, vector<16xf32>,
      %get3A_273 = vector.shape_cast %get3A_272 : vector<16xf32> to vector<16xf32>
      %get3A_274 = arith.constant 208 : index
      %get3A_275 = tpu.vector_load %arg10[%get3A_274] {strides = array<i32>} : memref<272xf32, #tpu.memory_space<vmem>>, vector<16xf32>,
      %get3A_276 = vector.shape_cast %get3A_275 : vector<16xf32> to vector<16xf32>
      %sub3A_277 = arith.subf %add3A_155, %get3A_267 : vector<16xf32>
      %sub3A_278 = arith.subf %add3A_163, %get3A_270 : vector<16xf32>
      %sub3A_279 = arith.subf %add3A_171, %get3A_273 : vector<16xf32>
      %mul3A_280 = arith.mulf %sub3A_277, %sub3A_277 : vector<16xf32>
      %mul3A_281 = arith.mulf %sub3A_278, %sub3A_278 : vector<16xf32>
      %add3A_282 = arith.addf %mul3A_280, %mul3A_281 : vector<16xf32>
      %mul3A_283 = arith.mulf %sub3A_279, %sub3A_279 : vector<16xf32>
      %add3A_284 = arith.addf %add3A_282, %mul3A_283 : vector<16xf32>
      %bitcast_convert_type3A_285 = tpu.bitcast %add3A_284 : vector<16xf32> -> vector<16xi32>
      %shift_right_arithmetic3A_286 = arith.constant 1 : i32
      %shift_right_arithmetic3A_287 = vector.broadcast %shift_right_arithmetic3A_286 : i32 to vector<16xi32>
      %shift_right_arithmetic3A_288 = arith.shrsi %bitcast_convert_type3A_285, %shift_right_arithmetic3A_287 : vector<16xi32>
      %sub3A_289 = arith.constant 1597463007 : i32
      %sub3A_290 = vector.broadcast %sub3A_289 : i32 to vector<16xi32>
      %sub3A_291 = arith.subi %sub3A_290, %shift_right_arithmetic3A_288 : vector<16xi32>
      %bitcast_convert_type3A_292 = tpu.bitcast %sub3A_291 : vector<16xi32> -> vector<16xf32>
      %mul3A_293 = vector.broadcast %scan3A_68 : f32 to vector<16xf32>
      %mul3A_294 = arith.mulf %mul3A_293, %add3A_284 : vector<16xf32>
      %mul3A_295 = arith.mulf %mul3A_294, %bitcast_convert_type3A_292 : vector<16xf32>
      %mul3A_296 = arith.mulf %mul3A_295, %bitcast_convert_type3A_292 : vector<16xf32>
      %sub3A_297 = vector.broadcast %scan3A_69 : f32 to vector<16xf32>
      %sub3A_298 = arith.subf %sub3A_297, %mul3A_296 : vector<16xf32>
      %mul3A_299 = arith.mulf %bitcast_convert_type3A_292, %sub3A_298 : vector<16xf32>
      %mul3A_300 = arith.mulf %mul3A_294, %mul3A_299 : vector<16xf32>
      %mul3A_301 = arith.mulf %mul3A_300, %mul3A_299 : vector<16xf32>
      %sub3A_302 = vector.broadcast %scan3A_69 : f32 to vector<16xf32>
      %sub3A_303 = arith.subf %sub3A_302, %mul3A_301 : vector<16xf32>
      %mul3A_304 = arith.mulf %mul3A_299, %sub3A_303 : vector<16xf32>
      %mul3A_305 = arith.mulf %broadcast_in_dim3A_177, %get3A_276 : vector<16xf32>
      %mul3A_306 = arith.mulf %mul3A_305, %mul3A_304 : vector<16xf32>
      %add3A_307 = arith.addf %add3A_264, %mul3A_306 : vector<16xf32>
      %get3A_308 = arith.constant 224 : index
      %get3A_309 = tpu.vector_load %arg7[%get3A_308] {strides = array<i32>} : memref<272xf32, #tpu.memory_space<vmem>>, vector<16xf32>,
      %get3A_310 = vector.shape_cast %get3A_309 : vector<16xf32> to vector<16xf32>
      %get3A_311 = arith.constant 224 : index
      %get3A_312 = tpu.vector_load %arg8[%get3A_311] {strides = array<i32>} : memref<272xf32, #tpu.memory_space<vmem>>, vector<16xf32>,
      %get3A_313 = vector.shape_cast %get3A_312 : vector<16xf32> to vector<16xf32>
      %get3A_314 = arith.constant 224 : index
      %get3A_315 = tpu.vector_load %arg9[%get3A_314] {strides = array<i32>} : memref<272xf32, #tpu.memory_space<vmem>>, vector<16xf32>,
      %get3A_316 = vector.shape_cast %get3A_315 : vector<16xf32> to vector<16xf32>
      %get3A_317 = arith.constant 224 : index
      %get3A_318 = tpu.vector_load %arg10[%get3A_317] {strides = array<i32>} : memref<272xf32, #tpu.memory_space<vmem>>, vector<16xf32>,
      %get3A_319 = vector.shape_cast %get3A_318 : vector<16xf32> to vector<16xf32>
      %sub3A_320 = arith.subf %add3A_155, %get3A_310 : vector<16xf32>
      %sub3A_321 = arith.subf %add3A_163, %get3A_313 : vector<16xf32>
      %sub3A_322 = arith.subf %add3A_171, %get3A_316 : vector<16xf32>
      %mul3A_323 = arith.mulf %sub3A_320, %sub3A_320 : vector<16xf32>
      %mul3A_324 = arith.mulf %sub3A_321, %sub3A_321 : vector<16xf32>
      %add3A_325 = arith.addf %mul3A_323, %mul3A_324 : vector<16xf32>
      %mul3A_326 = arith.mulf %sub3A_322, %sub3A_322 : vector<16xf32>
      %add3A_327 = arith.addf %add3A_325, %mul3A_326 : vector<16xf32>
      %bitcast_convert_type3A_328 = tpu.bitcast %add3A_327 : vector<16xf32> -> vector<16xi32>
      %shift_right_arithmetic3A_329 = arith.constant 1 : i32
      %shift_right_arithmetic3A_330 = vector.broadcast %shift_right_arithmetic3A_329 : i32 to vector<16xi32>
      %shift_right_arithmetic3A_331 = arith.shrsi %bitcast_convert_type3A_328, %shift_right_arithmetic3A_330 : vector<16xi32>
      %sub3A_332 = arith.constant 1597463007 : i32
      %sub3A_333 = vector.broadcast %sub3A_332 : i32 to vector<16xi32>
      %sub3A_334 = arith.subi %sub3A_333, %shift_right_arithmetic3A_331 : vector<16xi32>
      %bitcast_convert_type3A_335 = tpu.bitcast %sub3A_334 : vector<16xi32> -> vector<16xf32>
      %mul3A_336 = vector.broadcast %scan3A_68 : f32 to vector<16xf32>
      %mul3A_337 = arith.mulf %mul3A_336, %add3A_327 : vector<16xf32>
      %mul3A_338 = arith.mulf %mul3A_337, %bitcast_convert_type3A_335 : vector<16xf32>
      %mul3A_339 = arith.mulf %mul3A_338, %bitcast_convert_type3A_335 : vector<16xf32>
      %sub3A_340 = vector.broadcast %scan3A_69 : f32 to vector<16xf32>
      %sub3A_341 = arith.subf %sub3A_340, %mul3A_339 : vector<16xf32>
      %mul3A_342 = arith.mulf %bitcast_convert_type3A_335, %sub3A_341 : vector<16xf32>
      %mul3A_343 = arith.mulf %mul3A_337, %mul3A_342 : vector<16xf32>
      %mul3A_344 = arith.mulf %mul3A_343, %mul3A_342 : vector<16xf32>
      %sub3A_345 = vector.broadcast %scan3A_69 : f32 to vector<16xf32>
      %sub3A_346 = arith.subf %sub3A_345, %mul3A_344 : vector<16xf32>
      %mul3A_347 = arith.mulf %mul3A_342, %sub3A_346 : vector<16xf32>
      %mul3A_348 = arith.mulf %broadcast_in_dim3A_177, %get3A_319 : vector<16xf32>
      %mul3A_349 = arith.mulf %mul3A_348, %mul3A_347 : vector<16xf32>
      %add3A_350 = arith.addf %add3A_307, %mul3A_349 : vector<16xf32>
      %get3A_351 = arith.constant 240 : index
      %get3A_352 = tpu.vector_load %arg7[%get3A_351] {strides = array<i32>} : memref<272xf32, #tpu.memory_space<vmem>>, vector<16xf32>,
      %get3A_353 = vector.shape_cast %get3A_352 : vector<16xf32> to vector<16xf32>
      %get3A_354 = arith.constant 240 : index
      %get3A_355 = tpu.vector_load %arg8[%get3A_354] {strides = array<i32>} : memref<272xf32, #tpu.memory_space<vmem>>, vector<16xf32>,
      %get3A_356 = vector.shape_cast %get3A_355 : vector<16xf32> to vector<16xf32>
      %get3A_357 = arith.constant 240 : index
      %get3A_358 = tpu.vector_load %arg9[%get3A_357] {strides = array<i32>} : memref<272xf32, #tpu.memory_space<vmem>>, vector<16xf32>,
      %get3A_359 = vector.shape_cast %get3A_358 : vector<16xf32> to vector<16xf32>
      %get3A_360 = arith.constant 240 : index
      %get3A_361 = tpu.vector_load %arg10[%get3A_360] {strides = array<i32>} : memref<272xf32, #tpu.memory_space<vmem>>, vector<16xf32>,
      %get3A_362 = vector.shape_cast %get3A_361 : vector<16xf32> to vector<16xf32>
      %sub3A_363 = arith.subf %add3A_155, %get3A_353 : vector<16xf32>
      %sub3A_364 = arith.subf %add3A_163, %get3A_356 : vector<16xf32>
      %sub3A_365 = arith.subf %add3A_171, %get3A_359 : vector<16xf32>
      %mul3A_366 = arith.mulf %sub3A_363, %sub3A_363 : vector<16xf32>
      %mul3A_367 = arith.mulf %sub3A_364, %sub3A_364 : vector<16xf32>
      %add3A_368 = arith.addf %mul3A_366, %mul3A_367 : vector<16xf32>
      %mul3A_369 = arith.mulf %sub3A_365, %sub3A_365 : vector<16xf32>
      %add3A_370 = arith.addf %add3A_368, %mul3A_369 : vector<16xf32>
      %bitcast_convert_type3A_371 = tpu.bitcast %add3A_370 : vector<16xf32> -> vector<16xi32>
      %shift_right_arithmetic3A_372 = arith.constant 1 : i32
      %shift_right_arithmetic3A_373 = vector.broadcast %shift_right_arithmetic3A_372 : i32 to vector<16xi32>
      %shift_right_arithmetic3A_374 = arith.shrsi %bitcast_convert_type3A_371, %shift_right_arithmetic3A_373 : vector<16xi32>
      %sub3A_375 = arith.constant 1597463007 : i32
      %sub3A_376 = vector.broadcast %sub3A_375 : i32 to vector<16xi32>
      %sub3A_377 = arith.subi %sub3A_376, %shift_right_arithmetic3A_374 : vector<16xi32>
      %bitcast_convert_type3A_378 = tpu.bitcast %sub3A_377 : vector<16xi32> -> vector<16xf32>
      %mul3A_379 = vector.broadcast %scan3A_68 : f32 to vector<16xf32>
      %mul3A_380 = arith.mulf %mul3A_379, %add3A_370 : vector<16xf32>
      %mul3A_381 = arith.mulf %mul3A_380, %bitcast_convert_type3A_378 : vector<16xf32>
      %mul3A_382 = arith.mulf %mul3A_381, %bitcast_convert_type3A_378 : vector<16xf32>
      %sub3A_383 = vector.broadcast %scan3A_69 : f32 to vector<16xf32>
      %sub3A_384 = arith.subf %sub3A_383, %mul3A_382 : vector<16xf32>
      %mul3A_385 = arith.mulf %bitcast_convert_type3A_378, %sub3A_384 : vector<16xf32>
      %mul3A_386 = arith.mulf %mul3A_380, %mul3A_385 : vector<16xf32>
      %mul3A_387 = arith.mulf %mul3A_386, %mul3A_385 : vector<16xf32>
      %sub3A_388 = vector.broadcast %scan3A_69 : f32 to vector<16xf32>
      %sub3A_389 = arith.subf %sub3A_388, %mul3A_387 : vector<16xf32>
      %mul3A_390 = arith.mulf %mul3A_385, %sub3A_389 : vector<16xf32>
      %mul3A_391 = arith.mulf %broadcast_in_dim3A_177, %get3A_362 : vector<16xf32>
      %mul3A_392 = arith.mulf %mul3A_391, %mul3A_390 : vector<16xf32>
      %add3A_393 = arith.addf %add3A_350, %mul3A_392 : vector<16xf32>
      scf.yield %add3A_393 : vector<16xf32>
    }
    %scan3A_75 = arith.constant 16 : i32
    %scan3A_76 = arith.constant 9.99999997E-7 : f32
    %scan3A_77 = arith.constant 5.000000e-01 : f32
    %scan3A_78 = arith.constant 1.500000e+00 : f32
    %scan3A_79 = arith.constant 192 : i32
    %scan3A_80 = arith.constant 16 : i32
    %scan3A_81 = arith.addi %scan3A_79, %scan3A_80 : i32
    %scan3A_82 = arith.constant 1 : i32
    %scan3A_83 = scf.for %scan3A_148 = %scan3A_79 to %scan3A_81 step %scan3A_82 iter_args(%scan3A_149 = %scan3A_74) -> (vector<16xf32>)  : i32 {
      %broadcast_in_dim3A_150 = vector.broadcast %scan3A_148 : i32 to vector<16xi32>
      %get3A = arith.index_cast %scan3A_148 : i32 to index
      %get3A_151 = tpu.vector_load %arg7[%get3A] {strides = array<i32>} : memref<272xf32, #tpu.memory_space<vmem>>, vector<16xf32>,
      %get3A_152 = vector.shape_cast %get3A_151 : vector<16xf32> to vector<16xf32>
      %slice3A = vector.extract_strided_slice %get3A_152 {offsets = [0], sizes = [1], strides = [1]} : vector<16xf32> to vector<1xf32>
      %squeeze3A = vector.extract %slice3A[0] : f32 from vector<1xf32>
      %broadcast_in_dim3A_153 = vector.broadcast %squeeze3A : f32 to vector<16xf32>
      %add3A_154 = vector.broadcast %scan3A_76 : f32 to vector<16xf32>
      %add3A_155 = arith.addf %broadcast_in_dim3A_153, %add3A_154 : vector<16xf32>
      %get3A_156 = arith.index_cast %scan3A_148 : i32 to index
      %get3A_157 = tpu.vector_load %arg8[%get3A_156] {strides = array<i32>} : memref<272xf32, #tpu.memory_space<vmem>>, vector<16xf32>,
      %get3A_158 = vector.shape_cast %get3A_157 : vector<16xf32> to vector<16xf32>
      %slice3A_159 = vector.extract_strided_slice %get3A_158 {offsets = [0], sizes = [1], strides = [1]} : vector<16xf32> to vector<1xf32>
      %squeeze3A_160 = vector.extract %slice3A_159[0] : f32 from vector<1xf32>
      %broadcast_in_dim3A_161 = vector.broadcast %squeeze3A_160 : f32 to vector<16xf32>
      %add3A_162 = vector.broadcast %scan3A_76 : f32 to vector<16xf32>
      %add3A_163 = arith.addf %broadcast_in_dim3A_161, %add3A_162 : vector<16xf32>
      %get3A_164 = arith.index_cast %scan3A_148 : i32 to index
      %get3A_165 = tpu.vector_load %arg9[%get3A_164] {strides = array<i32>} : memref<272xf32, #tpu.memory_space<vmem>>, vector<16xf32>,
      %get3A_166 = vector.shape_cast %get3A_165 : vector<16xf32> to vector<16xf32>
      %slice3A_167 = vector.extract_strided_slice %get3A_166 {offsets = [0], sizes = [1], strides = [1]} : vector<16xf32> to vector<1xf32>
      %squeeze3A_168 = vector.extract %slice3A_167[0] : f32 from vector<1xf32>
      %broadcast_in_dim3A_169 = vector.broadcast %squeeze3A_168 : f32 to vector<16xf32>
      %add3A_170 = vector.broadcast %scan3A_76 : f32 to vector<16xf32>
      %add3A_171 = arith.addf %broadcast_in_dim3A_169, %add3A_170 : vector<16xf32>
      %get3A_172 = arith.index_cast %scan3A_148 : i32 to index
      %get3A_173 = tpu.vector_load %arg10[%get3A_172] {strides = array<i32>} : memref<272xf32, #tpu.memory_space<vmem>>, vector<16xf32>,
      %get3A_174 = vector.shape_cast %get3A_173 : vector<16xf32> to vector<16xf32>
      %slice3A_175 = vector.extract_strided_slice %get3A_174 {offsets = [0], sizes = [1], strides = [1]} : vector<16xf32> to vector<1xf32>
      %squeeze3A_176 = vector.extract %slice3A_175[0] : f32 from vector<1xf32>
      %broadcast_in_dim3A_177 = vector.broadcast %squeeze3A_176 : f32 to vector<16xf32>
      %get3A_178 = arith.constant 192 : index
      %get3A_179 = tpu.vector_load %arg7[%get3A_178] {strides = array<i32>} : memref<272xf32, #tpu.memory_space<vmem>>, vector<16xf32>,
      %get3A_180 = vector.shape_cast %get3A_179 : vector<16xf32> to vector<16xf32>
      %get3A_181 = arith.constant 192 : index
      %get3A_182 = tpu.vector_load %arg8[%get3A_181] {strides = array<i32>} : memref<272xf32, #tpu.memory_space<vmem>>, vector<16xf32>,
      %get3A_183 = vector.shape_cast %get3A_182 : vector<16xf32> to vector<16xf32>
      %get3A_184 = arith.constant 192 : index
      %get3A_185 = tpu.vector_load %arg9[%get3A_184] {strides = array<i32>} : memref<272xf32, #tpu.memory_space<vmem>>, vector<16xf32>,
      %get3A_186 = vector.shape_cast %get3A_185 : vector<16xf32> to vector<16xf32>
      %get3A_187 = arith.constant 192 : index
      %get3A_188 = tpu.vector_load %arg10[%get3A_187] {strides = array<i32>} : memref<272xf32, #tpu.memory_space<vmem>>, vector<16xf32>,
      %get3A_189 = vector.shape_cast %get3A_188 : vector<16xf32> to vector<16xf32>
      %sub3A = arith.subf %add3A_155, %get3A_180 : vector<16xf32>
      %sub3A_190 = arith.subf %add3A_163, %get3A_183 : vector<16xf32>
      %sub3A_191 = arith.subf %add3A_171, %get3A_186 : vector<16xf32>
      %mul3A_192 = arith.mulf %sub3A, %sub3A : vector<16xf32>
      %mul3A_193 = arith.mulf %sub3A_190, %sub3A_190 : vector<16xf32>
      %add3A_194 = arith.addf %mul3A_192, %mul3A_193 : vector<16xf32>
      %mul3A_195 = arith.mulf %sub3A_191, %sub3A_191 : vector<16xf32>
      %add3A_196 = arith.addf %add3A_194, %mul3A_195 : vector<16xf32>
      %bitcast_convert_type3A = tpu.bitcast %add3A_196 : vector<16xf32> -> vector<16xi32>
      %shift_right_arithmetic3A = arith.constant 1 : i32
      %shift_right_arithmetic3A_197 = vector.broadcast %shift_right_arithmetic3A : i32 to vector<16xi32>
      %shift_right_arithmetic3A_198 = arith.shrsi %bitcast_convert_type3A, %shift_right_arithmetic3A_197 : vector<16xi32>
      %sub3A_199 = arith.constant 1597463007 : i32
      %sub3A_200 = vector.broadcast %sub3A_199 : i32 to vector<16xi32>
      %sub3A_201 = arith.subi %sub3A_200, %shift_right_arithmetic3A_198 : vector<16xi32>
      %bitcast_convert_type3A_202 = tpu.bitcast %sub3A_201 : vector<16xi32> -> vector<16xf32>
      %mul3A_203 = vector.broadcast %scan3A_77 : f32 to vector<16xf32>
      %mul3A_204 = arith.mulf %mul3A_203, %add3A_196 : vector<16xf32>
      %mul3A_205 = arith.mulf %mul3A_204, %bitcast_convert_type3A_202 : vector<16xf32>
      %mul3A_206 = arith.mulf %mul3A_205, %bitcast_convert_type3A_202 : vector<16xf32>
      %sub3A_207 = vector.broadcast %scan3A_78 : f32 to vector<16xf32>
      %sub3A_208 = arith.subf %sub3A_207, %mul3A_206 : vector<16xf32>
      %mul3A_209 = arith.mulf %bitcast_convert_type3A_202, %sub3A_208 : vector<16xf32>
      %mul3A_210 = arith.mulf %mul3A_204, %mul3A_209 : vector<16xf32>
      %mul3A_211 = arith.mulf %mul3A_210, %mul3A_209 : vector<16xf32>
      %sub3A_212 = vector.broadcast %scan3A_78 : f32 to vector<16xf32>
      %sub3A_213 = arith.subf %sub3A_212, %mul3A_211 : vector<16xf32>
      %mul3A_214 = arith.mulf %mul3A_209, %sub3A_213 : vector<16xf32>
      %mul3A_215 = arith.mulf %broadcast_in_dim3A_177, %get3A_189 : vector<16xf32>
      %mul3A_216 = arith.mulf %mul3A_215, %mul3A_214 : vector<16xf32>
      %add3A_217 = arith.constant 192 : i32
      %add3A_218 = vector.broadcast %add3A_217 : i32 to vector<16xi32>
      %add3A_219 = arith.addi %iota3A, %add3A_218 : vector<16xi32>
      %gt3A = arith.cmpi sgt, %add3A_219, %broadcast_in_dim3A_150 : vector<16xi32>
      %jit3A = arith.constant 0.000000e+00 : f32
      %broadcast_in_dim3A_220 = vector.broadcast %jit3A : f32 to vector<16xf32>
      %select_n3A = arith.select %gt3A, %mul3A_216, %broadcast_in_dim3A_220 : vector<16xi1>, vector<16xf32>
      %add3A_221 = arith.addf %scan3A_149, %select_n3A : vector<16xf32>
      %get3A_222 = arith.constant 208 : index
      %get3A_223 = tpu.vector_load %arg7[%get3A_222] {strides = array<i32>} : memref<272xf32, #tpu.memory_space<vmem>>, vector<16xf32>,
      %get3A_224 = vector.shape_cast %get3A_223 : vector<16xf32> to vector<16xf32>
      %get3A_225 = arith.constant 208 : index
      %get3A_226 = tpu.vector_load %arg8[%get3A_225] {strides = array<i32>} : memref<272xf32, #tpu.memory_space<vmem>>, vector<16xf32>,
      %get3A_227 = vector.shape_cast %get3A_226 : vector<16xf32> to vector<16xf32>
      %get3A_228 = arith.constant 208 : index
      %get3A_229 = tpu.vector_load %arg9[%get3A_228] {strides = array<i32>} : memref<272xf32, #tpu.memory_space<vmem>>, vector<16xf32>,
      %get3A_230 = vector.shape_cast %get3A_229 : vector<16xf32> to vector<16xf32>
      %get3A_231 = arith.constant 208 : index
      %get3A_232 = tpu.vector_load %arg10[%get3A_231] {strides = array<i32>} : memref<272xf32, #tpu.memory_space<vmem>>, vector<16xf32>,
      %get3A_233 = vector.shape_cast %get3A_232 : vector<16xf32> to vector<16xf32>
      %sub3A_234 = arith.subf %add3A_155, %get3A_224 : vector<16xf32>
      %sub3A_235 = arith.subf %add3A_163, %get3A_227 : vector<16xf32>
      %sub3A_236 = arith.subf %add3A_171, %get3A_230 : vector<16xf32>
      %mul3A_237 = arith.mulf %sub3A_234, %sub3A_234 : vector<16xf32>
      %mul3A_238 = arith.mulf %sub3A_235, %sub3A_235 : vector<16xf32>
      %add3A_239 = arith.addf %mul3A_237, %mul3A_238 : vector<16xf32>
      %mul3A_240 = arith.mulf %sub3A_236, %sub3A_236 : vector<16xf32>
      %add3A_241 = arith.addf %add3A_239, %mul3A_240 : vector<16xf32>
      %bitcast_convert_type3A_242 = tpu.bitcast %add3A_241 : vector<16xf32> -> vector<16xi32>
      %shift_right_arithmetic3A_243 = arith.constant 1 : i32
      %shift_right_arithmetic3A_244 = vector.broadcast %shift_right_arithmetic3A_243 : i32 to vector<16xi32>
      %shift_right_arithmetic3A_245 = arith.shrsi %bitcast_convert_type3A_242, %shift_right_arithmetic3A_244 : vector<16xi32>
      %sub3A_246 = arith.constant 1597463007 : i32
      %sub3A_247 = vector.broadcast %sub3A_246 : i32 to vector<16xi32>
      %sub3A_248 = arith.subi %sub3A_247, %shift_right_arithmetic3A_245 : vector<16xi32>
      %bitcast_convert_type3A_249 = tpu.bitcast %sub3A_248 : vector<16xi32> -> vector<16xf32>
      %mul3A_250 = vector.broadcast %scan3A_77 : f32 to vector<16xf32>
      %mul3A_251 = arith.mulf %mul3A_250, %add3A_241 : vector<16xf32>
      %mul3A_252 = arith.mulf %mul3A_251, %bitcast_convert_type3A_249 : vector<16xf32>
      %mul3A_253 = arith.mulf %mul3A_252, %bitcast_convert_type3A_249 : vector<16xf32>
      %sub3A_254 = vector.broadcast %scan3A_78 : f32 to vector<16xf32>
      %sub3A_255 = arith.subf %sub3A_254, %mul3A_253 : vector<16xf32>
      %mul3A_256 = arith.mulf %bitcast_convert_type3A_249, %sub3A_255 : vector<16xf32>
      %mul3A_257 = arith.mulf %mul3A_251, %mul3A_256 : vector<16xf32>
      %mul3A_258 = arith.mulf %mul3A_257, %mul3A_256 : vector<16xf32>
      %sub3A_259 = vector.broadcast %scan3A_78 : f32 to vector<16xf32>
      %sub3A_260 = arith.subf %sub3A_259, %mul3A_258 : vector<16xf32>
      %mul3A_261 = arith.mulf %mul3A_256, %sub3A_260 : vector<16xf32>
      %mul3A_262 = arith.mulf %broadcast_in_dim3A_177, %get3A_233 : vector<16xf32>
      %mul3A_263 = arith.mulf %mul3A_262, %mul3A_261 : vector<16xf32>
      %add3A_264 = arith.addf %add3A_221, %mul3A_263 : vector<16xf32>
      %get3A_265 = arith.constant 224 : index
      %get3A_266 = tpu.vector_load %arg7[%get3A_265] {strides = array<i32>} : memref<272xf32, #tpu.memory_space<vmem>>, vector<16xf32>,
      %get3A_267 = vector.shape_cast %get3A_266 : vector<16xf32> to vector<16xf32>
      %get3A_268 = arith.constant 224 : index
      %get3A_269 = tpu.vector_load %arg8[%get3A_268] {strides = array<i32>} : memref<272xf32, #tpu.memory_space<vmem>>, vector<16xf32>,
      %get3A_270 = vector.shape_cast %get3A_269 : vector<16xf32> to vector<16xf32>
      %get3A_271 = arith.constant 224 : index
      %get3A_272 = tpu.vector_load %arg9[%get3A_271] {strides = array<i32>} : memref<272xf32, #tpu.memory_space<vmem>>, vector<16xf32>,
      %get3A_273 = vector.shape_cast %get3A_272 : vector<16xf32> to vector<16xf32>
      %get3A_274 = arith.constant 224 : index
      %get3A_275 = tpu.vector_load %arg10[%get3A_274] {strides = array<i32>} : memref<272xf32, #tpu.memory_space<vmem>>, vector<16xf32>,
      %get3A_276 = vector.shape_cast %get3A_275 : vector<16xf32> to vector<16xf32>
      %sub3A_277 = arith.subf %add3A_155, %get3A_267 : vector<16xf32>
      %sub3A_278 = arith.subf %add3A_163, %get3A_270 : vector<16xf32>
      %sub3A_279 = arith.subf %add3A_171, %get3A_273 : vector<16xf32>
      %mul3A_280 = arith.mulf %sub3A_277, %sub3A_277 : vector<16xf32>
      %mul3A_281 = arith.mulf %sub3A_278, %sub3A_278 : vector<16xf32>
      %add3A_282 = arith.addf %mul3A_280, %mul3A_281 : vector<16xf32>
      %mul3A_283 = arith.mulf %sub3A_279, %sub3A_279 : vector<16xf32>
      %add3A_284 = arith.addf %add3A_282, %mul3A_283 : vector<16xf32>
      %bitcast_convert_type3A_285 = tpu.bitcast %add3A_284 : vector<16xf32> -> vector<16xi32>
      %shift_right_arithmetic3A_286 = arith.constant 1 : i32
      %shift_right_arithmetic3A_287 = vector.broadcast %shift_right_arithmetic3A_286 : i32 to vector<16xi32>
      %shift_right_arithmetic3A_288 = arith.shrsi %bitcast_convert_type3A_285, %shift_right_arithmetic3A_287 : vector<16xi32>
      %sub3A_289 = arith.constant 1597463007 : i32
      %sub3A_290 = vector.broadcast %sub3A_289 : i32 to vector<16xi32>
      %sub3A_291 = arith.subi %sub3A_290, %shift_right_arithmetic3A_288 : vector<16xi32>
      %bitcast_convert_type3A_292 = tpu.bitcast %sub3A_291 : vector<16xi32> -> vector<16xf32>
      %mul3A_293 = vector.broadcast %scan3A_77 : f32 to vector<16xf32>
      %mul3A_294 = arith.mulf %mul3A_293, %add3A_284 : vector<16xf32>
      %mul3A_295 = arith.mulf %mul3A_294, %bitcast_convert_type3A_292 : vector<16xf32>
      %mul3A_296 = arith.mulf %mul3A_295, %bitcast_convert_type3A_292 : vector<16xf32>
      %sub3A_297 = vector.broadcast %scan3A_78 : f32 to vector<16xf32>
      %sub3A_298 = arith.subf %sub3A_297, %mul3A_296 : vector<16xf32>
      %mul3A_299 = arith.mulf %bitcast_convert_type3A_292, %sub3A_298 : vector<16xf32>
      %mul3A_300 = arith.mulf %mul3A_294, %mul3A_299 : vector<16xf32>
      %mul3A_301 = arith.mulf %mul3A_300, %mul3A_299 : vector<16xf32>
      %sub3A_302 = vector.broadcast %scan3A_78 : f32 to vector<16xf32>
      %sub3A_303 = arith.subf %sub3A_302, %mul3A_301 : vector<16xf32>
      %mul3A_304 = arith.mulf %mul3A_299, %sub3A_303 : vector<16xf32>
      %mul3A_305 = arith.mulf %broadcast_in_dim3A_177, %get3A_276 : vector<16xf32>
      %mul3A_306 = arith.mulf %mul3A_305, %mul3A_304 : vector<16xf32>
      %add3A_307 = arith.addf %add3A_264, %mul3A_306 : vector<16xf32>
      %get3A_308 = arith.constant 240 : index
      %get3A_309 = tpu.vector_load %arg7[%get3A_308] {strides = array<i32>} : memref<272xf32, #tpu.memory_space<vmem>>, vector<16xf32>,
      %get3A_310 = vector.shape_cast %get3A_309 : vector<16xf32> to vector<16xf32>
      %get3A_311 = arith.constant 240 : index
      %get3A_312 = tpu.vector_load %arg8[%get3A_311] {strides = array<i32>} : memref<272xf32, #tpu.memory_space<vmem>>, vector<16xf32>,
      %get3A_313 = vector.shape_cast %get3A_312 : vector<16xf32> to vector<16xf32>
      %get3A_314 = arith.constant 240 : index
      %get3A_315 = tpu.vector_load %arg9[%get3A_314] {strides = array<i32>} : memref<272xf32, #tpu.memory_space<vmem>>, vector<16xf32>,
      %get3A_316 = vector.shape_cast %get3A_315 : vector<16xf32> to vector<16xf32>
      %get3A_317 = arith.constant 240 : index
      %get3A_318 = tpu.vector_load %arg10[%get3A_317] {strides = array<i32>} : memref<272xf32, #tpu.memory_space<vmem>>, vector<16xf32>,
      %get3A_319 = vector.shape_cast %get3A_318 : vector<16xf32> to vector<16xf32>
      %sub3A_320 = arith.subf %add3A_155, %get3A_310 : vector<16xf32>
      %sub3A_321 = arith.subf %add3A_163, %get3A_313 : vector<16xf32>
      %sub3A_322 = arith.subf %add3A_171, %get3A_316 : vector<16xf32>
      %mul3A_323 = arith.mulf %sub3A_320, %sub3A_320 : vector<16xf32>
      %mul3A_324 = arith.mulf %sub3A_321, %sub3A_321 : vector<16xf32>
      %add3A_325 = arith.addf %mul3A_323, %mul3A_324 : vector<16xf32>
      %mul3A_326 = arith.mulf %sub3A_322, %sub3A_322 : vector<16xf32>
      %add3A_327 = arith.addf %add3A_325, %mul3A_326 : vector<16xf32>
      %bitcast_convert_type3A_328 = tpu.bitcast %add3A_327 : vector<16xf32> -> vector<16xi32>
      %shift_right_arithmetic3A_329 = arith.constant 1 : i32
      %shift_right_arithmetic3A_330 = vector.broadcast %shift_right_arithmetic3A_329 : i32 to vector<16xi32>
      %shift_right_arithmetic3A_331 = arith.shrsi %bitcast_convert_type3A_328, %shift_right_arithmetic3A_330 : vector<16xi32>
      %sub3A_332 = arith.constant 1597463007 : i32
      %sub3A_333 = vector.broadcast %sub3A_332 : i32 to vector<16xi32>
      %sub3A_334 = arith.subi %sub3A_333, %shift_right_arithmetic3A_331 : vector<16xi32>
      %bitcast_convert_type3A_335 = tpu.bitcast %sub3A_334 : vector<16xi32> -> vector<16xf32>
      %mul3A_336 = vector.broadcast %scan3A_77 : f32 to vector<16xf32>
      %mul3A_337 = arith.mulf %mul3A_336, %add3A_327 : vector<16xf32>
      %mul3A_338 = arith.mulf %mul3A_337, %bitcast_convert_type3A_335 : vector<16xf32>
      %mul3A_339 = arith.mulf %mul3A_338, %bitcast_convert_type3A_335 : vector<16xf32>
      %sub3A_340 = vector.broadcast %scan3A_78 : f32 to vector<16xf32>
      %sub3A_341 = arith.subf %sub3A_340, %mul3A_339 : vector<16xf32>
      %mul3A_342 = arith.mulf %bitcast_convert_type3A_335, %sub3A_341 : vector<16xf32>
      %mul3A_343 = arith.mulf %mul3A_337, %mul3A_342 : vector<16xf32>
      %mul3A_344 = arith.mulf %mul3A_343, %mul3A_342 : vector<16xf32>
      %sub3A_345 = vector.broadcast %scan3A_78 : f32 to vector<16xf32>
      %sub3A_346 = arith.subf %sub3A_345, %mul3A_344 : vector<16xf32>
      %mul3A_347 = arith.mulf %mul3A_342, %sub3A_346 : vector<16xf32>
      %mul3A_348 = arith.mulf %broadcast_in_dim3A_177, %get3A_319 : vector<16xf32>
      %mul3A_349 = arith.mulf %mul3A_348, %mul3A_347 : vector<16xf32>
      %add3A_350 = arith.addf %add3A_307, %mul3A_349 : vector<16xf32>
      scf.yield %add3A_350 : vector<16xf32>
    }
    %scan3A_84 = arith.constant 16 : i32
    %scan3A_85 = arith.constant 9.99999997E-7 : f32
    %scan3A_86 = arith.constant 5.000000e-01 : f32
    %scan3A_87 = arith.constant 1.500000e+00 : f32
    %scan3A_88 = arith.constant 208 : i32
    %scan3A_89 = arith.constant 16 : i32
    %scan3A_90 = arith.addi %scan3A_88, %scan3A_89 : i32
    %scan3A_91 = arith.constant 1 : i32
    %scan3A_92 = scf.for %scan3A_148 = %scan3A_88 to %scan3A_90 step %scan3A_91 iter_args(%scan3A_149 = %scan3A_83) -> (vector<16xf32>)  : i32 {
      %broadcast_in_dim3A_150 = vector.broadcast %scan3A_148 : i32 to vector<16xi32>
      %get3A = arith.index_cast %scan3A_148 : i32 to index
      %get3A_151 = tpu.vector_load %arg7[%get3A] {strides = array<i32>} : memref<272xf32, #tpu.memory_space<vmem>>, vector<16xf32>,
      %get3A_152 = vector.shape_cast %get3A_151 : vector<16xf32> to vector<16xf32>
      %slice3A = vector.extract_strided_slice %get3A_152 {offsets = [0], sizes = [1], strides = [1]} : vector<16xf32> to vector<1xf32>
      %squeeze3A = vector.extract %slice3A[0] : f32 from vector<1xf32>
      %broadcast_in_dim3A_153 = vector.broadcast %squeeze3A : f32 to vector<16xf32>
      %add3A_154 = vector.broadcast %scan3A_85 : f32 to vector<16xf32>
      %add3A_155 = arith.addf %broadcast_in_dim3A_153, %add3A_154 : vector<16xf32>
      %get3A_156 = arith.index_cast %scan3A_148 : i32 to index
      %get3A_157 = tpu.vector_load %arg8[%get3A_156] {strides = array<i32>} : memref<272xf32, #tpu.memory_space<vmem>>, vector<16xf32>,
      %get3A_158 = vector.shape_cast %get3A_157 : vector<16xf32> to vector<16xf32>
      %slice3A_159 = vector.extract_strided_slice %get3A_158 {offsets = [0], sizes = [1], strides = [1]} : vector<16xf32> to vector<1xf32>
      %squeeze3A_160 = vector.extract %slice3A_159[0] : f32 from vector<1xf32>
      %broadcast_in_dim3A_161 = vector.broadcast %squeeze3A_160 : f32 to vector<16xf32>
      %add3A_162 = vector.broadcast %scan3A_85 : f32 to vector<16xf32>
      %add3A_163 = arith.addf %broadcast_in_dim3A_161, %add3A_162 : vector<16xf32>
      %get3A_164 = arith.index_cast %scan3A_148 : i32 to index
      %get3A_165 = tpu.vector_load %arg9[%get3A_164] {strides = array<i32>} : memref<272xf32, #tpu.memory_space<vmem>>, vector<16xf32>,
      %get3A_166 = vector.shape_cast %get3A_165 : vector<16xf32> to vector<16xf32>
      %slice3A_167 = vector.extract_strided_slice %get3A_166 {offsets = [0], sizes = [1], strides = [1]} : vector<16xf32> to vector<1xf32>
      %squeeze3A_168 = vector.extract %slice3A_167[0] : f32 from vector<1xf32>
      %broadcast_in_dim3A_169 = vector.broadcast %squeeze3A_168 : f32 to vector<16xf32>
      %add3A_170 = vector.broadcast %scan3A_85 : f32 to vector<16xf32>
      %add3A_171 = arith.addf %broadcast_in_dim3A_169, %add3A_170 : vector<16xf32>
      %get3A_172 = arith.index_cast %scan3A_148 : i32 to index
      %get3A_173 = tpu.vector_load %arg10[%get3A_172] {strides = array<i32>} : memref<272xf32, #tpu.memory_space<vmem>>, vector<16xf32>,
      %get3A_174 = vector.shape_cast %get3A_173 : vector<16xf32> to vector<16xf32>
      %slice3A_175 = vector.extract_strided_slice %get3A_174 {offsets = [0], sizes = [1], strides = [1]} : vector<16xf32> to vector<1xf32>
      %squeeze3A_176 = vector.extract %slice3A_175[0] : f32 from vector<1xf32>
      %broadcast_in_dim3A_177 = vector.broadcast %squeeze3A_176 : f32 to vector<16xf32>
      %get3A_178 = arith.constant 208 : index
      %get3A_179 = tpu.vector_load %arg7[%get3A_178] {strides = array<i32>} : memref<272xf32, #tpu.memory_space<vmem>>, vector<16xf32>,
      %get3A_180 = vector.shape_cast %get3A_179 : vector<16xf32> to vector<16xf32>
      %get3A_181 = arith.constant 208 : index
      %get3A_182 = tpu.vector_load %arg8[%get3A_181] {strides = array<i32>} : memref<272xf32, #tpu.memory_space<vmem>>, vector<16xf32>,
      %get3A_183 = vector.shape_cast %get3A_182 : vector<16xf32> to vector<16xf32>
      %get3A_184 = arith.constant 208 : index
      %get3A_185 = tpu.vector_load %arg9[%get3A_184] {strides = array<i32>} : memref<272xf32, #tpu.memory_space<vmem>>, vector<16xf32>,
      %get3A_186 = vector.shape_cast %get3A_185 : vector<16xf32> to vector<16xf32>
      %get3A_187 = arith.constant 208 : index
      %get3A_188 = tpu.vector_load %arg10[%get3A_187] {strides = array<i32>} : memref<272xf32, #tpu.memory_space<vmem>>, vector<16xf32>,
      %get3A_189 = vector.shape_cast %get3A_188 : vector<16xf32> to vector<16xf32>
      %sub3A = arith.subf %add3A_155, %get3A_180 : vector<16xf32>
      %sub3A_190 = arith.subf %add3A_163, %get3A_183 : vector<16xf32>
      %sub3A_191 = arith.subf %add3A_171, %get3A_186 : vector<16xf32>
      %mul3A_192 = arith.mulf %sub3A, %sub3A : vector<16xf32>
      %mul3A_193 = arith.mulf %sub3A_190, %sub3A_190 : vector<16xf32>
      %add3A_194 = arith.addf %mul3A_192, %mul3A_193 : vector<16xf32>
      %mul3A_195 = arith.mulf %sub3A_191, %sub3A_191 : vector<16xf32>
      %add3A_196 = arith.addf %add3A_194, %mul3A_195 : vector<16xf32>
      %bitcast_convert_type3A = tpu.bitcast %add3A_196 : vector<16xf32> -> vector<16xi32>
      %shift_right_arithmetic3A = arith.constant 1 : i32
      %shift_right_arithmetic3A_197 = vector.broadcast %shift_right_arithmetic3A : i32 to vector<16xi32>
      %shift_right_arithmetic3A_198 = arith.shrsi %bitcast_convert_type3A, %shift_right_arithmetic3A_197 : vector<16xi32>
      %sub3A_199 = arith.constant 1597463007 : i32
      %sub3A_200 = vector.broadcast %sub3A_199 : i32 to vector<16xi32>
      %sub3A_201 = arith.subi %sub3A_200, %shift_right_arithmetic3A_198 : vector<16xi32>
      %bitcast_convert_type3A_202 = tpu.bitcast %sub3A_201 : vector<16xi32> -> vector<16xf32>
      %mul3A_203 = vector.broadcast %scan3A_86 : f32 to vector<16xf32>
      %mul3A_204 = arith.mulf %mul3A_203, %add3A_196 : vector<16xf32>
      %mul3A_205 = arith.mulf %mul3A_204, %bitcast_convert_type3A_202 : vector<16xf32>
      %mul3A_206 = arith.mulf %mul3A_205, %bitcast_convert_type3A_202 : vector<16xf32>
      %sub3A_207 = vector.broadcast %scan3A_87 : f32 to vector<16xf32>
      %sub3A_208 = arith.subf %sub3A_207, %mul3A_206 : vector<16xf32>
      %mul3A_209 = arith.mulf %bitcast_convert_type3A_202, %sub3A_208 : vector<16xf32>
      %mul3A_210 = arith.mulf %mul3A_204, %mul3A_209 : vector<16xf32>
      %mul3A_211 = arith.mulf %mul3A_210, %mul3A_209 : vector<16xf32>
      %sub3A_212 = vector.broadcast %scan3A_87 : f32 to vector<16xf32>
      %sub3A_213 = arith.subf %sub3A_212, %mul3A_211 : vector<16xf32>
      %mul3A_214 = arith.mulf %mul3A_209, %sub3A_213 : vector<16xf32>
      %mul3A_215 = arith.mulf %broadcast_in_dim3A_177, %get3A_189 : vector<16xf32>
      %mul3A_216 = arith.mulf %mul3A_215, %mul3A_214 : vector<16xf32>
      %add3A_217 = arith.constant 208 : i32
      %add3A_218 = vector.broadcast %add3A_217 : i32 to vector<16xi32>
      %add3A_219 = arith.addi %iota3A, %add3A_218 : vector<16xi32>
      %gt3A = arith.cmpi sgt, %add3A_219, %broadcast_in_dim3A_150 : vector<16xi32>
      %jit3A = arith.constant 0.000000e+00 : f32
      %broadcast_in_dim3A_220 = vector.broadcast %jit3A : f32 to vector<16xf32>
      %select_n3A = arith.select %gt3A, %mul3A_216, %broadcast_in_dim3A_220 : vector<16xi1>, vector<16xf32>
      %add3A_221 = arith.addf %scan3A_149, %select_n3A : vector<16xf32>
      %get3A_222 = arith.constant 224 : index
      %get3A_223 = tpu.vector_load %arg7[%get3A_222] {strides = array<i32>} : memref<272xf32, #tpu.memory_space<vmem>>, vector<16xf32>,
      %get3A_224 = vector.shape_cast %get3A_223 : vector<16xf32> to vector<16xf32>
      %get3A_225 = arith.constant 224 : index
      %get3A_226 = tpu.vector_load %arg8[%get3A_225] {strides = array<i32>} : memref<272xf32, #tpu.memory_space<vmem>>, vector<16xf32>,
      %get3A_227 = vector.shape_cast %get3A_226 : vector<16xf32> to vector<16xf32>
      %get3A_228 = arith.constant 224 : index
      %get3A_229 = tpu.vector_load %arg9[%get3A_228] {strides = array<i32>} : memref<272xf32, #tpu.memory_space<vmem>>, vector<16xf32>,
      %get3A_230 = vector.shape_cast %get3A_229 : vector<16xf32> to vector<16xf32>
      %get3A_231 = arith.constant 224 : index
      %get3A_232 = tpu.vector_load %arg10[%get3A_231] {strides = array<i32>} : memref<272xf32, #tpu.memory_space<vmem>>, vector<16xf32>,
      %get3A_233 = vector.shape_cast %get3A_232 : vector<16xf32> to vector<16xf32>
      %sub3A_234 = arith.subf %add3A_155, %get3A_224 : vector<16xf32>
      %sub3A_235 = arith.subf %add3A_163, %get3A_227 : vector<16xf32>
      %sub3A_236 = arith.subf %add3A_171, %get3A_230 : vector<16xf32>
      %mul3A_237 = arith.mulf %sub3A_234, %sub3A_234 : vector<16xf32>
      %mul3A_238 = arith.mulf %sub3A_235, %sub3A_235 : vector<16xf32>
      %add3A_239 = arith.addf %mul3A_237, %mul3A_238 : vector<16xf32>
      %mul3A_240 = arith.mulf %sub3A_236, %sub3A_236 : vector<16xf32>
      %add3A_241 = arith.addf %add3A_239, %mul3A_240 : vector<16xf32>
      %bitcast_convert_type3A_242 = tpu.bitcast %add3A_241 : vector<16xf32> -> vector<16xi32>
      %shift_right_arithmetic3A_243 = arith.constant 1 : i32
      %shift_right_arithmetic3A_244 = vector.broadcast %shift_right_arithmetic3A_243 : i32 to vector<16xi32>
      %shift_right_arithmetic3A_245 = arith.shrsi %bitcast_convert_type3A_242, %shift_right_arithmetic3A_244 : vector<16xi32>
      %sub3A_246 = arith.constant 1597463007 : i32
      %sub3A_247 = vector.broadcast %sub3A_246 : i32 to vector<16xi32>
      %sub3A_248 = arith.subi %sub3A_247, %shift_right_arithmetic3A_245 : vector<16xi32>
      %bitcast_convert_type3A_249 = tpu.bitcast %sub3A_248 : vector<16xi32> -> vector<16xf32>
      %mul3A_250 = vector.broadcast %scan3A_86 : f32 to vector<16xf32>
      %mul3A_251 = arith.mulf %mul3A_250, %add3A_241 : vector<16xf32>
      %mul3A_252 = arith.mulf %mul3A_251, %bitcast_convert_type3A_249 : vector<16xf32>
      %mul3A_253 = arith.mulf %mul3A_252, %bitcast_convert_type3A_249 : vector<16xf32>
      %sub3A_254 = vector.broadcast %scan3A_87 : f32 to vector<16xf32>
      %sub3A_255 = arith.subf %sub3A_254, %mul3A_253 : vector<16xf32>
      %mul3A_256 = arith.mulf %bitcast_convert_type3A_249, %sub3A_255 : vector<16xf32>
      %mul3A_257 = arith.mulf %mul3A_251, %mul3A_256 : vector<16xf32>
      %mul3A_258 = arith.mulf %mul3A_257, %mul3A_256 : vector<16xf32>
      %sub3A_259 = vector.broadcast %scan3A_87 : f32 to vector<16xf32>
      %sub3A_260 = arith.subf %sub3A_259, %mul3A_258 : vector<16xf32>
      %mul3A_261 = arith.mulf %mul3A_256, %sub3A_260 : vector<16xf32>
      %mul3A_262 = arith.mulf %broadcast_in_dim3A_177, %get3A_233 : vector<16xf32>
      %mul3A_263 = arith.mulf %mul3A_262, %mul3A_261 : vector<16xf32>
      %add3A_264 = arith.addf %add3A_221, %mul3A_263 : vector<16xf32>
      %get3A_265 = arith.constant 240 : index
      %get3A_266 = tpu.vector_load %arg7[%get3A_265] {strides = array<i32>} : memref<272xf32, #tpu.memory_space<vmem>>, vector<16xf32>,
      %get3A_267 = vector.shape_cast %get3A_266 : vector<16xf32> to vector<16xf32>
      %get3A_268 = arith.constant 240 : index
      %get3A_269 = tpu.vector_load %arg8[%get3A_268] {strides = array<i32>} : memref<272xf32, #tpu.memory_space<vmem>>, vector<16xf32>,
      %get3A_270 = vector.shape_cast %get3A_269 : vector<16xf32> to vector<16xf32>
      %get3A_271 = arith.constant 240 : index
      %get3A_272 = tpu.vector_load %arg9[%get3A_271] {strides = array<i32>} : memref<272xf32, #tpu.memory_space<vmem>>, vector<16xf32>,
      %get3A_273 = vector.shape_cast %get3A_272 : vector<16xf32> to vector<16xf32>
      %get3A_274 = arith.constant 240 : index
      %get3A_275 = tpu.vector_load %arg10[%get3A_274] {strides = array<i32>} : memref<272xf32, #tpu.memory_space<vmem>>, vector<16xf32>,
      %get3A_276 = vector.shape_cast %get3A_275 : vector<16xf32> to vector<16xf32>
      %sub3A_277 = arith.subf %add3A_155, %get3A_267 : vector<16xf32>
      %sub3A_278 = arith.subf %add3A_163, %get3A_270 : vector<16xf32>
      %sub3A_279 = arith.subf %add3A_171, %get3A_273 : vector<16xf32>
      %mul3A_280 = arith.mulf %sub3A_277, %sub3A_277 : vector<16xf32>
      %mul3A_281 = arith.mulf %sub3A_278, %sub3A_278 : vector<16xf32>
      %add3A_282 = arith.addf %mul3A_280, %mul3A_281 : vector<16xf32>
      %mul3A_283 = arith.mulf %sub3A_279, %sub3A_279 : vector<16xf32>
      %add3A_284 = arith.addf %add3A_282, %mul3A_283 : vector<16xf32>
      %bitcast_convert_type3A_285 = tpu.bitcast %add3A_284 : vector<16xf32> -> vector<16xi32>
      %shift_right_arithmetic3A_286 = arith.constant 1 : i32
      %shift_right_arithmetic3A_287 = vector.broadcast %shift_right_arithmetic3A_286 : i32 to vector<16xi32>
      %shift_right_arithmetic3A_288 = arith.shrsi %bitcast_convert_type3A_285, %shift_right_arithmetic3A_287 : vector<16xi32>
      %sub3A_289 = arith.constant 1597463007 : i32
      %sub3A_290 = vector.broadcast %sub3A_289 : i32 to vector<16xi32>
      %sub3A_291 = arith.subi %sub3A_290, %shift_right_arithmetic3A_288 : vector<16xi32>
      %bitcast_convert_type3A_292 = tpu.bitcast %sub3A_291 : vector<16xi32> -> vector<16xf32>
      %mul3A_293 = vector.broadcast %scan3A_86 : f32 to vector<16xf32>
      %mul3A_294 = arith.mulf %mul3A_293, %add3A_284 : vector<16xf32>
      %mul3A_295 = arith.mulf %mul3A_294, %bitcast_convert_type3A_292 : vector<16xf32>
      %mul3A_296 = arith.mulf %mul3A_295, %bitcast_convert_type3A_292 : vector<16xf32>
      %sub3A_297 = vector.broadcast %scan3A_87 : f32 to vector<16xf32>
      %sub3A_298 = arith.subf %sub3A_297, %mul3A_296 : vector<16xf32>
      %mul3A_299 = arith.mulf %bitcast_convert_type3A_292, %sub3A_298 : vector<16xf32>
      %mul3A_300 = arith.mulf %mul3A_294, %mul3A_299 : vector<16xf32>
      %mul3A_301 = arith.mulf %mul3A_300, %mul3A_299 : vector<16xf32>
      %sub3A_302 = vector.broadcast %scan3A_87 : f32 to vector<16xf32>
      %sub3A_303 = arith.subf %sub3A_302, %mul3A_301 : vector<16xf32>
      %mul3A_304 = arith.mulf %mul3A_299, %sub3A_303 : vector<16xf32>
      %mul3A_305 = arith.mulf %broadcast_in_dim3A_177, %get3A_276 : vector<16xf32>
      %mul3A_306 = arith.mulf %mul3A_305, %mul3A_304 : vector<16xf32>
      %add3A_307 = arith.addf %add3A_264, %mul3A_306 : vector<16xf32>
      scf.yield %add3A_307 : vector<16xf32>
    }
    %scan3A_93 = arith.constant 16 : i32
    %scan3A_94 = arith.constant 9.99999997E-7 : f32
    %scan3A_95 = arith.constant 5.000000e-01 : f32
    %scan3A_96 = arith.constant 1.500000e+00 : f32
    %scan3A_97 = arith.constant 224 : i32
    %scan3A_98 = arith.constant 16 : i32
    %scan3A_99 = arith.addi %scan3A_97, %scan3A_98 : i32
    %scan3A_100 = arith.constant 1 : i32
    %scan3A_101 = scf.for %scan3A_148 = %scan3A_97 to %scan3A_99 step %scan3A_100 iter_args(%scan3A_149 = %scan3A_92) -> (vector<16xf32>)  : i32 {
      %broadcast_in_dim3A_150 = vector.broadcast %scan3A_148 : i32 to vector<16xi32>
      %get3A = arith.index_cast %scan3A_148 : i32 to index
      %get3A_151 = tpu.vector_load %arg7[%get3A] {strides = array<i32>} : memref<272xf32, #tpu.memory_space<vmem>>, vector<16xf32>,
      %get3A_152 = vector.shape_cast %get3A_151 : vector<16xf32> to vector<16xf32>
      %slice3A = vector.extract_strided_slice %get3A_152 {offsets = [0], sizes = [1], strides = [1]} : vector<16xf32> to vector<1xf32>
      %squeeze3A = vector.extract %slice3A[0] : f32 from vector<1xf32>
      %broadcast_in_dim3A_153 = vector.broadcast %squeeze3A : f32 to vector<16xf32>
      %add3A_154 = vector.broadcast %scan3A_94 : f32 to vector<16xf32>
      %add3A_155 = arith.addf %broadcast_in_dim3A_153, %add3A_154 : vector<16xf32>
      %get3A_156 = arith.index_cast %scan3A_148 : i32 to index
      %get3A_157 = tpu.vector_load %arg8[%get3A_156] {strides = array<i32>} : memref<272xf32, #tpu.memory_space<vmem>>, vector<16xf32>,
      %get3A_158 = vector.shape_cast %get3A_157 : vector<16xf32> to vector<16xf32>
      %slice3A_159 = vector.extract_strided_slice %get3A_158 {offsets = [0], sizes = [1], strides = [1]} : vector<16xf32> to vector<1xf32>
      %squeeze3A_160 = vector.extract %slice3A_159[0] : f32 from vector<1xf32>
      %broadcast_in_dim3A_161 = vector.broadcast %squeeze3A_160 : f32 to vector<16xf32>
      %add3A_162 = vector.broadcast %scan3A_94 : f32 to vector<16xf32>
      %add3A_163 = arith.addf %broadcast_in_dim3A_161, %add3A_162 : vector<16xf32>
      %get3A_164 = arith.index_cast %scan3A_148 : i32 to index
      %get3A_165 = tpu.vector_load %arg9[%get3A_164] {strides = array<i32>} : memref<272xf32, #tpu.memory_space<vmem>>, vector<16xf32>,
      %get3A_166 = vector.shape_cast %get3A_165 : vector<16xf32> to vector<16xf32>
      %slice3A_167 = vector.extract_strided_slice %get3A_166 {offsets = [0], sizes = [1], strides = [1]} : vector<16xf32> to vector<1xf32>
      %squeeze3A_168 = vector.extract %slice3A_167[0] : f32 from vector<1xf32>
      %broadcast_in_dim3A_169 = vector.broadcast %squeeze3A_168 : f32 to vector<16xf32>
      %add3A_170 = vector.broadcast %scan3A_94 : f32 to vector<16xf32>
      %add3A_171 = arith.addf %broadcast_in_dim3A_169, %add3A_170 : vector<16xf32>
      %get3A_172 = arith.index_cast %scan3A_148 : i32 to index
      %get3A_173 = tpu.vector_load %arg10[%get3A_172] {strides = array<i32>} : memref<272xf32, #tpu.memory_space<vmem>>, vector<16xf32>,
      %get3A_174 = vector.shape_cast %get3A_173 : vector<16xf32> to vector<16xf32>
      %slice3A_175 = vector.extract_strided_slice %get3A_174 {offsets = [0], sizes = [1], strides = [1]} : vector<16xf32> to vector<1xf32>
      %squeeze3A_176 = vector.extract %slice3A_175[0] : f32 from vector<1xf32>
      %broadcast_in_dim3A_177 = vector.broadcast %squeeze3A_176 : f32 to vector<16xf32>
      %get3A_178 = arith.constant 224 : index
      %get3A_179 = tpu.vector_load %arg7[%get3A_178] {strides = array<i32>} : memref<272xf32, #tpu.memory_space<vmem>>, vector<16xf32>,
      %get3A_180 = vector.shape_cast %get3A_179 : vector<16xf32> to vector<16xf32>
      %get3A_181 = arith.constant 224 : index
      %get3A_182 = tpu.vector_load %arg8[%get3A_181] {strides = array<i32>} : memref<272xf32, #tpu.memory_space<vmem>>, vector<16xf32>,
      %get3A_183 = vector.shape_cast %get3A_182 : vector<16xf32> to vector<16xf32>
      %get3A_184 = arith.constant 224 : index
      %get3A_185 = tpu.vector_load %arg9[%get3A_184] {strides = array<i32>} : memref<272xf32, #tpu.memory_space<vmem>>, vector<16xf32>,
      %get3A_186 = vector.shape_cast %get3A_185 : vector<16xf32> to vector<16xf32>
      %get3A_187 = arith.constant 224 : index
      %get3A_188 = tpu.vector_load %arg10[%get3A_187] {strides = array<i32>} : memref<272xf32, #tpu.memory_space<vmem>>, vector<16xf32>,
      %get3A_189 = vector.shape_cast %get3A_188 : vector<16xf32> to vector<16xf32>
      %sub3A = arith.subf %add3A_155, %get3A_180 : vector<16xf32>
      %sub3A_190 = arith.subf %add3A_163, %get3A_183 : vector<16xf32>
      %sub3A_191 = arith.subf %add3A_171, %get3A_186 : vector<16xf32>
      %mul3A_192 = arith.mulf %sub3A, %sub3A : vector<16xf32>
      %mul3A_193 = arith.mulf %sub3A_190, %sub3A_190 : vector<16xf32>
      %add3A_194 = arith.addf %mul3A_192, %mul3A_193 : vector<16xf32>
      %mul3A_195 = arith.mulf %sub3A_191, %sub3A_191 : vector<16xf32>
      %add3A_196 = arith.addf %add3A_194, %mul3A_195 : vector<16xf32>
      %bitcast_convert_type3A = tpu.bitcast %add3A_196 : vector<16xf32> -> vector<16xi32>
      %shift_right_arithmetic3A = arith.constant 1 : i32
      %shift_right_arithmetic3A_197 = vector.broadcast %shift_right_arithmetic3A : i32 to vector<16xi32>
      %shift_right_arithmetic3A_198 = arith.shrsi %bitcast_convert_type3A, %shift_right_arithmetic3A_197 : vector<16xi32>
      %sub3A_199 = arith.constant 1597463007 : i32
      %sub3A_200 = vector.broadcast %sub3A_199 : i32 to vector<16xi32>
      %sub3A_201 = arith.subi %sub3A_200, %shift_right_arithmetic3A_198 : vector<16xi32>
      %bitcast_convert_type3A_202 = tpu.bitcast %sub3A_201 : vector<16xi32> -> vector<16xf32>
      %mul3A_203 = vector.broadcast %scan3A_95 : f32 to vector<16xf32>
      %mul3A_204 = arith.mulf %mul3A_203, %add3A_196 : vector<16xf32>
      %mul3A_205 = arith.mulf %mul3A_204, %bitcast_convert_type3A_202 : vector<16xf32>
      %mul3A_206 = arith.mulf %mul3A_205, %bitcast_convert_type3A_202 : vector<16xf32>
      %sub3A_207 = vector.broadcast %scan3A_96 : f32 to vector<16xf32>
      %sub3A_208 = arith.subf %sub3A_207, %mul3A_206 : vector<16xf32>
      %mul3A_209 = arith.mulf %bitcast_convert_type3A_202, %sub3A_208 : vector<16xf32>
      %mul3A_210 = arith.mulf %mul3A_204, %mul3A_209 : vector<16xf32>
      %mul3A_211 = arith.mulf %mul3A_210, %mul3A_209 : vector<16xf32>
      %sub3A_212 = vector.broadcast %scan3A_96 : f32 to vector<16xf32>
      %sub3A_213 = arith.subf %sub3A_212, %mul3A_211 : vector<16xf32>
      %mul3A_214 = arith.mulf %mul3A_209, %sub3A_213 : vector<16xf32>
      %mul3A_215 = arith.mulf %broadcast_in_dim3A_177, %get3A_189 : vector<16xf32>
      %mul3A_216 = arith.mulf %mul3A_215, %mul3A_214 : vector<16xf32>
      %add3A_217 = arith.constant 224 : i32
      %add3A_218 = vector.broadcast %add3A_217 : i32 to vector<16xi32>
      %add3A_219 = arith.addi %iota3A, %add3A_218 : vector<16xi32>
      %gt3A = arith.cmpi sgt, %add3A_219, %broadcast_in_dim3A_150 : vector<16xi32>
      %jit3A = arith.constant 0.000000e+00 : f32
      %broadcast_in_dim3A_220 = vector.broadcast %jit3A : f32 to vector<16xf32>
      %select_n3A = arith.select %gt3A, %mul3A_216, %broadcast_in_dim3A_220 : vector<16xi1>, vector<16xf32>
      %add3A_221 = arith.addf %scan3A_149, %select_n3A : vector<16xf32>
      %get3A_222 = arith.constant 240 : index
      %get3A_223 = tpu.vector_load %arg7[%get3A_222] {strides = array<i32>} : memref<272xf32, #tpu.memory_space<vmem>>, vector<16xf32>,
      %get3A_224 = vector.shape_cast %get3A_223 : vector<16xf32> to vector<16xf32>
      %get3A_225 = arith.constant 240 : index
      %get3A_226 = tpu.vector_load %arg8[%get3A_225] {strides = array<i32>} : memref<272xf32, #tpu.memory_space<vmem>>, vector<16xf32>,
      %get3A_227 = vector.shape_cast %get3A_226 : vector<16xf32> to vector<16xf32>
      %get3A_228 = arith.constant 240 : index
      %get3A_229 = tpu.vector_load %arg9[%get3A_228] {strides = array<i32>} : memref<272xf32, #tpu.memory_space<vmem>>, vector<16xf32>,
      %get3A_230 = vector.shape_cast %get3A_229 : vector<16xf32> to vector<16xf32>
      %get3A_231 = arith.constant 240 : index
      %get3A_232 = tpu.vector_load %arg10[%get3A_231] {strides = array<i32>} : memref<272xf32, #tpu.memory_space<vmem>>, vector<16xf32>,
      %get3A_233 = vector.shape_cast %get3A_232 : vector<16xf32> to vector<16xf32>
      %sub3A_234 = arith.subf %add3A_155, %get3A_224 : vector<16xf32>
      %sub3A_235 = arith.subf %add3A_163, %get3A_227 : vector<16xf32>
      %sub3A_236 = arith.subf %add3A_171, %get3A_230 : vector<16xf32>
      %mul3A_237 = arith.mulf %sub3A_234, %sub3A_234 : vector<16xf32>
      %mul3A_238 = arith.mulf %sub3A_235, %sub3A_235 : vector<16xf32>
      %add3A_239 = arith.addf %mul3A_237, %mul3A_238 : vector<16xf32>
      %mul3A_240 = arith.mulf %sub3A_236, %sub3A_236 : vector<16xf32>
      %add3A_241 = arith.addf %add3A_239, %mul3A_240 : vector<16xf32>
      %bitcast_convert_type3A_242 = tpu.bitcast %add3A_241 : vector<16xf32> -> vector<16xi32>
      %shift_right_arithmetic3A_243 = arith.constant 1 : i32
      %shift_right_arithmetic3A_244 = vector.broadcast %shift_right_arithmetic3A_243 : i32 to vector<16xi32>
      %shift_right_arithmetic3A_245 = arith.shrsi %bitcast_convert_type3A_242, %shift_right_arithmetic3A_244 : vector<16xi32>
      %sub3A_246 = arith.constant 1597463007 : i32
      %sub3A_247 = vector.broadcast %sub3A_246 : i32 to vector<16xi32>
      %sub3A_248 = arith.subi %sub3A_247, %shift_right_arithmetic3A_245 : vector<16xi32>
      %bitcast_convert_type3A_249 = tpu.bitcast %sub3A_248 : vector<16xi32> -> vector<16xf32>
      %mul3A_250 = vector.broadcast %scan3A_95 : f32 to vector<16xf32>
      %mul3A_251 = arith.mulf %mul3A_250, %add3A_241 : vector<16xf32>
      %mul3A_252 = arith.mulf %mul3A_251, %bitcast_convert_type3A_249 : vector<16xf32>
      %mul3A_253 = arith.mulf %mul3A_252, %bitcast_convert_type3A_249 : vector<16xf32>
      %sub3A_254 = vector.broadcast %scan3A_96 : f32 to vector<16xf32>
      %sub3A_255 = arith.subf %sub3A_254, %mul3A_253 : vector<16xf32>
      %mul3A_256 = arith.mulf %bitcast_convert_type3A_249, %sub3A_255 : vector<16xf32>
      %mul3A_257 = arith.mulf %mul3A_251, %mul3A_256 : vector<16xf32>
      %mul3A_258 = arith.mulf %mul3A_257, %mul3A_256 : vector<16xf32>
      %sub3A_259 = vector.broadcast %scan3A_96 : f32 to vector<16xf32>
      %sub3A_260 = arith.subf %sub3A_259, %mul3A_258 : vector<16xf32>
      %mul3A_261 = arith.mulf %mul3A_256, %sub3A_260 : vector<16xf32>
      %mul3A_262 = arith.mulf %broadcast_in_dim3A_177, %get3A_233 : vector<16xf32>
      %mul3A_263 = arith.mulf %mul3A_262, %mul3A_261 : vector<16xf32>
      %add3A_264 = arith.addf %add3A_221, %mul3A_263 : vector<16xf32>
      scf.yield %add3A_264 : vector<16xf32>
    }
    %scan3A_102 = arith.constant 16 : i32
    %scan3A_103 = arith.constant 9.99999997E-7 : f32
    %scan3A_104 = arith.constant 5.000000e-01 : f32
    %scan3A_105 = arith.constant 1.500000e+00 : f32
    %scan3A_106 = arith.constant 240 : i32
    %scan3A_107 = arith.constant 16 : i32
    %scan3A_108 = arith.addi %scan3A_106, %scan3A_107 : i32
    %scan3A_109 = arith.constant 1 : i32
    %scan3A_110 = scf.for %scan3A_148 = %scan3A_106 to %scan3A_108 step %scan3A_109 iter_args(%scan3A_149 = %scan3A_101) -> (vector<16xf32>)  : i32 {
      %broadcast_in_dim3A_150 = vector.broadcast %scan3A_148 : i32 to vector<16xi32>
      %get3A = arith.index_cast %scan3A_148 : i32 to index
      %get3A_151 = tpu.vector_load %arg7[%get3A] {strides = array<i32>} : memref<272xf32, #tpu.memory_space<vmem>>, vector<16xf32>,
      %get3A_152 = vector.shape_cast %get3A_151 : vector<16xf32> to vector<16xf32>
      %slice3A = vector.extract_strided_slice %get3A_152 {offsets = [0], sizes = [1], strides = [1]} : vector<16xf32> to vector<1xf32>
      %squeeze3A = vector.extract %slice3A[0] : f32 from vector<1xf32>
      %broadcast_in_dim3A_153 = vector.broadcast %squeeze3A : f32 to vector<16xf32>
      %add3A_154 = vector.broadcast %scan3A_103 : f32 to vector<16xf32>
      %add3A_155 = arith.addf %broadcast_in_dim3A_153, %add3A_154 : vector<16xf32>
      %get3A_156 = arith.index_cast %scan3A_148 : i32 to index
      %get3A_157 = tpu.vector_load %arg8[%get3A_156] {strides = array<i32>} : memref<272xf32, #tpu.memory_space<vmem>>, vector<16xf32>,
      %get3A_158 = vector.shape_cast %get3A_157 : vector<16xf32> to vector<16xf32>
      %slice3A_159 = vector.extract_strided_slice %get3A_158 {offsets = [0], sizes = [1], strides = [1]} : vector<16xf32> to vector<1xf32>
      %squeeze3A_160 = vector.extract %slice3A_159[0] : f32 from vector<1xf32>
      %broadcast_in_dim3A_161 = vector.broadcast %squeeze3A_160 : f32 to vector<16xf32>
      %add3A_162 = vector.broadcast %scan3A_103 : f32 to vector<16xf32>
      %add3A_163 = arith.addf %broadcast_in_dim3A_161, %add3A_162 : vector<16xf32>
      %get3A_164 = arith.index_cast %scan3A_148 : i32 to index
      %get3A_165 = tpu.vector_load %arg9[%get3A_164] {strides = array<i32>} : memref<272xf32, #tpu.memory_space<vmem>>, vector<16xf32>,
      %get3A_166 = vector.shape_cast %get3A_165 : vector<16xf32> to vector<16xf32>
      %slice3A_167 = vector.extract_strided_slice %get3A_166 {offsets = [0], sizes = [1], strides = [1]} : vector<16xf32> to vector<1xf32>
      %squeeze3A_168 = vector.extract %slice3A_167[0] : f32 from vector<1xf32>
      %broadcast_in_dim3A_169 = vector.broadcast %squeeze3A_168 : f32 to vector<16xf32>
      %add3A_170 = vector.broadcast %scan3A_103 : f32 to vector<16xf32>
      %add3A_171 = arith.addf %broadcast_in_dim3A_169, %add3A_170 : vector<16xf32>
      %get3A_172 = arith.index_cast %scan3A_148 : i32 to index
      %get3A_173 = tpu.vector_load %arg10[%get3A_172] {strides = array<i32>} : memref<272xf32, #tpu.memory_space<vmem>>, vector<16xf32>,
      %get3A_174 = vector.shape_cast %get3A_173 : vector<16xf32> to vector<16xf32>
      %slice3A_175 = vector.extract_strided_slice %get3A_174 {offsets = [0], sizes = [1], strides = [1]} : vector<16xf32> to vector<1xf32>
      %squeeze3A_176 = vector.extract %slice3A_175[0] : f32 from vector<1xf32>
      %broadcast_in_dim3A_177 = vector.broadcast %squeeze3A_176 : f32 to vector<16xf32>
      %get3A_178 = arith.constant 240 : index
      %get3A_179 = tpu.vector_load %arg7[%get3A_178] {strides = array<i32>} : memref<272xf32, #tpu.memory_space<vmem>>, vector<16xf32>,
      %get3A_180 = vector.shape_cast %get3A_179 : vector<16xf32> to vector<16xf32>
      %get3A_181 = arith.constant 240 : index
      %get3A_182 = tpu.vector_load %arg8[%get3A_181] {strides = array<i32>} : memref<272xf32, #tpu.memory_space<vmem>>, vector<16xf32>,
      %get3A_183 = vector.shape_cast %get3A_182 : vector<16xf32> to vector<16xf32>
      %get3A_184 = arith.constant 240 : index
      %get3A_185 = tpu.vector_load %arg9[%get3A_184] {strides = array<i32>} : memref<272xf32, #tpu.memory_space<vmem>>, vector<16xf32>,
      %get3A_186 = vector.shape_cast %get3A_185 : vector<16xf32> to vector<16xf32>
      %get3A_187 = arith.constant 240 : index
      %get3A_188 = tpu.vector_load %arg10[%get3A_187] {strides = array<i32>} : memref<272xf32, #tpu.memory_space<vmem>>, vector<16xf32>,
      %get3A_189 = vector.shape_cast %get3A_188 : vector<16xf32> to vector<16xf32>
      %sub3A = arith.subf %add3A_155, %get3A_180 : vector<16xf32>
      %sub3A_190 = arith.subf %add3A_163, %get3A_183 : vector<16xf32>
      %sub3A_191 = arith.subf %add3A_171, %get3A_186 : vector<16xf32>
      %mul3A_192 = arith.mulf %sub3A, %sub3A : vector<16xf32>
      %mul3A_193 = arith.mulf %sub3A_190, %sub3A_190 : vector<16xf32>
      %add3A_194 = arith.addf %mul3A_192, %mul3A_193 : vector<16xf32>
      %mul3A_195 = arith.mulf %sub3A_191, %sub3A_191 : vector<16xf32>
      %add3A_196 = arith.addf %add3A_194, %mul3A_195 : vector<16xf32>
      %bitcast_convert_type3A = tpu.bitcast %add3A_196 : vector<16xf32> -> vector<16xi32>
      %shift_right_arithmetic3A = arith.constant 1 : i32
      %shift_right_arithmetic3A_197 = vector.broadcast %shift_right_arithmetic3A : i32 to vector<16xi32>
      %shift_right_arithmetic3A_198 = arith.shrsi %bitcast_convert_type3A, %shift_right_arithmetic3A_197 : vector<16xi32>
      %sub3A_199 = arith.constant 1597463007 : i32
      %sub3A_200 = vector.broadcast %sub3A_199 : i32 to vector<16xi32>
      %sub3A_201 = arith.subi %sub3A_200, %shift_right_arithmetic3A_198 : vector<16xi32>
      %bitcast_convert_type3A_202 = tpu.bitcast %sub3A_201 : vector<16xi32> -> vector<16xf32>
      %mul3A_203 = vector.broadcast %scan3A_104 : f32 to vector<16xf32>
      %mul3A_204 = arith.mulf %mul3A_203, %add3A_196 : vector<16xf32>
      %mul3A_205 = arith.mulf %mul3A_204, %bitcast_convert_type3A_202 : vector<16xf32>
      %mul3A_206 = arith.mulf %mul3A_205, %bitcast_convert_type3A_202 : vector<16xf32>
      %sub3A_207 = vector.broadcast %scan3A_105 : f32 to vector<16xf32>
      %sub3A_208 = arith.subf %sub3A_207, %mul3A_206 : vector<16xf32>
      %mul3A_209 = arith.mulf %bitcast_convert_type3A_202, %sub3A_208 : vector<16xf32>
      %mul3A_210 = arith.mulf %mul3A_204, %mul3A_209 : vector<16xf32>
      %mul3A_211 = arith.mulf %mul3A_210, %mul3A_209 : vector<16xf32>
      %sub3A_212 = vector.broadcast %scan3A_105 : f32 to vector<16xf32>
      %sub3A_213 = arith.subf %sub3A_212, %mul3A_211 : vector<16xf32>
      %mul3A_214 = arith.mulf %mul3A_209, %sub3A_213 : vector<16xf32>
      %mul3A_215 = arith.mulf %broadcast_in_dim3A_177, %get3A_189 : vector<16xf32>
      %mul3A_216 = arith.mulf %mul3A_215, %mul3A_214 : vector<16xf32>
      %add3A_217 = arith.constant 240 : i32
      %add3A_218 = vector.broadcast %add3A_217 : i32 to vector<16xi32>
      %add3A_219 = arith.addi %iota3A, %add3A_218 : vector<16xi32>
      %gt3A = arith.cmpi sgt, %add3A_219, %broadcast_in_dim3A_150 : vector<16xi32>
      %jit3A = arith.constant 0.000000e+00 : f32
      %broadcast_in_dim3A_220 = vector.broadcast %jit3A : f32 to vector<16xf32>
      %select_n3A = arith.select %gt3A, %mul3A_216, %broadcast_in_dim3A_220 : vector<16xi1>, vector<16xf32>
      %add3A_221 = arith.addf %scan3A_149, %select_n3A : vector<16xf32>
      scf.yield %add3A_221 : vector<16xf32>
    }
    %scan3A_111 = arith.constant 16 : i32
    %iota3A_112 = tpu.iota {dimensions = array<i32: 0>} : vector<16xi32>
    %xor3A = arith.constant 8 : i32
    %xor3A_113 = vector.broadcast %xor3A : i32 to vector<16xi32>
    %xor3A_114 = arith.xori %iota3A_112, %xor3A_113 : vector<16xi32>
    %broadcast_in_dim3A_115 = vector.shape_cast %xor3A_114 : vector<16xi32> to vector<16x1xi32>
    %gather3A = vector.shape_cast %broadcast_in_dim3A_115 : vector<16x1xi32> to vector<16xi32>
    %gather3A_116 = tpu.dynamic_gather %scan3A_110[%gather3A] in [0] : vector<16xf32>, vector<16xi32> -> vector<16xf32>
    %add3A_117 = arith.addf %scan3A_110, %gather3A_116 : vector<16xf32>
    %iota3A_118 = tpu.iota {dimensions = array<i32: 0>} : vector<16xi32>
    %xor3A_119 = arith.constant 4 : i32
    %xor3A_120 = vector.broadcast %xor3A_119 : i32 to vector<16xi32>
    %xor3A_121 = arith.xori %iota3A_118, %xor3A_120 : vector<16xi32>
    %broadcast_in_dim3A_122 = vector.shape_cast %xor3A_121 : vector<16xi32> to vector<16x1xi32>
    %gather3A_123 = vector.shape_cast %broadcast_in_dim3A_122 : vector<16x1xi32> to vector<16xi32>
    %gather3A_124 = tpu.dynamic_gather %add3A_117[%gather3A_123] in [0] : vector<16xf32>, vector<16xi32> -> vector<16xf32>
    %add3A_125 = arith.addf %add3A_117, %gather3A_124 : vector<16xf32>
    %iota3A_126 = tpu.iota {dimensions = array<i32: 0>} : vector<16xi32>
    %xor3A_127 = arith.constant 2 : i32
    %xor3A_128 = vector.broadcast %xor3A_127 : i32 to vector<16xi32>
    %xor3A_129 = arith.xori %iota3A_126, %xor3A_128 : vector<16xi32>
    %broadcast_in_dim3A_130 = vector.shape_cast %xor3A_129 : vector<16xi32> to vector<16x1xi32>
    %gather3A_131 = vector.shape_cast %broadcast_in_dim3A_130 : vector<16x1xi32> to vector<16xi32>
    %gather3A_132 = tpu.dynamic_gather %add3A_125[%gather3A_131] in [0] : vector<16xf32>, vector<16xi32> -> vector<16xf32>
    %add3A_133 = arith.addf %add3A_125, %gather3A_132 : vector<16xf32>
    %iota3A_134 = tpu.iota {dimensions = array<i32: 0>} : vector<16xi32>
    %xor3A_135 = arith.constant 1 : i32
    %xor3A_136 = vector.broadcast %xor3A_135 : i32 to vector<16xi32>
    %xor3A_137 = arith.xori %iota3A_134, %xor3A_136 : vector<16xi32>
    %broadcast_in_dim3A_138 = vector.shape_cast %xor3A_137 : vector<16xi32> to vector<16x1xi32>
    %gather3A_139 = vector.shape_cast %broadcast_in_dim3A_138 : vector<16x1xi32> to vector<16xi32>
    %gather3A_140 = tpu.dynamic_gather %add3A_133[%gather3A_139] in [0] : vector<16xf32>, vector<16xi32> -> vector<16xf32>
    %add3A_141 = arith.addf %add3A_133, %gather3A_140 : vector<16xf32>
    %mul3A_142 = arith.constant 14.3996458 : f32
    %mul3A_143 = vector.broadcast %mul3A_142 : f32 to vector<16xf32>
    %mul3A_144 = arith.mulf %add3A_141, %mul3A_143 : vector<16xf32>
    %swap3A = arith.constant 0 : index
    %swap3A_145 = tpu.vector_load %arg11[%swap3A] {strides = array<i32>} : memref<16xf32, #tpu.memory_space<vmem>>, vector<16xf32>,
    %swap3A_146 = vector.shape_cast %swap3A_145 : vector<16xf32> to vector<16xf32>
    %swap3A_147 = vector.shape_cast %mul3A_144 : vector<16xf32> to vector<16xf32>
    tpu.vector_store %arg11[%swap3A], %swap3A_147 {strides = array<i32>} : memref<16xf32, #tpu.memory_space<vmem>>, vector<16xf32>,
    "tpu.region"() ({
      %run_scoped3A = tpu.sem_alloc : memref<!tpu.dma_semaphore, #tpu.memory_space<semaphore_mem>>
      %dma_start3A_148 = arith.constant 0 : i32
      %dma_start3A_149 = tpu.memref_slice %arg6[%add3A, %dma_start3A_148] : memref<32x16xf32, #tpu.memory_space<hbm>> -> memref<1x16xf32, #tpu.memory_space<hbm>>
      %dma_start3A_150 = tpu.memref_squeeze %dma_start3A_149 : memref<1x16xf32, #tpu.memory_space<hbm>> -> memref<16xf32, #tpu.memory_space<hbm>>
      %dma_start3A_151 = arith.constant 0 : i32
      %dma_start3A_152 = tpu.memref_slice %arg6[%add3A, %dma_start3A_151] : memref<32x16xf32, #tpu.memory_space<hbm>> -> memref<1x16xf32, #tpu.memory_space<hbm>>
      %dma_start3A_153 = tpu.memref_squeeze %dma_start3A_152 : memref<1x16xf32, #tpu.memory_space<hbm>> -> memref<16xf32, #tpu.memory_space<hbm>>
      tpu.enqueue_dma source(%arg11 : memref<16xf32, #tpu.memory_space<vmem>>) target(%dma_start3A_153 : memref<16xf32, #tpu.memory_space<hbm>>) target_semaphore(%run_scoped3A : memref<!tpu.dma_semaphore, #tpu.memory_space<semaphore_mem>>)
      %dma_wait3A_154 = arith.constant 0 : i32
      %dma_wait3A_155 = tpu.memref_slice %arg6[%add3A, %dma_wait3A_154] : memref<32x16xf32, #tpu.memory_space<hbm>> -> memref<1x16xf32, #tpu.memory_space<hbm>>
      %dma_wait3A_156 = tpu.memref_squeeze %dma_wait3A_155 : memref<1x16xf32, #tpu.memory_space<hbm>> -> memref<16xf32, #tpu.memory_space<hbm>>
      %dma_wait3A_157 = arith.constant 0 : i32
      %dma_wait3A_158 = tpu.memref_slice %arg6[%add3A, %dma_wait3A_157] : memref<32x16xf32, #tpu.memory_space<hbm>> -> memref<1x16xf32, #tpu.memory_space<hbm>>
      %dma_wait3A_159 = tpu.memref_squeeze %dma_wait3A_158 : memref<1x16xf32, #tpu.memory_space<hbm>> -> memref<16xf32, #tpu.memory_space<hbm>>
      tpu.wait_dma2 semaphore(%run_scoped3A : memref<!tpu.dma_semaphore, #tpu.memory_space<semaphore_mem>>) src(%arg11 : memref<16xf32, #tpu.memory_space<vmem>>) dst(%dma_wait3A_159 : memref<16xf32, #tpu.memory_space<hbm>>)
      tpu.yield
    }) : () -> ()
    return
  }
}

module attributes {stable_mosaic.version = 14 : i64} {
  func.func @body(%arg0: i32, %arg1: memref<4x1x256xf32, #tpu.memory_space<vmem>>, %arg2: memref<4x1x256xf32, #tpu.memory_space<vmem>>, %arg3: memref<4x1x256xf32, #tpu.memory_space<vmem>>, %arg4: memref<4x1x256xf32, #tpu.memory_space<vmem>>, %arg5: memref<4x1x128xf32, #tpu.memory_space<vmem>>) attributes {dimension_semantics = [#tpu.dimension_semantics<arbitrary>], iteration_bounds = array<i64: 8>, scalar_prefetch = 0 : i64, scratch_operands = 0 : i64, tpu.core_type = #tpu.core_type<tc>, window_params = [{transform_indices = @transform_0, window_bounds = array<i64: 4, 1, 256>}, {transform_indices = @transform_1, window_bounds = array<i64: 4, 1, 256>}, {transform_indices = @transform_2, window_bounds = array<i64: 4, 1, 256>}, {transform_indices = @transform_3, window_bounds = array<i64: 4, 1, 256>}, {transform_indices = @transform_4, window_bounds = array<i64: 4, 1, 128>}]} {
    %iota3A = tpu.iota {dimensions = array<i32: 0>} : vector<144x256xi32>
    %iota3A_0 = tpu.iota {dimensions = array<i32: 1>} : vector<144x256xi32>
    %gt3A = arith.cmpi sgt, %iota3A_0, %iota3A : vector<144x256xi32>
    %get3A = arith.constant 0 : index
    %get3A_1 = arith.constant 0 : index
    %get3A_2 = arith.constant 0 : index
    %get3A_3 = vector.load %arg1[%get3A, %get3A_1, %get3A_2] : memref<4x1x256xf32, #tpu.memory_space<vmem>>, vector<1x1x256xf32>
    %get3A_4 = vector.shape_cast %get3A_3 : vector<1x1x256xf32> to vector<256xf32>
    %get3A_5 = arith.constant 0 : index
    %get3A_6 = arith.constant 0 : index
    %get3A_7 = arith.constant 0 : index
    %get3A_8 = vector.load %arg2[%get3A_5, %get3A_6, %get3A_7] : memref<4x1x256xf32, #tpu.memory_space<vmem>>, vector<1x1x256xf32>
    %get3A_9 = vector.shape_cast %get3A_8 : vector<1x1x256xf32> to vector<256xf32>
    %get3A_10 = arith.constant 0 : index
    %get3A_11 = arith.constant 0 : index
    %get3A_12 = arith.constant 0 : index
    %get3A_13 = vector.load %arg3[%get3A_10, %get3A_11, %get3A_12] : memref<4x1x256xf32, #tpu.memory_space<vmem>>, vector<1x1x256xf32>
    %get3A_14 = vector.shape_cast %get3A_13 : vector<1x1x256xf32> to vector<256xf32>
    %get3A_15 = arith.constant 0 : index
    %get3A_16 = arith.constant 0 : index
    %get3A_17 = arith.constant 0 : index
    %get3A_18 = vector.load %arg4[%get3A_15, %get3A_16, %get3A_17] : memref<4x1x256xf32, #tpu.memory_space<vmem>>, vector<1x1x256xf32>
    %get3A_19 = vector.shape_cast %get3A_18 : vector<1x1x256xf32> to vector<256xf32>
    %slice3A = vector.extract_strided_slice %get3A_4 {offsets = [0], sizes = [144], strides = [1]} : vector<256xf32> to vector<144xf32>
    %reshape3A = vector.shape_cast %slice3A : vector<144xf32> to vector<144x1xf32>
    %reshape3A_20 = vector.shape_cast %get3A_4 : vector<256xf32> to vector<1x256xf32>
    %sub3A = vector.broadcast %reshape3A : vector<144x1xf32> to vector<144x256xf32>
    %sub3A_21 = vector.broadcast %reshape3A_20 : vector<1x256xf32> to vector<144x256xf32>
    %sub3A_22 = arith.subf %sub3A, %sub3A_21 : vector<144x256xf32>
    %add3A = arith.constant 9.99999997E-7 : f32
    %add3A_23 = vector.broadcast %add3A : f32 to vector<144x256xf32>
    %add3A_24 = arith.addf %sub3A_22, %add3A_23 : vector<144x256xf32>
    %slice3A_25 = vector.extract_strided_slice %get3A_9 {offsets = [0], sizes = [144], strides = [1]} : vector<256xf32> to vector<144xf32>
    %reshape3A_26 = vector.shape_cast %slice3A_25 : vector<144xf32> to vector<144x1xf32>
    %reshape3A_27 = vector.shape_cast %get3A_9 : vector<256xf32> to vector<1x256xf32>
    %sub3A_28 = vector.broadcast %reshape3A_26 : vector<144x1xf32> to vector<144x256xf32>
    %sub3A_29 = vector.broadcast %reshape3A_27 : vector<1x256xf32> to vector<144x256xf32>
    %sub3A_30 = arith.subf %sub3A_28, %sub3A_29 : vector<144x256xf32>
    %add3A_31 = arith.constant 9.99999997E-7 : f32
    %add3A_32 = vector.broadcast %add3A_31 : f32 to vector<144x256xf32>
    %add3A_33 = arith.addf %sub3A_30, %add3A_32 : vector<144x256xf32>
    %slice3A_34 = vector.extract_strided_slice %get3A_14 {offsets = [0], sizes = [144], strides = [1]} : vector<256xf32> to vector<144xf32>
    %reshape3A_35 = vector.shape_cast %slice3A_34 : vector<144xf32> to vector<144x1xf32>
    %reshape3A_36 = vector.shape_cast %get3A_14 : vector<256xf32> to vector<1x256xf32>
    %sub3A_37 = vector.broadcast %reshape3A_35 : vector<144x1xf32> to vector<144x256xf32>
    %sub3A_38 = vector.broadcast %reshape3A_36 : vector<1x256xf32> to vector<144x256xf32>
    %sub3A_39 = arith.subf %sub3A_37, %sub3A_38 : vector<144x256xf32>
    %add3A_40 = arith.constant 9.99999997E-7 : f32
    %add3A_41 = vector.broadcast %add3A_40 : f32 to vector<144x256xf32>
    %add3A_42 = arith.addf %sub3A_39, %add3A_41 : vector<144x256xf32>
    %mul3A = arith.mulf %add3A_24, %add3A_24 : vector<144x256xf32>
    %mul3A_43 = arith.mulf %add3A_33, %add3A_33 : vector<144x256xf32>
    %add3A_44 = arith.addf %mul3A, %mul3A_43 : vector<144x256xf32>
    %mul3A_45 = arith.mulf %add3A_42, %add3A_42 : vector<144x256xf32>
    %add3A_46 = arith.addf %add3A_44, %mul3A_45 : vector<144x256xf32>
    %rsqrt3A = math.rsqrt %add3A_46 : vector<144x256xf32>
    %slice3A_47 = vector.extract_strided_slice %get3A_19 {offsets = [0], sizes = [144], strides = [1]} : vector<256xf32> to vector<144xf32>
    %reshape3A_48 = vector.shape_cast %slice3A_47 : vector<144xf32> to vector<144x1xf32>
    %reshape3A_49 = vector.shape_cast %get3A_19 : vector<256xf32> to vector<1x256xf32>
    %mul3A_50 = vector.broadcast %reshape3A_48 : vector<144x1xf32> to vector<144x256xf32>
    %mul3A_51 = vector.broadcast %reshape3A_49 : vector<1x256xf32> to vector<144x256xf32>
    %mul3A_52 = arith.mulf %mul3A_50, %mul3A_51 : vector<144x256xf32>
    %mul3A_53 = arith.mulf %mul3A_52, %rsqrt3A : vector<144x256xf32>
    %jit3A = arith.constant 0.000000e+00 : f32
    %broadcast_in_dim3A = vector.broadcast %jit3A : f32 to vector<144x256xf32>
    %select_n3A = arith.select %gt3A, %mul3A_53, %broadcast_in_dim3A : vector<144x256xi1>, vector<144x256xf32>
    %broadcast_in_dim3A_54 = arith.constant 0.000000e+00 : f32
    %broadcast_in_dim3A_55 = vector.broadcast %broadcast_in_dim3A_54 : f32 to vector<8x128xf32>
    %slice3A_56 = vector.extract_strided_slice %select_n3A {offsets = [0, 0], sizes = [8, 128], strides = [1, 1]} : vector<144x256xf32> to vector<8x128xf32>
    %add3A_57 = arith.addf %broadcast_in_dim3A_55, %slice3A_56 : vector<8x128xf32>
    %slice3A_58 = vector.extract_strided_slice %select_n3A {offsets = [0, 128], sizes = [8, 128], strides = [1, 1]} : vector<144x256xf32> to vector<8x128xf32>
    %add3A_59 = arith.addf %add3A_57, %slice3A_58 : vector<8x128xf32>
    %slice3A_60 = vector.extract_strided_slice %select_n3A {offsets = [8, 0], sizes = [8, 128], strides = [1, 1]} : vector<144x256xf32> to vector<8x128xf32>
    %add3A_61 = arith.addf %add3A_59, %slice3A_60 : vector<8x128xf32>
    %slice3A_62 = vector.extract_strided_slice %select_n3A {offsets = [8, 128], sizes = [8, 128], strides = [1, 1]} : vector<144x256xf32> to vector<8x128xf32>
    %add3A_63 = arith.addf %add3A_61, %slice3A_62 : vector<8x128xf32>
    %slice3A_64 = vector.extract_strided_slice %select_n3A {offsets = [16, 0], sizes = [8, 128], strides = [1, 1]} : vector<144x256xf32> to vector<8x128xf32>
    %add3A_65 = arith.addf %add3A_63, %slice3A_64 : vector<8x128xf32>
    %slice3A_66 = vector.extract_strided_slice %select_n3A {offsets = [16, 128], sizes = [8, 128], strides = [1, 1]} : vector<144x256xf32> to vector<8x128xf32>
    %add3A_67 = arith.addf %add3A_65, %slice3A_66 : vector<8x128xf32>
    %slice3A_68 = vector.extract_strided_slice %select_n3A {offsets = [24, 0], sizes = [8, 128], strides = [1, 1]} : vector<144x256xf32> to vector<8x128xf32>
    %add3A_69 = arith.addf %add3A_67, %slice3A_68 : vector<8x128xf32>
    %slice3A_70 = vector.extract_strided_slice %select_n3A {offsets = [24, 128], sizes = [8, 128], strides = [1, 1]} : vector<144x256xf32> to vector<8x128xf32>
    %add3A_71 = arith.addf %add3A_69, %slice3A_70 : vector<8x128xf32>
    %slice3A_72 = vector.extract_strided_slice %select_n3A {offsets = [32, 0], sizes = [8, 128], strides = [1, 1]} : vector<144x256xf32> to vector<8x128xf32>
    %add3A_73 = arith.addf %add3A_71, %slice3A_72 : vector<8x128xf32>
    %slice3A_74 = vector.extract_strided_slice %select_n3A {offsets = [32, 128], sizes = [8, 128], strides = [1, 1]} : vector<144x256xf32> to vector<8x128xf32>
    %add3A_75 = arith.addf %add3A_73, %slice3A_74 : vector<8x128xf32>
    %slice3A_76 = vector.extract_strided_slice %select_n3A {offsets = [40, 0], sizes = [8, 128], strides = [1, 1]} : vector<144x256xf32> to vector<8x128xf32>
    %add3A_77 = arith.addf %add3A_75, %slice3A_76 : vector<8x128xf32>
    %slice3A_78 = vector.extract_strided_slice %select_n3A {offsets = [40, 128], sizes = [8, 128], strides = [1, 1]} : vector<144x256xf32> to vector<8x128xf32>
    %add3A_79 = arith.addf %add3A_77, %slice3A_78 : vector<8x128xf32>
    %slice3A_80 = vector.extract_strided_slice %select_n3A {offsets = [48, 0], sizes = [8, 128], strides = [1, 1]} : vector<144x256xf32> to vector<8x128xf32>
    %add3A_81 = arith.addf %add3A_79, %slice3A_80 : vector<8x128xf32>
    %slice3A_82 = vector.extract_strided_slice %select_n3A {offsets = [48, 128], sizes = [8, 128], strides = [1, 1]} : vector<144x256xf32> to vector<8x128xf32>
    %add3A_83 = arith.addf %add3A_81, %slice3A_82 : vector<8x128xf32>
    %slice3A_84 = vector.extract_strided_slice %select_n3A {offsets = [56, 0], sizes = [8, 128], strides = [1, 1]} : vector<144x256xf32> to vector<8x128xf32>
    %add3A_85 = arith.addf %add3A_83, %slice3A_84 : vector<8x128xf32>
    %slice3A_86 = vector.extract_strided_slice %select_n3A {offsets = [56, 128], sizes = [8, 128], strides = [1, 1]} : vector<144x256xf32> to vector<8x128xf32>
    %add3A_87 = arith.addf %add3A_85, %slice3A_86 : vector<8x128xf32>
    %slice3A_88 = vector.extract_strided_slice %select_n3A {offsets = [64, 0], sizes = [8, 128], strides = [1, 1]} : vector<144x256xf32> to vector<8x128xf32>
    %add3A_89 = arith.addf %add3A_87, %slice3A_88 : vector<8x128xf32>
    %slice3A_90 = vector.extract_strided_slice %select_n3A {offsets = [64, 128], sizes = [8, 128], strides = [1, 1]} : vector<144x256xf32> to vector<8x128xf32>
    %add3A_91 = arith.addf %add3A_89, %slice3A_90 : vector<8x128xf32>
    %slice3A_92 = vector.extract_strided_slice %select_n3A {offsets = [72, 0], sizes = [8, 128], strides = [1, 1]} : vector<144x256xf32> to vector<8x128xf32>
    %add3A_93 = arith.addf %add3A_91, %slice3A_92 : vector<8x128xf32>
    %slice3A_94 = vector.extract_strided_slice %select_n3A {offsets = [72, 128], sizes = [8, 128], strides = [1, 1]} : vector<144x256xf32> to vector<8x128xf32>
    %add3A_95 = arith.addf %add3A_93, %slice3A_94 : vector<8x128xf32>
    %slice3A_96 = vector.extract_strided_slice %select_n3A {offsets = [80, 0], sizes = [8, 128], strides = [1, 1]} : vector<144x256xf32> to vector<8x128xf32>
    %add3A_97 = arith.addf %add3A_95, %slice3A_96 : vector<8x128xf32>
    %slice3A_98 = vector.extract_strided_slice %select_n3A {offsets = [80, 128], sizes = [8, 128], strides = [1, 1]} : vector<144x256xf32> to vector<8x128xf32>
    %add3A_99 = arith.addf %add3A_97, %slice3A_98 : vector<8x128xf32>
    %slice3A_100 = vector.extract_strided_slice %select_n3A {offsets = [88, 0], sizes = [8, 128], strides = [1, 1]} : vector<144x256xf32> to vector<8x128xf32>
    %add3A_101 = arith.addf %add3A_99, %slice3A_100 : vector<8x128xf32>
    %slice3A_102 = vector.extract_strided_slice %select_n3A {offsets = [88, 128], sizes = [8, 128], strides = [1, 1]} : vector<144x256xf32> to vector<8x128xf32>
    %add3A_103 = arith.addf %add3A_101, %slice3A_102 : vector<8x128xf32>
    %slice3A_104 = vector.extract_strided_slice %select_n3A {offsets = [96, 0], sizes = [8, 128], strides = [1, 1]} : vector<144x256xf32> to vector<8x128xf32>
    %add3A_105 = arith.addf %add3A_103, %slice3A_104 : vector<8x128xf32>
    %slice3A_106 = vector.extract_strided_slice %select_n3A {offsets = [96, 128], sizes = [8, 128], strides = [1, 1]} : vector<144x256xf32> to vector<8x128xf32>
    %add3A_107 = arith.addf %add3A_105, %slice3A_106 : vector<8x128xf32>
    %slice3A_108 = vector.extract_strided_slice %select_n3A {offsets = [104, 0], sizes = [8, 128], strides = [1, 1]} : vector<144x256xf32> to vector<8x128xf32>
    %add3A_109 = arith.addf %add3A_107, %slice3A_108 : vector<8x128xf32>
    %slice3A_110 = vector.extract_strided_slice %select_n3A {offsets = [104, 128], sizes = [8, 128], strides = [1, 1]} : vector<144x256xf32> to vector<8x128xf32>
    %add3A_111 = arith.addf %add3A_109, %slice3A_110 : vector<8x128xf32>
    %slice3A_112 = vector.extract_strided_slice %select_n3A {offsets = [112, 0], sizes = [8, 128], strides = [1, 1]} : vector<144x256xf32> to vector<8x128xf32>
    %add3A_113 = arith.addf %add3A_111, %slice3A_112 : vector<8x128xf32>
    %slice3A_114 = vector.extract_strided_slice %select_n3A {offsets = [112, 128], sizes = [8, 128], strides = [1, 1]} : vector<144x256xf32> to vector<8x128xf32>
    %add3A_115 = arith.addf %add3A_113, %slice3A_114 : vector<8x128xf32>
    %slice3A_116 = vector.extract_strided_slice %select_n3A {offsets = [120, 0], sizes = [8, 128], strides = [1, 1]} : vector<144x256xf32> to vector<8x128xf32>
    %add3A_117 = arith.addf %add3A_115, %slice3A_116 : vector<8x128xf32>
    %slice3A_118 = vector.extract_strided_slice %select_n3A {offsets = [120, 128], sizes = [8, 128], strides = [1, 1]} : vector<144x256xf32> to vector<8x128xf32>
    %add3A_119 = arith.addf %add3A_117, %slice3A_118 : vector<8x128xf32>
    %slice3A_120 = vector.extract_strided_slice %select_n3A {offsets = [128, 0], sizes = [8, 128], strides = [1, 1]} : vector<144x256xf32> to vector<8x128xf32>
    %add3A_121 = arith.addf %add3A_119, %slice3A_120 : vector<8x128xf32>
    %slice3A_122 = vector.extract_strided_slice %select_n3A {offsets = [128, 128], sizes = [8, 128], strides = [1, 1]} : vector<144x256xf32> to vector<8x128xf32>
    %add3A_123 = arith.addf %add3A_121, %slice3A_122 : vector<8x128xf32>
    %slice3A_124 = vector.extract_strided_slice %select_n3A {offsets = [136, 0], sizes = [8, 128], strides = [1, 1]} : vector<144x256xf32> to vector<8x128xf32>
    %add3A_125 = arith.addf %add3A_123, %slice3A_124 : vector<8x128xf32>
    %slice3A_126 = vector.extract_strided_slice %select_n3A {offsets = [136, 128], sizes = [8, 128], strides = [1, 1]} : vector<144x256xf32> to vector<8x128xf32>
    %add3A_127 = arith.addf %add3A_125, %slice3A_126 : vector<8x128xf32>
    %reduce_sum3A = vector.shape_cast %add3A_127 : vector<8x128xf32> to vector<1x8x128xf32>
    %reduce_sum3A_128 = arith.constant dense<0.000000e+00> : vector<1xf32>
    %reduce_sum3A_129 = vector.multi_reduction <add>, %reduce_sum3A, %reduce_sum3A_128 [1, 2] : vector<1x8x128xf32> to vector<1xf32>
    %reduce_sum3A_130 = vector.shape_cast %reduce_sum3A_129 : vector<1xf32> to vector<1x1x1xf32>
    %reduce_sum3A_131 = vector.extract %reduce_sum3A_130[0, 0, 0] : f32 from vector<1x1x1xf32>
    %mul3A_132 = arith.constant 14.3996458 : f32
    %mul3A_133 = arith.mulf %reduce_sum3A_131, %mul3A_132 : f32
    %broadcast_in_dim3A_134 = vector.broadcast %mul3A_133 : f32 to vector<128xf32>
    %swap3A = arith.constant 0 : index
    %swap3A_135 = arith.constant 0 : index
    %swap3A_136 = arith.constant 0 : index
    %swap3A_137 = vector.load %arg5[%swap3A, %swap3A_135, %swap3A_136] : memref<4x1x128xf32, #tpu.memory_space<vmem>>, vector<1x1x128xf32>
    %swap3A_138 = vector.shape_cast %swap3A_137 : vector<1x1x128xf32> to vector<128xf32>
    %swap3A_139 = vector.shape_cast %broadcast_in_dim3A_134 : vector<128xf32> to vector<1x1x128xf32>
    tpu.vector_store %arg5[%swap3A, %swap3A_135, %swap3A_136], %swap3A_139 {strides = array<i32>} : memref<4x1x128xf32, #tpu.memory_space<vmem>>, vector<1x1x128xf32>,
    %get3A_140 = arith.constant 1 : index
    %get3A_141 = arith.constant 0 : index
    %get3A_142 = arith.constant 0 : index
    %get3A_143 = vector.load %arg1[%get3A_140, %get3A_141, %get3A_142] : memref<4x1x256xf32, #tpu.memory_space<vmem>>, vector<1x1x256xf32>
    %get3A_144 = vector.shape_cast %get3A_143 : vector<1x1x256xf32> to vector<256xf32>
    %get3A_145 = arith.constant 1 : index
    %get3A_146 = arith.constant 0 : index
    %get3A_147 = arith.constant 0 : index
    %get3A_148 = vector.load %arg2[%get3A_145, %get3A_146, %get3A_147] : memref<4x1x256xf32, #tpu.memory_space<vmem>>, vector<1x1x256xf32>
    %get3A_149 = vector.shape_cast %get3A_148 : vector<1x1x256xf32> to vector<256xf32>
    %get3A_150 = arith.constant 1 : index
    %get3A_151 = arith.constant 0 : index
    %get3A_152 = arith.constant 0 : index
    %get3A_153 = vector.load %arg3[%get3A_150, %get3A_151, %get3A_152] : memref<4x1x256xf32, #tpu.memory_space<vmem>>, vector<1x1x256xf32>
    %get3A_154 = vector.shape_cast %get3A_153 : vector<1x1x256xf32> to vector<256xf32>
    %get3A_155 = arith.constant 1 : index
    %get3A_156 = arith.constant 0 : index
    %get3A_157 = arith.constant 0 : index
    %get3A_158 = vector.load %arg4[%get3A_155, %get3A_156, %get3A_157] : memref<4x1x256xf32, #tpu.memory_space<vmem>>, vector<1x1x256xf32>
    %get3A_159 = vector.shape_cast %get3A_158 : vector<1x1x256xf32> to vector<256xf32>
    %slice3A_160 = vector.extract_strided_slice %get3A_144 {offsets = [0], sizes = [144], strides = [1]} : vector<256xf32> to vector<144xf32>
    %reshape3A_161 = vector.shape_cast %slice3A_160 : vector<144xf32> to vector<144x1xf32>
    %reshape3A_162 = vector.shape_cast %get3A_144 : vector<256xf32> to vector<1x256xf32>
    %sub3A_163 = vector.broadcast %reshape3A_161 : vector<144x1xf32> to vector<144x256xf32>
    %sub3A_164 = vector.broadcast %reshape3A_162 : vector<1x256xf32> to vector<144x256xf32>
    %sub3A_165 = arith.subf %sub3A_163, %sub3A_164 : vector<144x256xf32>
    %add3A_166 = arith.constant 9.99999997E-7 : f32
    %add3A_167 = vector.broadcast %add3A_166 : f32 to vector<144x256xf32>
    %add3A_168 = arith.addf %sub3A_165, %add3A_167 : vector<144x256xf32>
    %slice3A_169 = vector.extract_strided_slice %get3A_149 {offsets = [0], sizes = [144], strides = [1]} : vector<256xf32> to vector<144xf32>
    %reshape3A_170 = vector.shape_cast %slice3A_169 : vector<144xf32> to vector<144x1xf32>
    %reshape3A_171 = vector.shape_cast %get3A_149 : vector<256xf32> to vector<1x256xf32>
    %sub3A_172 = vector.broadcast %reshape3A_170 : vector<144x1xf32> to vector<144x256xf32>
    %sub3A_173 = vector.broadcast %reshape3A_171 : vector<1x256xf32> to vector<144x256xf32>
    %sub3A_174 = arith.subf %sub3A_172, %sub3A_173 : vector<144x256xf32>
    %add3A_175 = arith.constant 9.99999997E-7 : f32
    %add3A_176 = vector.broadcast %add3A_175 : f32 to vector<144x256xf32>
    %add3A_177 = arith.addf %sub3A_174, %add3A_176 : vector<144x256xf32>
    %slice3A_178 = vector.extract_strided_slice %get3A_154 {offsets = [0], sizes = [144], strides = [1]} : vector<256xf32> to vector<144xf32>
    %reshape3A_179 = vector.shape_cast %slice3A_178 : vector<144xf32> to vector<144x1xf32>
    %reshape3A_180 = vector.shape_cast %get3A_154 : vector<256xf32> to vector<1x256xf32>
    %sub3A_181 = vector.broadcast %reshape3A_179 : vector<144x1xf32> to vector<144x256xf32>
    %sub3A_182 = vector.broadcast %reshape3A_180 : vector<1x256xf32> to vector<144x256xf32>
    %sub3A_183 = arith.subf %sub3A_181, %sub3A_182 : vector<144x256xf32>
    %add3A_184 = arith.constant 9.99999997E-7 : f32
    %add3A_185 = vector.broadcast %add3A_184 : f32 to vector<144x256xf32>
    %add3A_186 = arith.addf %sub3A_183, %add3A_185 : vector<144x256xf32>
    %mul3A_187 = arith.mulf %add3A_168, %add3A_168 : vector<144x256xf32>
    %mul3A_188 = arith.mulf %add3A_177, %add3A_177 : vector<144x256xf32>
    %add3A_189 = arith.addf %mul3A_187, %mul3A_188 : vector<144x256xf32>
    %mul3A_190 = arith.mulf %add3A_186, %add3A_186 : vector<144x256xf32>
    %add3A_191 = arith.addf %add3A_189, %mul3A_190 : vector<144x256xf32>
    %rsqrt3A_192 = math.rsqrt %add3A_191 : vector<144x256xf32>
    %slice3A_193 = vector.extract_strided_slice %get3A_159 {offsets = [0], sizes = [144], strides = [1]} : vector<256xf32> to vector<144xf32>
    %reshape3A_194 = vector.shape_cast %slice3A_193 : vector<144xf32> to vector<144x1xf32>
    %reshape3A_195 = vector.shape_cast %get3A_159 : vector<256xf32> to vector<1x256xf32>
    %mul3A_196 = vector.broadcast %reshape3A_194 : vector<144x1xf32> to vector<144x256xf32>
    %mul3A_197 = vector.broadcast %reshape3A_195 : vector<1x256xf32> to vector<144x256xf32>
    %mul3A_198 = arith.mulf %mul3A_196, %mul3A_197 : vector<144x256xf32>
    %mul3A_199 = arith.mulf %mul3A_198, %rsqrt3A_192 : vector<144x256xf32>
    %jit3A_200 = arith.constant 0.000000e+00 : f32
    %broadcast_in_dim3A_201 = vector.broadcast %jit3A_200 : f32 to vector<144x256xf32>
    %select_n3A_202 = arith.select %gt3A, %mul3A_199, %broadcast_in_dim3A_201 : vector<144x256xi1>, vector<144x256xf32>
    %broadcast_in_dim3A_203 = arith.constant 0.000000e+00 : f32
    %broadcast_in_dim3A_204 = vector.broadcast %broadcast_in_dim3A_203 : f32 to vector<8x128xf32>
    %slice3A_205 = vector.extract_strided_slice %select_n3A_202 {offsets = [0, 0], sizes = [8, 128], strides = [1, 1]} : vector<144x256xf32> to vector<8x128xf32>
    %add3A_206 = arith.addf %broadcast_in_dim3A_204, %slice3A_205 : vector<8x128xf32>
    %slice3A_207 = vector.extract_strided_slice %select_n3A_202 {offsets = [0, 128], sizes = [8, 128], strides = [1, 1]} : vector<144x256xf32> to vector<8x128xf32>
    %add3A_208 = arith.addf %add3A_206, %slice3A_207 : vector<8x128xf32>
    %slice3A_209 = vector.extract_strided_slice %select_n3A_202 {offsets = [8, 0], sizes = [8, 128], strides = [1, 1]} : vector<144x256xf32> to vector<8x128xf32>
    %add3A_210 = arith.addf %add3A_208, %slice3A_209 : vector<8x128xf32>
    %slice3A_211 = vector.extract_strided_slice %select_n3A_202 {offsets = [8, 128], sizes = [8, 128], strides = [1, 1]} : vector<144x256xf32> to vector<8x128xf32>
    %add3A_212 = arith.addf %add3A_210, %slice3A_211 : vector<8x128xf32>
    %slice3A_213 = vector.extract_strided_slice %select_n3A_202 {offsets = [16, 0], sizes = [8, 128], strides = [1, 1]} : vector<144x256xf32> to vector<8x128xf32>
    %add3A_214 = arith.addf %add3A_212, %slice3A_213 : vector<8x128xf32>
    %slice3A_215 = vector.extract_strided_slice %select_n3A_202 {offsets = [16, 128], sizes = [8, 128], strides = [1, 1]} : vector<144x256xf32> to vector<8x128xf32>
    %add3A_216 = arith.addf %add3A_214, %slice3A_215 : vector<8x128xf32>
    %slice3A_217 = vector.extract_strided_slice %select_n3A_202 {offsets = [24, 0], sizes = [8, 128], strides = [1, 1]} : vector<144x256xf32> to vector<8x128xf32>
    %add3A_218 = arith.addf %add3A_216, %slice3A_217 : vector<8x128xf32>
    %slice3A_219 = vector.extract_strided_slice %select_n3A_202 {offsets = [24, 128], sizes = [8, 128], strides = [1, 1]} : vector<144x256xf32> to vector<8x128xf32>
    %add3A_220 = arith.addf %add3A_218, %slice3A_219 : vector<8x128xf32>
    %slice3A_221 = vector.extract_strided_slice %select_n3A_202 {offsets = [32, 0], sizes = [8, 128], strides = [1, 1]} : vector<144x256xf32> to vector<8x128xf32>
    %add3A_222 = arith.addf %add3A_220, %slice3A_221 : vector<8x128xf32>
    %slice3A_223 = vector.extract_strided_slice %select_n3A_202 {offsets = [32, 128], sizes = [8, 128], strides = [1, 1]} : vector<144x256xf32> to vector<8x128xf32>
    %add3A_224 = arith.addf %add3A_222, %slice3A_223 : vector<8x128xf32>
    %slice3A_225 = vector.extract_strided_slice %select_n3A_202 {offsets = [40, 0], sizes = [8, 128], strides = [1, 1]} : vector<144x256xf32> to vector<8x128xf32>
    %add3A_226 = arith.addf %add3A_224, %slice3A_225 : vector<8x128xf32>
    %slice3A_227 = vector.extract_strided_slice %select_n3A_202 {offsets = [40, 128], sizes = [8, 128], strides = [1, 1]} : vector<144x256xf32> to vector<8x128xf32>
    %add3A_228 = arith.addf %add3A_226, %slice3A_227 : vector<8x128xf32>
    %slice3A_229 = vector.extract_strided_slice %select_n3A_202 {offsets = [48, 0], sizes = [8, 128], strides = [1, 1]} : vector<144x256xf32> to vector<8x128xf32>
    %add3A_230 = arith.addf %add3A_228, %slice3A_229 : vector<8x128xf32>
    %slice3A_231 = vector.extract_strided_slice %select_n3A_202 {offsets = [48, 128], sizes = [8, 128], strides = [1, 1]} : vector<144x256xf32> to vector<8x128xf32>
    %add3A_232 = arith.addf %add3A_230, %slice3A_231 : vector<8x128xf32>
    %slice3A_233 = vector.extract_strided_slice %select_n3A_202 {offsets = [56, 0], sizes = [8, 128], strides = [1, 1]} : vector<144x256xf32> to vector<8x128xf32>
    %add3A_234 = arith.addf %add3A_232, %slice3A_233 : vector<8x128xf32>
    %slice3A_235 = vector.extract_strided_slice %select_n3A_202 {offsets = [56, 128], sizes = [8, 128], strides = [1, 1]} : vector<144x256xf32> to vector<8x128xf32>
    %add3A_236 = arith.addf %add3A_234, %slice3A_235 : vector<8x128xf32>
    %slice3A_237 = vector.extract_strided_slice %select_n3A_202 {offsets = [64, 0], sizes = [8, 128], strides = [1, 1]} : vector<144x256xf32> to vector<8x128xf32>
    %add3A_238 = arith.addf %add3A_236, %slice3A_237 : vector<8x128xf32>
    %slice3A_239 = vector.extract_strided_slice %select_n3A_202 {offsets = [64, 128], sizes = [8, 128], strides = [1, 1]} : vector<144x256xf32> to vector<8x128xf32>
    %add3A_240 = arith.addf %add3A_238, %slice3A_239 : vector<8x128xf32>
    %slice3A_241 = vector.extract_strided_slice %select_n3A_202 {offsets = [72, 0], sizes = [8, 128], strides = [1, 1]} : vector<144x256xf32> to vector<8x128xf32>
    %add3A_242 = arith.addf %add3A_240, %slice3A_241 : vector<8x128xf32>
    %slice3A_243 = vector.extract_strided_slice %select_n3A_202 {offsets = [72, 128], sizes = [8, 128], strides = [1, 1]} : vector<144x256xf32> to vector<8x128xf32>
    %add3A_244 = arith.addf %add3A_242, %slice3A_243 : vector<8x128xf32>
    %slice3A_245 = vector.extract_strided_slice %select_n3A_202 {offsets = [80, 0], sizes = [8, 128], strides = [1, 1]} : vector<144x256xf32> to vector<8x128xf32>
    %add3A_246 = arith.addf %add3A_244, %slice3A_245 : vector<8x128xf32>
    %slice3A_247 = vector.extract_strided_slice %select_n3A_202 {offsets = [80, 128], sizes = [8, 128], strides = [1, 1]} : vector<144x256xf32> to vector<8x128xf32>
    %add3A_248 = arith.addf %add3A_246, %slice3A_247 : vector<8x128xf32>
    %slice3A_249 = vector.extract_strided_slice %select_n3A_202 {offsets = [88, 0], sizes = [8, 128], strides = [1, 1]} : vector<144x256xf32> to vector<8x128xf32>
    %add3A_250 = arith.addf %add3A_248, %slice3A_249 : vector<8x128xf32>
    %slice3A_251 = vector.extract_strided_slice %select_n3A_202 {offsets = [88, 128], sizes = [8, 128], strides = [1, 1]} : vector<144x256xf32> to vector<8x128xf32>
    %add3A_252 = arith.addf %add3A_250, %slice3A_251 : vector<8x128xf32>
    %slice3A_253 = vector.extract_strided_slice %select_n3A_202 {offsets = [96, 0], sizes = [8, 128], strides = [1, 1]} : vector<144x256xf32> to vector<8x128xf32>
    %add3A_254 = arith.addf %add3A_252, %slice3A_253 : vector<8x128xf32>
    %slice3A_255 = vector.extract_strided_slice %select_n3A_202 {offsets = [96, 128], sizes = [8, 128], strides = [1, 1]} : vector<144x256xf32> to vector<8x128xf32>
    %add3A_256 = arith.addf %add3A_254, %slice3A_255 : vector<8x128xf32>
    %slice3A_257 = vector.extract_strided_slice %select_n3A_202 {offsets = [104, 0], sizes = [8, 128], strides = [1, 1]} : vector<144x256xf32> to vector<8x128xf32>
    %add3A_258 = arith.addf %add3A_256, %slice3A_257 : vector<8x128xf32>
    %slice3A_259 = vector.extract_strided_slice %select_n3A_202 {offsets = [104, 128], sizes = [8, 128], strides = [1, 1]} : vector<144x256xf32> to vector<8x128xf32>
    %add3A_260 = arith.addf %add3A_258, %slice3A_259 : vector<8x128xf32>
    %slice3A_261 = vector.extract_strided_slice %select_n3A_202 {offsets = [112, 0], sizes = [8, 128], strides = [1, 1]} : vector<144x256xf32> to vector<8x128xf32>
    %add3A_262 = arith.addf %add3A_260, %slice3A_261 : vector<8x128xf32>
    %slice3A_263 = vector.extract_strided_slice %select_n3A_202 {offsets = [112, 128], sizes = [8, 128], strides = [1, 1]} : vector<144x256xf32> to vector<8x128xf32>
    %add3A_264 = arith.addf %add3A_262, %slice3A_263 : vector<8x128xf32>
    %slice3A_265 = vector.extract_strided_slice %select_n3A_202 {offsets = [120, 0], sizes = [8, 128], strides = [1, 1]} : vector<144x256xf32> to vector<8x128xf32>
    %add3A_266 = arith.addf %add3A_264, %slice3A_265 : vector<8x128xf32>
    %slice3A_267 = vector.extract_strided_slice %select_n3A_202 {offsets = [120, 128], sizes = [8, 128], strides = [1, 1]} : vector<144x256xf32> to vector<8x128xf32>
    %add3A_268 = arith.addf %add3A_266, %slice3A_267 : vector<8x128xf32>
    %slice3A_269 = vector.extract_strided_slice %select_n3A_202 {offsets = [128, 0], sizes = [8, 128], strides = [1, 1]} : vector<144x256xf32> to vector<8x128xf32>
    %add3A_270 = arith.addf %add3A_268, %slice3A_269 : vector<8x128xf32>
    %slice3A_271 = vector.extract_strided_slice %select_n3A_202 {offsets = [128, 128], sizes = [8, 128], strides = [1, 1]} : vector<144x256xf32> to vector<8x128xf32>
    %add3A_272 = arith.addf %add3A_270, %slice3A_271 : vector<8x128xf32>
    %slice3A_273 = vector.extract_strided_slice %select_n3A_202 {offsets = [136, 0], sizes = [8, 128], strides = [1, 1]} : vector<144x256xf32> to vector<8x128xf32>
    %add3A_274 = arith.addf %add3A_272, %slice3A_273 : vector<8x128xf32>
    %slice3A_275 = vector.extract_strided_slice %select_n3A_202 {offsets = [136, 128], sizes = [8, 128], strides = [1, 1]} : vector<144x256xf32> to vector<8x128xf32>
    %add3A_276 = arith.addf %add3A_274, %slice3A_275 : vector<8x128xf32>
    %reduce_sum3A_277 = vector.shape_cast %add3A_276 : vector<8x128xf32> to vector<1x8x128xf32>
    %reduce_sum3A_278 = arith.constant dense<0.000000e+00> : vector<1xf32>
    %reduce_sum3A_279 = vector.multi_reduction <add>, %reduce_sum3A_277, %reduce_sum3A_278 [1, 2] : vector<1x8x128xf32> to vector<1xf32>
    %reduce_sum3A_280 = vector.shape_cast %reduce_sum3A_279 : vector<1xf32> to vector<1x1x1xf32>
    %reduce_sum3A_281 = vector.extract %reduce_sum3A_280[0, 0, 0] : f32 from vector<1x1x1xf32>
    %mul3A_282 = arith.constant 14.3996458 : f32
    %mul3A_283 = arith.mulf %reduce_sum3A_281, %mul3A_282 : f32
    %broadcast_in_dim3A_284 = vector.broadcast %mul3A_283 : f32 to vector<128xf32>
    %swap3A_285 = arith.constant 1 : index
    %swap3A_286 = arith.constant 0 : index
    %swap3A_287 = arith.constant 0 : index
    %swap3A_288 = vector.load %arg5[%swap3A_285, %swap3A_286, %swap3A_287] : memref<4x1x128xf32, #tpu.memory_space<vmem>>, vector<1x1x128xf32>
    %swap3A_289 = vector.shape_cast %swap3A_288 : vector<1x1x128xf32> to vector<128xf32>
    %swap3A_290 = vector.shape_cast %broadcast_in_dim3A_284 : vector<128xf32> to vector<1x1x128xf32>
    tpu.vector_store %arg5[%swap3A_285, %swap3A_286, %swap3A_287], %swap3A_290 {strides = array<i32>} : memref<4x1x128xf32, #tpu.memory_space<vmem>>, vector<1x1x128xf32>,
    %get3A_291 = arith.constant 2 : index
    %get3A_292 = arith.constant 0 : index
    %get3A_293 = arith.constant 0 : index
    %get3A_294 = vector.load %arg1[%get3A_291, %get3A_292, %get3A_293] : memref<4x1x256xf32, #tpu.memory_space<vmem>>, vector<1x1x256xf32>
    %get3A_295 = vector.shape_cast %get3A_294 : vector<1x1x256xf32> to vector<256xf32>
    %get3A_296 = arith.constant 2 : index
    %get3A_297 = arith.constant 0 : index
    %get3A_298 = arith.constant 0 : index
    %get3A_299 = vector.load %arg2[%get3A_296, %get3A_297, %get3A_298] : memref<4x1x256xf32, #tpu.memory_space<vmem>>, vector<1x1x256xf32>
    %get3A_300 = vector.shape_cast %get3A_299 : vector<1x1x256xf32> to vector<256xf32>
    %get3A_301 = arith.constant 2 : index
    %get3A_302 = arith.constant 0 : index
    %get3A_303 = arith.constant 0 : index
    %get3A_304 = vector.load %arg3[%get3A_301, %get3A_302, %get3A_303] : memref<4x1x256xf32, #tpu.memory_space<vmem>>, vector<1x1x256xf32>
    %get3A_305 = vector.shape_cast %get3A_304 : vector<1x1x256xf32> to vector<256xf32>
    %get3A_306 = arith.constant 2 : index
    %get3A_307 = arith.constant 0 : index
    %get3A_308 = arith.constant 0 : index
    %get3A_309 = vector.load %arg4[%get3A_306, %get3A_307, %get3A_308] : memref<4x1x256xf32, #tpu.memory_space<vmem>>, vector<1x1x256xf32>
    %get3A_310 = vector.shape_cast %get3A_309 : vector<1x1x256xf32> to vector<256xf32>
    %slice3A_311 = vector.extract_strided_slice %get3A_295 {offsets = [0], sizes = [144], strides = [1]} : vector<256xf32> to vector<144xf32>
    %reshape3A_312 = vector.shape_cast %slice3A_311 : vector<144xf32> to vector<144x1xf32>
    %reshape3A_313 = vector.shape_cast %get3A_295 : vector<256xf32> to vector<1x256xf32>
    %sub3A_314 = vector.broadcast %reshape3A_312 : vector<144x1xf32> to vector<144x256xf32>
    %sub3A_315 = vector.broadcast %reshape3A_313 : vector<1x256xf32> to vector<144x256xf32>
    %sub3A_316 = arith.subf %sub3A_314, %sub3A_315 : vector<144x256xf32>
    %add3A_317 = arith.constant 9.99999997E-7 : f32
    %add3A_318 = vector.broadcast %add3A_317 : f32 to vector<144x256xf32>
    %add3A_319 = arith.addf %sub3A_316, %add3A_318 : vector<144x256xf32>
    %slice3A_320 = vector.extract_strided_slice %get3A_300 {offsets = [0], sizes = [144], strides = [1]} : vector<256xf32> to vector<144xf32>
    %reshape3A_321 = vector.shape_cast %slice3A_320 : vector<144xf32> to vector<144x1xf32>
    %reshape3A_322 = vector.shape_cast %get3A_300 : vector<256xf32> to vector<1x256xf32>
    %sub3A_323 = vector.broadcast %reshape3A_321 : vector<144x1xf32> to vector<144x256xf32>
    %sub3A_324 = vector.broadcast %reshape3A_322 : vector<1x256xf32> to vector<144x256xf32>
    %sub3A_325 = arith.subf %sub3A_323, %sub3A_324 : vector<144x256xf32>
    %add3A_326 = arith.constant 9.99999997E-7 : f32
    %add3A_327 = vector.broadcast %add3A_326 : f32 to vector<144x256xf32>
    %add3A_328 = arith.addf %sub3A_325, %add3A_327 : vector<144x256xf32>
    %slice3A_329 = vector.extract_strided_slice %get3A_305 {offsets = [0], sizes = [144], strides = [1]} : vector<256xf32> to vector<144xf32>
    %reshape3A_330 = vector.shape_cast %slice3A_329 : vector<144xf32> to vector<144x1xf32>
    %reshape3A_331 = vector.shape_cast %get3A_305 : vector<256xf32> to vector<1x256xf32>
    %sub3A_332 = vector.broadcast %reshape3A_330 : vector<144x1xf32> to vector<144x256xf32>
    %sub3A_333 = vector.broadcast %reshape3A_331 : vector<1x256xf32> to vector<144x256xf32>
    %sub3A_334 = arith.subf %sub3A_332, %sub3A_333 : vector<144x256xf32>
    %add3A_335 = arith.constant 9.99999997E-7 : f32
    %add3A_336 = vector.broadcast %add3A_335 : f32 to vector<144x256xf32>
    %add3A_337 = arith.addf %sub3A_334, %add3A_336 : vector<144x256xf32>
    %mul3A_338 = arith.mulf %add3A_319, %add3A_319 : vector<144x256xf32>
    %mul3A_339 = arith.mulf %add3A_328, %add3A_328 : vector<144x256xf32>
    %add3A_340 = arith.addf %mul3A_338, %mul3A_339 : vector<144x256xf32>
    %mul3A_341 = arith.mulf %add3A_337, %add3A_337 : vector<144x256xf32>
    %add3A_342 = arith.addf %add3A_340, %mul3A_341 : vector<144x256xf32>
    %rsqrt3A_343 = math.rsqrt %add3A_342 : vector<144x256xf32>
    %slice3A_344 = vector.extract_strided_slice %get3A_310 {offsets = [0], sizes = [144], strides = [1]} : vector<256xf32> to vector<144xf32>
    %reshape3A_345 = vector.shape_cast %slice3A_344 : vector<144xf32> to vector<144x1xf32>
    %reshape3A_346 = vector.shape_cast %get3A_310 : vector<256xf32> to vector<1x256xf32>
    %mul3A_347 = vector.broadcast %reshape3A_345 : vector<144x1xf32> to vector<144x256xf32>
    %mul3A_348 = vector.broadcast %reshape3A_346 : vector<1x256xf32> to vector<144x256xf32>
    %mul3A_349 = arith.mulf %mul3A_347, %mul3A_348 : vector<144x256xf32>
    %mul3A_350 = arith.mulf %mul3A_349, %rsqrt3A_343 : vector<144x256xf32>
    %jit3A_351 = arith.constant 0.000000e+00 : f32
    %broadcast_in_dim3A_352 = vector.broadcast %jit3A_351 : f32 to vector<144x256xf32>
    %select_n3A_353 = arith.select %gt3A, %mul3A_350, %broadcast_in_dim3A_352 : vector<144x256xi1>, vector<144x256xf32>
    %broadcast_in_dim3A_354 = arith.constant 0.000000e+00 : f32
    %broadcast_in_dim3A_355 = vector.broadcast %broadcast_in_dim3A_354 : f32 to vector<8x128xf32>
    %slice3A_356 = vector.extract_strided_slice %select_n3A_353 {offsets = [0, 0], sizes = [8, 128], strides = [1, 1]} : vector<144x256xf32> to vector<8x128xf32>
    %add3A_357 = arith.addf %broadcast_in_dim3A_355, %slice3A_356 : vector<8x128xf32>
    %slice3A_358 = vector.extract_strided_slice %select_n3A_353 {offsets = [0, 128], sizes = [8, 128], strides = [1, 1]} : vector<144x256xf32> to vector<8x128xf32>
    %add3A_359 = arith.addf %add3A_357, %slice3A_358 : vector<8x128xf32>
    %slice3A_360 = vector.extract_strided_slice %select_n3A_353 {offsets = [8, 0], sizes = [8, 128], strides = [1, 1]} : vector<144x256xf32> to vector<8x128xf32>
    %add3A_361 = arith.addf %add3A_359, %slice3A_360 : vector<8x128xf32>
    %slice3A_362 = vector.extract_strided_slice %select_n3A_353 {offsets = [8, 128], sizes = [8, 128], strides = [1, 1]} : vector<144x256xf32> to vector<8x128xf32>
    %add3A_363 = arith.addf %add3A_361, %slice3A_362 : vector<8x128xf32>
    %slice3A_364 = vector.extract_strided_slice %select_n3A_353 {offsets = [16, 0], sizes = [8, 128], strides = [1, 1]} : vector<144x256xf32> to vector<8x128xf32>
    %add3A_365 = arith.addf %add3A_363, %slice3A_364 : vector<8x128xf32>
    %slice3A_366 = vector.extract_strided_slice %select_n3A_353 {offsets = [16, 128], sizes = [8, 128], strides = [1, 1]} : vector<144x256xf32> to vector<8x128xf32>
    %add3A_367 = arith.addf %add3A_365, %slice3A_366 : vector<8x128xf32>
    %slice3A_368 = vector.extract_strided_slice %select_n3A_353 {offsets = [24, 0], sizes = [8, 128], strides = [1, 1]} : vector<144x256xf32> to vector<8x128xf32>
    %add3A_369 = arith.addf %add3A_367, %slice3A_368 : vector<8x128xf32>
    %slice3A_370 = vector.extract_strided_slice %select_n3A_353 {offsets = [24, 128], sizes = [8, 128], strides = [1, 1]} : vector<144x256xf32> to vector<8x128xf32>
    %add3A_371 = arith.addf %add3A_369, %slice3A_370 : vector<8x128xf32>
    %slice3A_372 = vector.extract_strided_slice %select_n3A_353 {offsets = [32, 0], sizes = [8, 128], strides = [1, 1]} : vector<144x256xf32> to vector<8x128xf32>
    %add3A_373 = arith.addf %add3A_371, %slice3A_372 : vector<8x128xf32>
    %slice3A_374 = vector.extract_strided_slice %select_n3A_353 {offsets = [32, 128], sizes = [8, 128], strides = [1, 1]} : vector<144x256xf32> to vector<8x128xf32>
    %add3A_375 = arith.addf %add3A_373, %slice3A_374 : vector<8x128xf32>
    %slice3A_376 = vector.extract_strided_slice %select_n3A_353 {offsets = [40, 0], sizes = [8, 128], strides = [1, 1]} : vector<144x256xf32> to vector<8x128xf32>
    %add3A_377 = arith.addf %add3A_375, %slice3A_376 : vector<8x128xf32>
    %slice3A_378 = vector.extract_strided_slice %select_n3A_353 {offsets = [40, 128], sizes = [8, 128], strides = [1, 1]} : vector<144x256xf32> to vector<8x128xf32>
    %add3A_379 = arith.addf %add3A_377, %slice3A_378 : vector<8x128xf32>
    %slice3A_380 = vector.extract_strided_slice %select_n3A_353 {offsets = [48, 0], sizes = [8, 128], strides = [1, 1]} : vector<144x256xf32> to vector<8x128xf32>
    %add3A_381 = arith.addf %add3A_379, %slice3A_380 : vector<8x128xf32>
    %slice3A_382 = vector.extract_strided_slice %select_n3A_353 {offsets = [48, 128], sizes = [8, 128], strides = [1, 1]} : vector<144x256xf32> to vector<8x128xf32>
    %add3A_383 = arith.addf %add3A_381, %slice3A_382 : vector<8x128xf32>
    %slice3A_384 = vector.extract_strided_slice %select_n3A_353 {offsets = [56, 0], sizes = [8, 128], strides = [1, 1]} : vector<144x256xf32> to vector<8x128xf32>
    %add3A_385 = arith.addf %add3A_383, %slice3A_384 : vector<8x128xf32>
    %slice3A_386 = vector.extract_strided_slice %select_n3A_353 {offsets = [56, 128], sizes = [8, 128], strides = [1, 1]} : vector<144x256xf32> to vector<8x128xf32>
    %add3A_387 = arith.addf %add3A_385, %slice3A_386 : vector<8x128xf32>
    %slice3A_388 = vector.extract_strided_slice %select_n3A_353 {offsets = [64, 0], sizes = [8, 128], strides = [1, 1]} : vector<144x256xf32> to vector<8x128xf32>
    %add3A_389 = arith.addf %add3A_387, %slice3A_388 : vector<8x128xf32>
    %slice3A_390 = vector.extract_strided_slice %select_n3A_353 {offsets = [64, 128], sizes = [8, 128], strides = [1, 1]} : vector<144x256xf32> to vector<8x128xf32>
    %add3A_391 = arith.addf %add3A_389, %slice3A_390 : vector<8x128xf32>
    %slice3A_392 = vector.extract_strided_slice %select_n3A_353 {offsets = [72, 0], sizes = [8, 128], strides = [1, 1]} : vector<144x256xf32> to vector<8x128xf32>
    %add3A_393 = arith.addf %add3A_391, %slice3A_392 : vector<8x128xf32>
    %slice3A_394 = vector.extract_strided_slice %select_n3A_353 {offsets = [72, 128], sizes = [8, 128], strides = [1, 1]} : vector<144x256xf32> to vector<8x128xf32>
    %add3A_395 = arith.addf %add3A_393, %slice3A_394 : vector<8x128xf32>
    %slice3A_396 = vector.extract_strided_slice %select_n3A_353 {offsets = [80, 0], sizes = [8, 128], strides = [1, 1]} : vector<144x256xf32> to vector<8x128xf32>
    %add3A_397 = arith.addf %add3A_395, %slice3A_396 : vector<8x128xf32>
    %slice3A_398 = vector.extract_strided_slice %select_n3A_353 {offsets = [80, 128], sizes = [8, 128], strides = [1, 1]} : vector<144x256xf32> to vector<8x128xf32>
    %add3A_399 = arith.addf %add3A_397, %slice3A_398 : vector<8x128xf32>
    %slice3A_400 = vector.extract_strided_slice %select_n3A_353 {offsets = [88, 0], sizes = [8, 128], strides = [1, 1]} : vector<144x256xf32> to vector<8x128xf32>
    %add3A_401 = arith.addf %add3A_399, %slice3A_400 : vector<8x128xf32>
    %slice3A_402 = vector.extract_strided_slice %select_n3A_353 {offsets = [88, 128], sizes = [8, 128], strides = [1, 1]} : vector<144x256xf32> to vector<8x128xf32>
    %add3A_403 = arith.addf %add3A_401, %slice3A_402 : vector<8x128xf32>
    %slice3A_404 = vector.extract_strided_slice %select_n3A_353 {offsets = [96, 0], sizes = [8, 128], strides = [1, 1]} : vector<144x256xf32> to vector<8x128xf32>
    %add3A_405 = arith.addf %add3A_403, %slice3A_404 : vector<8x128xf32>
    %slice3A_406 = vector.extract_strided_slice %select_n3A_353 {offsets = [96, 128], sizes = [8, 128], strides = [1, 1]} : vector<144x256xf32> to vector<8x128xf32>
    %add3A_407 = arith.addf %add3A_405, %slice3A_406 : vector<8x128xf32>
    %slice3A_408 = vector.extract_strided_slice %select_n3A_353 {offsets = [104, 0], sizes = [8, 128], strides = [1, 1]} : vector<144x256xf32> to vector<8x128xf32>
    %add3A_409 = arith.addf %add3A_407, %slice3A_408 : vector<8x128xf32>
    %slice3A_410 = vector.extract_strided_slice %select_n3A_353 {offsets = [104, 128], sizes = [8, 128], strides = [1, 1]} : vector<144x256xf32> to vector<8x128xf32>
    %add3A_411 = arith.addf %add3A_409, %slice3A_410 : vector<8x128xf32>
    %slice3A_412 = vector.extract_strided_slice %select_n3A_353 {offsets = [112, 0], sizes = [8, 128], strides = [1, 1]} : vector<144x256xf32> to vector<8x128xf32>
    %add3A_413 = arith.addf %add3A_411, %slice3A_412 : vector<8x128xf32>
    %slice3A_414 = vector.extract_strided_slice %select_n3A_353 {offsets = [112, 128], sizes = [8, 128], strides = [1, 1]} : vector<144x256xf32> to vector<8x128xf32>
    %add3A_415 = arith.addf %add3A_413, %slice3A_414 : vector<8x128xf32>
    %slice3A_416 = vector.extract_strided_slice %select_n3A_353 {offsets = [120, 0], sizes = [8, 128], strides = [1, 1]} : vector<144x256xf32> to vector<8x128xf32>
    %add3A_417 = arith.addf %add3A_415, %slice3A_416 : vector<8x128xf32>
    %slice3A_418 = vector.extract_strided_slice %select_n3A_353 {offsets = [120, 128], sizes = [8, 128], strides = [1, 1]} : vector<144x256xf32> to vector<8x128xf32>
    %add3A_419 = arith.addf %add3A_417, %slice3A_418 : vector<8x128xf32>
    %slice3A_420 = vector.extract_strided_slice %select_n3A_353 {offsets = [128, 0], sizes = [8, 128], strides = [1, 1]} : vector<144x256xf32> to vector<8x128xf32>
    %add3A_421 = arith.addf %add3A_419, %slice3A_420 : vector<8x128xf32>
    %slice3A_422 = vector.extract_strided_slice %select_n3A_353 {offsets = [128, 128], sizes = [8, 128], strides = [1, 1]} : vector<144x256xf32> to vector<8x128xf32>
    %add3A_423 = arith.addf %add3A_421, %slice3A_422 : vector<8x128xf32>
    %slice3A_424 = vector.extract_strided_slice %select_n3A_353 {offsets = [136, 0], sizes = [8, 128], strides = [1, 1]} : vector<144x256xf32> to vector<8x128xf32>
    %add3A_425 = arith.addf %add3A_423, %slice3A_424 : vector<8x128xf32>
    %slice3A_426 = vector.extract_strided_slice %select_n3A_353 {offsets = [136, 128], sizes = [8, 128], strides = [1, 1]} : vector<144x256xf32> to vector<8x128xf32>
    %add3A_427 = arith.addf %add3A_425, %slice3A_426 : vector<8x128xf32>
    %reduce_sum3A_428 = vector.shape_cast %add3A_427 : vector<8x128xf32> to vector<1x8x128xf32>
    %reduce_sum3A_429 = arith.constant dense<0.000000e+00> : vector<1xf32>
    %reduce_sum3A_430 = vector.multi_reduction <add>, %reduce_sum3A_428, %reduce_sum3A_429 [1, 2] : vector<1x8x128xf32> to vector<1xf32>
    %reduce_sum3A_431 = vector.shape_cast %reduce_sum3A_430 : vector<1xf32> to vector<1x1x1xf32>
    %reduce_sum3A_432 = vector.extract %reduce_sum3A_431[0, 0, 0] : f32 from vector<1x1x1xf32>
    %mul3A_433 = arith.constant 14.3996458 : f32
    %mul3A_434 = arith.mulf %reduce_sum3A_432, %mul3A_433 : f32
    %broadcast_in_dim3A_435 = vector.broadcast %mul3A_434 : f32 to vector<128xf32>
    %swap3A_436 = arith.constant 2 : index
    %swap3A_437 = arith.constant 0 : index
    %swap3A_438 = arith.constant 0 : index
    %swap3A_439 = vector.load %arg5[%swap3A_436, %swap3A_437, %swap3A_438] : memref<4x1x128xf32, #tpu.memory_space<vmem>>, vector<1x1x128xf32>
    %swap3A_440 = vector.shape_cast %swap3A_439 : vector<1x1x128xf32> to vector<128xf32>
    %swap3A_441 = vector.shape_cast %broadcast_in_dim3A_435 : vector<128xf32> to vector<1x1x128xf32>
    tpu.vector_store %arg5[%swap3A_436, %swap3A_437, %swap3A_438], %swap3A_441 {strides = array<i32>} : memref<4x1x128xf32, #tpu.memory_space<vmem>>, vector<1x1x128xf32>,
    %get3A_442 = arith.constant 3 : index
    %get3A_443 = arith.constant 0 : index
    %get3A_444 = arith.constant 0 : index
    %get3A_445 = vector.load %arg1[%get3A_442, %get3A_443, %get3A_444] : memref<4x1x256xf32, #tpu.memory_space<vmem>>, vector<1x1x256xf32>
    %get3A_446 = vector.shape_cast %get3A_445 : vector<1x1x256xf32> to vector<256xf32>
    %get3A_447 = arith.constant 3 : index
    %get3A_448 = arith.constant 0 : index
    %get3A_449 = arith.constant 0 : index
    %get3A_450 = vector.load %arg2[%get3A_447, %get3A_448, %get3A_449] : memref<4x1x256xf32, #tpu.memory_space<vmem>>, vector<1x1x256xf32>
    %get3A_451 = vector.shape_cast %get3A_450 : vector<1x1x256xf32> to vector<256xf32>
    %get3A_452 = arith.constant 3 : index
    %get3A_453 = arith.constant 0 : index
    %get3A_454 = arith.constant 0 : index
    %get3A_455 = vector.load %arg3[%get3A_452, %get3A_453, %get3A_454] : memref<4x1x256xf32, #tpu.memory_space<vmem>>, vector<1x1x256xf32>
    %get3A_456 = vector.shape_cast %get3A_455 : vector<1x1x256xf32> to vector<256xf32>
    %get3A_457 = arith.constant 3 : index
    %get3A_458 = arith.constant 0 : index
    %get3A_459 = arith.constant 0 : index
    %get3A_460 = vector.load %arg4[%get3A_457, %get3A_458, %get3A_459] : memref<4x1x256xf32, #tpu.memory_space<vmem>>, vector<1x1x256xf32>
    %get3A_461 = vector.shape_cast %get3A_460 : vector<1x1x256xf32> to vector<256xf32>
    %slice3A_462 = vector.extract_strided_slice %get3A_446 {offsets = [0], sizes = [144], strides = [1]} : vector<256xf32> to vector<144xf32>
    %reshape3A_463 = vector.shape_cast %slice3A_462 : vector<144xf32> to vector<144x1xf32>
    %reshape3A_464 = vector.shape_cast %get3A_446 : vector<256xf32> to vector<1x256xf32>
    %sub3A_465 = vector.broadcast %reshape3A_463 : vector<144x1xf32> to vector<144x256xf32>
    %sub3A_466 = vector.broadcast %reshape3A_464 : vector<1x256xf32> to vector<144x256xf32>
    %sub3A_467 = arith.subf %sub3A_465, %sub3A_466 : vector<144x256xf32>
    %add3A_468 = arith.constant 9.99999997E-7 : f32
    %add3A_469 = vector.broadcast %add3A_468 : f32 to vector<144x256xf32>
    %add3A_470 = arith.addf %sub3A_467, %add3A_469 : vector<144x256xf32>
    %slice3A_471 = vector.extract_strided_slice %get3A_451 {offsets = [0], sizes = [144], strides = [1]} : vector<256xf32> to vector<144xf32>
    %reshape3A_472 = vector.shape_cast %slice3A_471 : vector<144xf32> to vector<144x1xf32>
    %reshape3A_473 = vector.shape_cast %get3A_451 : vector<256xf32> to vector<1x256xf32>
    %sub3A_474 = vector.broadcast %reshape3A_472 : vector<144x1xf32> to vector<144x256xf32>
    %sub3A_475 = vector.broadcast %reshape3A_473 : vector<1x256xf32> to vector<144x256xf32>
    %sub3A_476 = arith.subf %sub3A_474, %sub3A_475 : vector<144x256xf32>
    %add3A_477 = arith.constant 9.99999997E-7 : f32
    %add3A_478 = vector.broadcast %add3A_477 : f32 to vector<144x256xf32>
    %add3A_479 = arith.addf %sub3A_476, %add3A_478 : vector<144x256xf32>
    %slice3A_480 = vector.extract_strided_slice %get3A_456 {offsets = [0], sizes = [144], strides = [1]} : vector<256xf32> to vector<144xf32>
    %reshape3A_481 = vector.shape_cast %slice3A_480 : vector<144xf32> to vector<144x1xf32>
    %reshape3A_482 = vector.shape_cast %get3A_456 : vector<256xf32> to vector<1x256xf32>
    %sub3A_483 = vector.broadcast %reshape3A_481 : vector<144x1xf32> to vector<144x256xf32>
    %sub3A_484 = vector.broadcast %reshape3A_482 : vector<1x256xf32> to vector<144x256xf32>
    %sub3A_485 = arith.subf %sub3A_483, %sub3A_484 : vector<144x256xf32>
    %add3A_486 = arith.constant 9.99999997E-7 : f32
    %add3A_487 = vector.broadcast %add3A_486 : f32 to vector<144x256xf32>
    %add3A_488 = arith.addf %sub3A_485, %add3A_487 : vector<144x256xf32>
    %mul3A_489 = arith.mulf %add3A_470, %add3A_470 : vector<144x256xf32>
    %mul3A_490 = arith.mulf %add3A_479, %add3A_479 : vector<144x256xf32>
    %add3A_491 = arith.addf %mul3A_489, %mul3A_490 : vector<144x256xf32>
    %mul3A_492 = arith.mulf %add3A_488, %add3A_488 : vector<144x256xf32>
    %add3A_493 = arith.addf %add3A_491, %mul3A_492 : vector<144x256xf32>
    %rsqrt3A_494 = math.rsqrt %add3A_493 : vector<144x256xf32>
    %slice3A_495 = vector.extract_strided_slice %get3A_461 {offsets = [0], sizes = [144], strides = [1]} : vector<256xf32> to vector<144xf32>
    %reshape3A_496 = vector.shape_cast %slice3A_495 : vector<144xf32> to vector<144x1xf32>
    %reshape3A_497 = vector.shape_cast %get3A_461 : vector<256xf32> to vector<1x256xf32>
    %mul3A_498 = vector.broadcast %reshape3A_496 : vector<144x1xf32> to vector<144x256xf32>
    %mul3A_499 = vector.broadcast %reshape3A_497 : vector<1x256xf32> to vector<144x256xf32>
    %mul3A_500 = arith.mulf %mul3A_498, %mul3A_499 : vector<144x256xf32>
    %mul3A_501 = arith.mulf %mul3A_500, %rsqrt3A_494 : vector<144x256xf32>
    %jit3A_502 = arith.constant 0.000000e+00 : f32
    %broadcast_in_dim3A_503 = vector.broadcast %jit3A_502 : f32 to vector<144x256xf32>
    %select_n3A_504 = arith.select %gt3A, %mul3A_501, %broadcast_in_dim3A_503 : vector<144x256xi1>, vector<144x256xf32>
    %broadcast_in_dim3A_505 = arith.constant 0.000000e+00 : f32
    %broadcast_in_dim3A_506 = vector.broadcast %broadcast_in_dim3A_505 : f32 to vector<8x128xf32>
    %slice3A_507 = vector.extract_strided_slice %select_n3A_504 {offsets = [0, 0], sizes = [8, 128], strides = [1, 1]} : vector<144x256xf32> to vector<8x128xf32>
    %add3A_508 = arith.addf %broadcast_in_dim3A_506, %slice3A_507 : vector<8x128xf32>
    %slice3A_509 = vector.extract_strided_slice %select_n3A_504 {offsets = [0, 128], sizes = [8, 128], strides = [1, 1]} : vector<144x256xf32> to vector<8x128xf32>
    %add3A_510 = arith.addf %add3A_508, %slice3A_509 : vector<8x128xf32>
    %slice3A_511 = vector.extract_strided_slice %select_n3A_504 {offsets = [8, 0], sizes = [8, 128], strides = [1, 1]} : vector<144x256xf32> to vector<8x128xf32>
    %add3A_512 = arith.addf %add3A_510, %slice3A_511 : vector<8x128xf32>
    %slice3A_513 = vector.extract_strided_slice %select_n3A_504 {offsets = [8, 128], sizes = [8, 128], strides = [1, 1]} : vector<144x256xf32> to vector<8x128xf32>
    %add3A_514 = arith.addf %add3A_512, %slice3A_513 : vector<8x128xf32>
    %slice3A_515 = vector.extract_strided_slice %select_n3A_504 {offsets = [16, 0], sizes = [8, 128], strides = [1, 1]} : vector<144x256xf32> to vector<8x128xf32>
    %add3A_516 = arith.addf %add3A_514, %slice3A_515 : vector<8x128xf32>
    %slice3A_517 = vector.extract_strided_slice %select_n3A_504 {offsets = [16, 128], sizes = [8, 128], strides = [1, 1]} : vector<144x256xf32> to vector<8x128xf32>
    %add3A_518 = arith.addf %add3A_516, %slice3A_517 : vector<8x128xf32>
    %slice3A_519 = vector.extract_strided_slice %select_n3A_504 {offsets = [24, 0], sizes = [8, 128], strides = [1, 1]} : vector<144x256xf32> to vector<8x128xf32>
    %add3A_520 = arith.addf %add3A_518, %slice3A_519 : vector<8x128xf32>
    %slice3A_521 = vector.extract_strided_slice %select_n3A_504 {offsets = [24, 128], sizes = [8, 128], strides = [1, 1]} : vector<144x256xf32> to vector<8x128xf32>
    %add3A_522 = arith.addf %add3A_520, %slice3A_521 : vector<8x128xf32>
    %slice3A_523 = vector.extract_strided_slice %select_n3A_504 {offsets = [32, 0], sizes = [8, 128], strides = [1, 1]} : vector<144x256xf32> to vector<8x128xf32>
    %add3A_524 = arith.addf %add3A_522, %slice3A_523 : vector<8x128xf32>
    %slice3A_525 = vector.extract_strided_slice %select_n3A_504 {offsets = [32, 128], sizes = [8, 128], strides = [1, 1]} : vector<144x256xf32> to vector<8x128xf32>
    %add3A_526 = arith.addf %add3A_524, %slice3A_525 : vector<8x128xf32>
    %slice3A_527 = vector.extract_strided_slice %select_n3A_504 {offsets = [40, 0], sizes = [8, 128], strides = [1, 1]} : vector<144x256xf32> to vector<8x128xf32>
    %add3A_528 = arith.addf %add3A_526, %slice3A_527 : vector<8x128xf32>
    %slice3A_529 = vector.extract_strided_slice %select_n3A_504 {offsets = [40, 128], sizes = [8, 128], strides = [1, 1]} : vector<144x256xf32> to vector<8x128xf32>
    %add3A_530 = arith.addf %add3A_528, %slice3A_529 : vector<8x128xf32>
    %slice3A_531 = vector.extract_strided_slice %select_n3A_504 {offsets = [48, 0], sizes = [8, 128], strides = [1, 1]} : vector<144x256xf32> to vector<8x128xf32>
    %add3A_532 = arith.addf %add3A_530, %slice3A_531 : vector<8x128xf32>
    %slice3A_533 = vector.extract_strided_slice %select_n3A_504 {offsets = [48, 128], sizes = [8, 128], strides = [1, 1]} : vector<144x256xf32> to vector<8x128xf32>
    %add3A_534 = arith.addf %add3A_532, %slice3A_533 : vector<8x128xf32>
    %slice3A_535 = vector.extract_strided_slice %select_n3A_504 {offsets = [56, 0], sizes = [8, 128], strides = [1, 1]} : vector<144x256xf32> to vector<8x128xf32>
    %add3A_536 = arith.addf %add3A_534, %slice3A_535 : vector<8x128xf32>
    %slice3A_537 = vector.extract_strided_slice %select_n3A_504 {offsets = [56, 128], sizes = [8, 128], strides = [1, 1]} : vector<144x256xf32> to vector<8x128xf32>
    %add3A_538 = arith.addf %add3A_536, %slice3A_537 : vector<8x128xf32>
    %slice3A_539 = vector.extract_strided_slice %select_n3A_504 {offsets = [64, 0], sizes = [8, 128], strides = [1, 1]} : vector<144x256xf32> to vector<8x128xf32>
    %add3A_540 = arith.addf %add3A_538, %slice3A_539 : vector<8x128xf32>
    %slice3A_541 = vector.extract_strided_slice %select_n3A_504 {offsets = [64, 128], sizes = [8, 128], strides = [1, 1]} : vector<144x256xf32> to vector<8x128xf32>
    %add3A_542 = arith.addf %add3A_540, %slice3A_541 : vector<8x128xf32>
    %slice3A_543 = vector.extract_strided_slice %select_n3A_504 {offsets = [72, 0], sizes = [8, 128], strides = [1, 1]} : vector<144x256xf32> to vector<8x128xf32>
    %add3A_544 = arith.addf %add3A_542, %slice3A_543 : vector<8x128xf32>
    %slice3A_545 = vector.extract_strided_slice %select_n3A_504 {offsets = [72, 128], sizes = [8, 128], strides = [1, 1]} : vector<144x256xf32> to vector<8x128xf32>
    %add3A_546 = arith.addf %add3A_544, %slice3A_545 : vector<8x128xf32>
    %slice3A_547 = vector.extract_strided_slice %select_n3A_504 {offsets = [80, 0], sizes = [8, 128], strides = [1, 1]} : vector<144x256xf32> to vector<8x128xf32>
    %add3A_548 = arith.addf %add3A_546, %slice3A_547 : vector<8x128xf32>
    %slice3A_549 = vector.extract_strided_slice %select_n3A_504 {offsets = [80, 128], sizes = [8, 128], strides = [1, 1]} : vector<144x256xf32> to vector<8x128xf32>
    %add3A_550 = arith.addf %add3A_548, %slice3A_549 : vector<8x128xf32>
    %slice3A_551 = vector.extract_strided_slice %select_n3A_504 {offsets = [88, 0], sizes = [8, 128], strides = [1, 1]} : vector<144x256xf32> to vector<8x128xf32>
    %add3A_552 = arith.addf %add3A_550, %slice3A_551 : vector<8x128xf32>
    %slice3A_553 = vector.extract_strided_slice %select_n3A_504 {offsets = [88, 128], sizes = [8, 128], strides = [1, 1]} : vector<144x256xf32> to vector<8x128xf32>
    %add3A_554 = arith.addf %add3A_552, %slice3A_553 : vector<8x128xf32>
    %slice3A_555 = vector.extract_strided_slice %select_n3A_504 {offsets = [96, 0], sizes = [8, 128], strides = [1, 1]} : vector<144x256xf32> to vector<8x128xf32>
    %add3A_556 = arith.addf %add3A_554, %slice3A_555 : vector<8x128xf32>
    %slice3A_557 = vector.extract_strided_slice %select_n3A_504 {offsets = [96, 128], sizes = [8, 128], strides = [1, 1]} : vector<144x256xf32> to vector<8x128xf32>
    %add3A_558 = arith.addf %add3A_556, %slice3A_557 : vector<8x128xf32>
    %slice3A_559 = vector.extract_strided_slice %select_n3A_504 {offsets = [104, 0], sizes = [8, 128], strides = [1, 1]} : vector<144x256xf32> to vector<8x128xf32>
    %add3A_560 = arith.addf %add3A_558, %slice3A_559 : vector<8x128xf32>
    %slice3A_561 = vector.extract_strided_slice %select_n3A_504 {offsets = [104, 128], sizes = [8, 128], strides = [1, 1]} : vector<144x256xf32> to vector<8x128xf32>
    %add3A_562 = arith.addf %add3A_560, %slice3A_561 : vector<8x128xf32>
    %slice3A_563 = vector.extract_strided_slice %select_n3A_504 {offsets = [112, 0], sizes = [8, 128], strides = [1, 1]} : vector<144x256xf32> to vector<8x128xf32>
    %add3A_564 = arith.addf %add3A_562, %slice3A_563 : vector<8x128xf32>
    %slice3A_565 = vector.extract_strided_slice %select_n3A_504 {offsets = [112, 128], sizes = [8, 128], strides = [1, 1]} : vector<144x256xf32> to vector<8x128xf32>
    %add3A_566 = arith.addf %add3A_564, %slice3A_565 : vector<8x128xf32>
    %slice3A_567 = vector.extract_strided_slice %select_n3A_504 {offsets = [120, 0], sizes = [8, 128], strides = [1, 1]} : vector<144x256xf32> to vector<8x128xf32>
    %add3A_568 = arith.addf %add3A_566, %slice3A_567 : vector<8x128xf32>
    %slice3A_569 = vector.extract_strided_slice %select_n3A_504 {offsets = [120, 128], sizes = [8, 128], strides = [1, 1]} : vector<144x256xf32> to vector<8x128xf32>
    %add3A_570 = arith.addf %add3A_568, %slice3A_569 : vector<8x128xf32>
    %slice3A_571 = vector.extract_strided_slice %select_n3A_504 {offsets = [128, 0], sizes = [8, 128], strides = [1, 1]} : vector<144x256xf32> to vector<8x128xf32>
    %add3A_572 = arith.addf %add3A_570, %slice3A_571 : vector<8x128xf32>
    %slice3A_573 = vector.extract_strided_slice %select_n3A_504 {offsets = [128, 128], sizes = [8, 128], strides = [1, 1]} : vector<144x256xf32> to vector<8x128xf32>
    %add3A_574 = arith.addf %add3A_572, %slice3A_573 : vector<8x128xf32>
    %slice3A_575 = vector.extract_strided_slice %select_n3A_504 {offsets = [136, 0], sizes = [8, 128], strides = [1, 1]} : vector<144x256xf32> to vector<8x128xf32>
    %add3A_576 = arith.addf %add3A_574, %slice3A_575 : vector<8x128xf32>
    %slice3A_577 = vector.extract_strided_slice %select_n3A_504 {offsets = [136, 128], sizes = [8, 128], strides = [1, 1]} : vector<144x256xf32> to vector<8x128xf32>
    %add3A_578 = arith.addf %add3A_576, %slice3A_577 : vector<8x128xf32>
    %reduce_sum3A_579 = vector.shape_cast %add3A_578 : vector<8x128xf32> to vector<1x8x128xf32>
    %reduce_sum3A_580 = arith.constant dense<0.000000e+00> : vector<1xf32>
    %reduce_sum3A_581 = vector.multi_reduction <add>, %reduce_sum3A_579, %reduce_sum3A_580 [1, 2] : vector<1x8x128xf32> to vector<1xf32>
    %reduce_sum3A_582 = vector.shape_cast %reduce_sum3A_581 : vector<1xf32> to vector<1x1x1xf32>
    %reduce_sum3A_583 = vector.extract %reduce_sum3A_582[0, 0, 0] : f32 from vector<1x1x1xf32>
    %mul3A_584 = arith.constant 14.3996458 : f32
    %mul3A_585 = arith.mulf %reduce_sum3A_583, %mul3A_584 : f32
    %broadcast_in_dim3A_586 = vector.broadcast %mul3A_585 : f32 to vector<128xf32>
    %swap3A_587 = arith.constant 3 : index
    %swap3A_588 = arith.constant 0 : index
    %swap3A_589 = arith.constant 0 : index
    %swap3A_590 = vector.load %arg5[%swap3A_587, %swap3A_588, %swap3A_589] : memref<4x1x128xf32, #tpu.memory_space<vmem>>, vector<1x1x128xf32>
    %swap3A_591 = vector.shape_cast %swap3A_590 : vector<1x1x128xf32> to vector<128xf32>
    %swap3A_592 = vector.shape_cast %broadcast_in_dim3A_586 : vector<128xf32> to vector<1x1x128xf32>
    tpu.vector_store %arg5[%swap3A_587, %swap3A_588, %swap3A_589], %swap3A_592 {strides = array<i32>} : memref<4x1x128xf32, #tpu.memory_space<vmem>>, vector<1x1x128xf32>,
    return
  }
  func.func @transform_0(%arg0: i32) -> (i32, i32, i32) {
    %c0_i32 = arith.constant 0 : i32
    %c0_i32_0 = arith.constant 0 : i32
    %c0_i32_1 = arith.constant 0 : i32
    return %arg0, %c0_i32, %c0_i32_0 : i32, i32, i32
  }
  func.func @transform_1(%arg0: i32) -> (i32, i32, i32) {
    %c0_i32 = arith.constant 0 : i32
    %c0_i32_0 = arith.constant 0 : i32
    %c0_i32_1 = arith.constant 0 : i32
    return %arg0, %c0_i32, %c0_i32_0 : i32, i32, i32
  }
  func.func @transform_2(%arg0: i32) -> (i32, i32, i32) {
    %c0_i32 = arith.constant 0 : i32
    %c0_i32_0 = arith.constant 0 : i32
    %c0_i32_1 = arith.constant 0 : i32
    return %arg0, %c0_i32, %c0_i32_0 : i32, i32, i32
  }
  func.func @transform_3(%arg0: i32) -> (i32, i32, i32) {
    %c0_i32 = arith.constant 0 : i32
    %c0_i32_0 = arith.constant 0 : i32
    %c0_i32_1 = arith.constant 0 : i32
    return %arg0, %c0_i32, %c0_i32_0 : i32, i32, i32
  }
  func.func @transform_4(%arg0: i32) -> (i32, i32, i32) {
    %c0_i32 = arith.constant 0 : i32
    %c0_i32_0 = arith.constant 0 : i32
    %c0_i32_1 = arith.constant 0 : i32
    return %arg0, %c0_i32, %c0_i32_0 : i32, i32, i32
  }
}

</mosaic_0001>

<sc_bundles>
// kernel: kernel.4.cloned.1.call-start
scs
__scs_entry_jumppad:
0x0: {  	(pc) =	sbr.rel $0x88, $3  }
0x1: {  	(tag) =	ssettag $0x0;
	lr =	simm.s32 $0x1  }
0x2: {  	[smem:$0x3F9F] =	sst lr;
	_ =	strace $0xD0000000  }
0x3: {  	_ = 	snop  }
0x4: {  	_ = 	snop  }
0x5: {  	_ = 	snop  }
0x6: {  	_ = 	snop  }
0x7: {  	_ = 	snop  }
__scs_overlays_trampoline_lowered:
0x8: {  	[smem:$0x3FAE] =	sst s0  }
0x9: {  	[smem:$0x3FAF] =	sst s1  }
0xa: {  	[smem:$0x3FB0] =	sst s2  }
0xb: {  	[smem:$0x3FB1] =	sst s3  }
0xc: {  	[smem:$0x3FB2] =	sst s4  }
0xd: {  	[smem:$0x3FB3] =	sst s5  }
0xe: {  	[smem:$0x3FB4] =	sst s6  }
0xf: {  	[smem:$0x3FB5] =	sst s7  }
0x10: {  	[smem:$0x3FB6] =	sst s8  }
0x11: {  	[smem:$0x3FB7] =	sst s9;
	s0 =	simm.s32 @!p0 $0x0  }
0x12: {  	s1 =	sld [smem:$0x3F9D];
	s0 =	simm.s32 @p0 $0x1  }
0x13: {  	[smem:$0x3FB8] =	sst s0;
	s0 =	simm.s32 @!p1 $0x0  }
0x14: {  	s2 =	sld [smem:$0x3F9C];
	s0 =	simm.s32 @p1 $0x1  }
0x15: {  	[smem:$0x3FB9] =	sst s0;
	s0 =	simm.s32 @!p2 $0x0  }
0x16: {  	s3 =	sld [smem:$0x3FDB];
	s0 =	simm.s32 @p2 $0x1  }
0x17: {  	s4 =	simm.s32 $0x1BF5;
	[smem:$0x3FBB] =	sst s0  }
0x18: {  	s0 =	sld [smem:$0x3F9E];
	_ =	swait.ge [sflag:s4], $0x0  }
0x19: {  	s7 =	sld [smem:$0x3F9F]  }
0x1a: {  	s8 =	sadd.s32 $0xFFFFE003, lr  }
0x1b: {  	s9 =	sadd.s32 $0xFFFFFEF7, lr;
	s5 =	simm.s32 $0xFFFFFFFF;
	p2 =	slt.u32 s8, $0xFFFFF086  }
0x1c: {  	p1 =	slt.u32 s9, $0xF7A;
	s5 =	simm.s32 @!p2 $0x0  }
0x1d: {  	s5 =	simm.s32 @p1 $0x1;
	p0 =	seq.s32 s7, s2  }
0x1e: {  	s7 =	smul.u32 @!p0 $0xF7A, s2;
	p2 =	seq.s32 @!p0 s5, $0x0  }
0x1f: {  	s9 =	smul.u32 $0xF7A, s1;
	s8 =	simm.s32 @!p0 $0x1BF5;
	p2 =	por !p2, p0  }
0x20: {  	[sflag:s8] =	ssyncset.s32 @!p0 $0xFFFFF086;
	s6 =	sadd.s32 @!p0 s3, s7;
	s7 =	simm.s32 @!p0 $0x108  }
0x21: {  	s3 =	sadd.s32 s3, s9;
	s6 =	sadd.s32 @!p0 $0x88, s6;
	s7 =	simm.s32 @p2 $0x1082  }
0x22: {  	[simem:s7], [sflag:s8] =	dma.local @!p0 [hbm:s6], $0xF7A  }
0x23: {  	s9 =	sor.u32 $0xD0000000, s2;
	s6 =	simm.s32 $0x108;
	_ =	swait.ge @!p0 [sflag:s8], $0x0  }
0x24: {  	s3 =	sadd.s32 $0x88, s3;
	s6 =	simm.s32 @!p1 $0x1082;
	[sflag:s4] =	ssyncset.s32 $0xFFFFF086  }
0x25: {  	[simem:s6], [sflag:s4] =	dma.local [hbm:s3], $0xF7A  }
0x26: {  	[smem:$0x3F9F] =	sst s1;
	(tag) =	ssettag s2;
	_ =	strace s9  }
0x27: {  	s1 =	sld [smem:$0x3FAF]  }
0x28: {  	s2 =	sld [smem:$0x3FB0]  }
0x29: {  	s4 =	sld [smem:$0x3FB2]  }
0x2a: {  	p0 =	seq.s32 s5, $0x0;
	s5 =	sld [smem:$0x3FB3]  }
0x2b: {  	s6 =	sld [smem:$0x3FB4]  }
0x2c: {  	s7 =	sld [smem:$0x3FB5]  }
0x2d: {  	s3 =	simm.s32 $0x108;
	s8 =	sld [smem:$0x3FB6]  }
0x2e: {  	s3 =	simm.s32 @!p0 $0x1082;
	s9 =	sld [smem:$0x3FB7]  }
0x2f: {  	lr =	sadd.s32 s0, s3;
	s0 =	sld [smem:$0x3FAE]  }
0x30: {  	s3 =	sld [smem:$0x3FB1]  }
0x31: {  	[smem:$0x3FBA] =	sst s10  }
0x32: {  	s10 =	sld [smem:$0x3FB8];
	_ =	sdelay $0x3  }
0x33: {  	p0 =	seq.s32 s10, $0x1;
	s10 =	sld [smem:$0x3FBA];
	_ =	sdelay $0x3  }
0x34: {  	[smem:$0x3FBA] =	sst s10  }
0x35: {  	s10 =	sld [smem:$0x3FB9];
	_ =	sdelay $0x3  }
0x36: {  	p1 =	seq.s32 s10, $0x1;
	s10 =	sld [smem:$0x3FBA];
	_ =	sdelay $0x3  }
0x37: {  	[smem:$0x3FBA] =	sst s10  }
0x38: {  	s10 =	sld [smem:$0x3FBB]  }
0x39: {  	_ = 	snop;
	(pc) =	sbr.ind lr, $3  }
0x3a: {  	_ = 	snop  }
0x3b: {  	_ = 	snop  }
0x3c: {  	p2 =	seq.s32 s10, $0x1;
	s10 =	sld [smem:$0x3FBA]  }
0x3d: {  	_ =	shalt  }
0x3e: {  	_ =	shalt  }
0x3f: {  	_ =	shalt  }
0x40: {  	_ =	shalt  }
0x41: {  	_ =	shalt  }
0x42: {  	_ =	shalt  }
0x43: {  	_ =	shalt  }
0x44: {  	_ =	shalt  }
0x45: {  	_ =	shalt  }
0x46: {  	_ =	shalt  }
0x47: {  	_ =	shalt  }
0x48: {  	_ =	shalt  }
0x49: {  	_ =	shalt  }
0x4a: {  	_ =	shalt  }
0x4b: {  	_ =	shalt  }
0x4c: {  	_ =	shalt  }
0x4d: {  	_ =	shalt  }
0x4e: {  	_ =	shalt  }
0x4f: {  	_ =	shalt  }
0x50: {  	_ =	shalt  }
0x51: {  	_ =	shalt  }
0x52: {  	_ =	shalt  }
0x53: {  	_ =	shalt  }
0x54: {  	_ =	shalt  }
0x55: {  	_ =	shalt  }
0x56: {  	_ =	shalt  }
0x57: {  	_ =	shalt  }
0x58: {  	_ =	shalt  }
0x59: {  	_ =	shalt  }
0x5a: {  	_ =	shalt  }
0x5b: {  	_ =	shalt  }
0x5c: {  	_ =	shalt  }
0x5d: {  	_ =	shalt  }
0x5e: {  	_ =	shalt  }
0x5f: {  	_ =	shalt  }
0x60: {  	_ =	shalt  }
0x61: {  	_ =	shalt  }
0x62: {  	_ =	shalt  }
0x63: {  	_ =	shalt  }
0x64: {  	_ =	shalt  }
0x65: {  	_ =	shalt  }
0x66: {  	_ =	shalt  }
0x67: {  	_ =	shalt  }
0x68: {  	_ =	shalt  }
0x69: {  	_ =	shalt  }
0x6a: {  	_ =	shalt  }
0x6b: {  	_ =	shalt  }
0x6c: {  	_ =	shalt  }
0x6d: {  	_ =	shalt  }
0x6e: {  	_ =	shalt  }
0x6f: {  	_ =	shalt  }
0x70: {  	_ =	shalt  }
0x71: {  	_ =	shalt  }
0x72: {  	_ =	shalt  }
0x73: {  	_ =	shalt  }
0x74: {  	_ =	shalt  }
0x75: {  	_ =	shalt  }
0x76: {  	_ =	shalt  }
0x77: {  	_ =	shalt  }
0x78: {  	_ =	shalt  }
0x79: {  	_ =	shalt  }
0x7a: {  	_ =	shalt  }
0x7b: {  	_ =	shalt  }
0x7c: {  	_ =	shalt  }
0x7d: {  	_ =	shalt  }
0x7e: {  	_ =	shalt  }
0x7f: {  	_ =	shalt  }
0x80: {  	_ =	shalt  }
0x81: {  	_ =	shalt  }
0x82: {  	_ =	shalt  }
0x83: {  	_ =	shalt  }
0x84: {  	_ =	shalt  }
0x85: {  	_ =	shalt  }
0x86: {  	_ =	shalt  }
0x87: {  	_ =	shalt  }
.Lfunc_end0:
.L_simem_size_0:
called_computation_lowered:
.L_overlay_start_0:
0x88: {  	s2 =	sld [smem:$0x3FD9]  }
0x89: {  	s3 =	sld [smem:$0x3FFE];
	_ =	sdelay $0x1  }
0x8a: {  	s1 =	srdreg.scid  }
0x8b: {  	s0 =	sand.u32 $0x1, s1  }
0x8c: {  	s17 =	sshll.u32 s0, $0xA;
	s2 =	sadd.s32 s3, s2  }
0x8d: {  	s2 =	sadd.s32 s2, s17  }
0x8e: {  	[smem:$0x3FC6] =	sst s2  }
0x8f: {  	_ = 	snop  }
0x90: {  	s2 =	sld [smem:$0x3FC8];
	(tm) =	ssettm $0x1  }
0x91: {  	s18 =	sld [smem:$0x3FFB];
	_ =	sdelay $0x3  }
0x92: {  	_ =	strace s18  }
0x93: {  	s3 =	sld [smem:$0x3FFC];
	_ =	sdelay $0x3  }
0x94: {  	_ =	strace s3  }
0x95: {  	s3 =	sld [smem:$0x3FFD];
	_ =	sdelay $0x3  }
0x96: {  	_ =	strace s3  }
0x97: {  	_ =	strace $0x8FFFFFFF  }
0x98: {  	s19 =	sld [smem:$0x3FDB];
	_ =	sdelay $0x1  }
0x99: {  	s4 =	simm.s32 $_scs_section_size  }
0x9a: {  	s5 =	simm.s32 $_size__tile_overlayer_lowered;
	s6 =	simm.s32 $_tile_overlayer_lowered  }
0x9b: {  	s22 =	simm.s32 $0x1BFF;
	s21 =	sshll.u32 s6, $0x1;
	s3 =	sadd.s32 s4, s19  }
0x9c: {  	s7 =	simm.s32 $0x0;
	s20 =	sshll.u32 s5, $0x1;
	s5 =	sadd.s32 s21, s3  }
0x9d: {  	[timem:s7], [sflag:s22] =	dma.local [hbm:s5], s20  }
0x9e: {  	_ =	swait.ge [sflag:s22], s20  }
0x9f: {  	s4 =	ssub.s32 $0x0, s20;
	[sflag:s22] =	ssyncset.done $0x0  }
0xa0: {  	[sflag:s22] =	ssyncadd.s32 s4;
	_ =	sdelay $0x1  }
0xa1: {  	s23 =	simm.s32 $0x1B8B  }
0xa2: {  	_ =	swait.ge [sflag:s23], $0x1  }
0xa3: {  	[sflag:s23] =	ssyncset.done $0x0  }
0xa4: {  	s25 =	simm.s32 $0x1B8E;
	s24 =	sld [smem:$0x3FFE];
	[sflag:s23] =	ssyncadd.s32 $0xFFFFFFFF  }
0xa5: {  	s26 =	simm.s32 $execute0_lowered;
	[smem:$0x3FD2] =	sst s25  }
0xa6: {  	s5 =	sshll.u32 s26, $0x1;
	_ =	strace $0x80000046;
	[dreg:$0x1] =	wrdreg $0xFFFFFFFF  }
0xa7: {  	s28 =	simm.s32 $_size_execute0_lowered;
	s3 =	sadd.s32 s3, s5;
	[dreg:$0x0] =	wrdreg $0x0  }
0xa8: {  	s5 =	sshll.u32 s28, $0x1;
	[dreg:$0x2] =	wrdreg s3  }
0xa9: {  	[dreg:$0x3] =	wrdreg s5  }
0xaa: {  	[dreg:$0x4] =	wrdreg $0xC0  }
0xab: {  	_ =	task [dreg:s7], $0x5FFFF  }
0xac: {  	[dreg:$0x1] =	wrdreg $0xFFFFFFFF  }
0xad: {  	[dreg:$0x0] =	wrdreg $0x60  }
0xae: {  	[dreg:$0x2] =	wrdreg s24  }
0xaf: {  	[dreg:$0x3] =	wrdreg s2  }
0xb0: {  	[dreg:$0x4] =	wrdreg $0x9  }
0xb1: {  	_ =	task.clear_ibuf [dreg:s7], $0x5FFFF;
	_ =	strace $0x90000046  }
0xb2: {  	s29 =	simm.s32 $0x9;
	_ =	strace $0x80000048  }
0xb3: {  	_ =	swait.ge [sflag:s29], $0x1  }
0xb4: {  	[sflag:s29] =	ssyncadd.s32 $0xFFFFFFFF  }
0xb5: {  	_ =	strace $0x90000048  }
0xb6: {  	_ =	sfence  }
0xb7: {  	s30 =	sld [smem:$0x0];
	_ =	sdelay $0x2  }
0xb8: {  	s31 =	sshll.u32 s1, $0xD;
	s1 =	sshrl.u32 s1, $0x2  }
0xb9: {  	s3 =	sand.u32 $0x4000, s31;
	s1 =	sadd.s32 s1, s30  }
0xba: {  	s0 =	sor.u32 s3, s0;
	s1 =	sshll.u32 s1, $0x11  }
0xbb: {  	s0 =	sor.u32 s1, s0  }
0xbc: {  	s0 =	sadd.s32 $0x8F2B, s0  }
0xbd: {  	[sflag:s0] =	ssyncadd.remote.s32 $0x1  }
0xbe: {  	_ =	sfence.sel $0xFFFF  }
0xbf: {  	[dreg:$0x0] =	wrdreg $0xFFFFFFFF;
	(pc) =	sbr.abs _section_cstart, $3  }
0xc0: {  	[dreg:$0x1] =	wrdreg $0xFFFFFFFF  }
0xc1: {  	_ =	task.clear_ibuf [dreg:s7], $0x2FFFF;
	_ =	strace $0x9FFFFFFF  }
0xc2: {  	(tm) =	ssettm $0x7FFFFFFF  }
0xc3: {  	_ =	shalt  }
tec
execute0_lowered:
.L_overlay_start_1:
0x0: {  	(tag) =	ssettag $0x1  }
0x1: {  	v0 =	vimm.s32 $0xFEDCBA98;
	s3 =	rddreg [dreg:$0x0];
	v1 =	vimm.s32 $0x76543210;
	v2 =	vimm.s32 $0xBA98FEDC  }
0x2: {  	s6 =	rddreg [dreg:$0x1];
	s1 =	simm.s32 $0x0;
	s2 =	srdreg.scid;
	v3 =	vimm.s32 $0x32107654;
	v4 =	vimm.s32 $0xDCFE98BA;
	v5 =	vimm.s32 $0x54761032  }
0x3: {  	s0 =	stileid.u32;
	v6 =	vimm.s32 $0xEFCDAB89;
	v7 =	vimm.s32 $0x67452301;
	s11 =	simm.s32 $0x480;
	s12 =	simm.s32 $0x1  }
0x4: {  	s13 =	simm.s32 $0x600;
	s14 =	simm.s32 $0x2;
	s15 =	simm.s32 $0x0;
	v0 =	vunpack.c.l.s4.s8 v0;
	v1 =	vunpack.c.l.s4.s8 v1;
	v2 =	vunpack.c.l.s4.s8 v2  }
0x5: {  	[smem:$0x7FF] =	sst s1;
	s4 =	sand.u32 $0x1, s2;
	s5 =	sshll.u32 s0, $0x1;
	v3 =	vunpack.c.l.s4.s8 v3;
	v4 =	vunpack.c.l.s4.s8 v4;
	v5 =	vunpack.c.l.s4.s8 v5  }
0x6: {  	s2 =	rddreg [dreg:$0x2];
	v6 =	vunpack.c.l.s4.s8 v6;
	v7 =	vunpack.c.l.s4.s8 v7;
	s5 =	sor.u32 s4, s5;
	_ =	strace $0x80000047;
	v0 =	vunpack.c.0.s8.s32 v0  }
0x7: {  	s4 =	ssub.s32 $0x2, s4;
	v1 =	vunpack.c.0.s8.s32 v1;
	s7 =	sshll.u32 s5, $0x5;
	s5 =	sshll.u32 s5, $0x4;
	v2 =	vunpack.c.0.s8.s32 v2;
	v3 =	vunpack.c.0.s8.s32 v3  }
0x8: {  	s9 =	sshrl.u32 s4, $0x1;
	v4 =	vunpack.c.0.s8.s32 v4;
	v5 =	vunpack.c.0.s8.s32 v5;
	s8 =	sadd.s32 s7, s3;
	s10 =	sadd.s32 s5, s3;
	v0 =	vand.u32 $0xF, v0  }
0x9: {  	v6 =	vunpack.c.0.s8.s32 v6;
	v7 =	vunpack.c.0.s8.s32 v7;
	s9 =	ssub.s32 s4, s9;
	s6 =	sadd.s32 s6, s7;
	s3 =	sadd.s32 $0x1600, s8;
	v0 =	vcombine.low v0, v1  }
0xa: {  	s4 =	sadd.s32 $0x1200, s8;
	s5 =	sadd.s32 $0xE00, s8;
	s7 =	sadd.s32 $0x1A00, s10;
	v1 =	vcombine.low v3, v2;
	v2 =	vlaneseq.u32  }
0xb: {  	s8 =	smax.u32 s9, $0x1;
	s9 =	simm.s32 $0x180;
	s10 =	simm.s32 $0x300;
	v3 =	vcombine.low v5, v4;
	v5 =	vcombine.low v7, v6;
	v4 =	vor.u32 $0x90, v2;
	[tilespmem:$0x1FFF0] =	vst v0  }
.LBB2_1:
0xc: {  	[tilespmem:s1], [sflag:$0x1] =	stream.linear.gather [hbm4b:s3+s1], $0x100, $0x38;
	[tilespmem:$0x680] =	vst v63  }
0xd: {  	_ = 	snop  }
0xe: {  	[tilespmem:s9], [sflag:$0x1] =	stream.linear.gather [hbm4b:s4+s1], $0x100, $0x38;
	[tilespmem:$0x680] =	vst v63  }
0xf: {  	_ = 	snop  }
0x10: {  	[tilespmem:s10], [sflag:$0x1] =	stream.linear.gather [hbm4b:s5+s1], $0x100, $0x38;
	[tilespmem:$0x680] =	vst v63  }
0x11: {  	_ = 	snop  }
0x12: {  	[tilespmem:s11], [sflag:$0x1] =	stream.linear.gather [hbm4b:s6+s1], $0x100, $0x38;
	[tilespmem:$0x680] =	vst v63  }
0x13: {  	_ =	swait.ge [sflag:s12], $0x100  }
0x14: {  	[sflag:s12] =	ssyncset.done $0x0  }
0x15: {  	[sflag:s12] =	ssyncadd.s32 $0xFFFFFF00  }
0x16: {  	_ =	swait.ge [sflag:s12], $0x100  }
0x17: {  	[sflag:s12] =	ssyncset.done $0x0  }
0x18: {  	[sflag:s12] =	ssyncadd.s32 $0xFFFFFF00  }
0x19: {  	_ =	swait.ge [sflag:s12], $0x100  }
0x1a: {  	[sflag:s12] =	ssyncset.done $0x0  }
0x1b: {  	[sflag:s12] =	ssyncadd.s32 $0xFFFFFF00  }
0x1c: {  	_ =	swait.ge [sflag:s12], $0x100  }
0x1d: {  	[sflag:s12] =	ssyncset.done $0x0  }
0x1e: {  	[sflag:s12] =	ssyncadd.s32 $0xFFFFFF00  }
0x1f: {  	v14 =	vld [tilespmem:$0x90]  }
0x20: {  	v13 =	vld [tilespmem:$0x210]  }
0x21: {  	v22 =	vld [tilespmem:$0x3B0]  }
0x22: {  	v23 =	vld [tilespmem:$0x530]  }
0x23: {  	v24 =	vld [tilespmem:$0xC0]  }
0x24: {  	v25 =	vld [tilespmem:$0x240]  }
0x25: {  	v26 =	vld [tilespmem:$0x3C0]  }
0x26: {  	v27 =	vld [tilespmem:$0x540]  }
0x27: {  	v28 =	vld [tilespmem:$0xD0]  }
0x28: {  	v29 =	vld [tilespmem:$0x250]  }
0x29: {  	v30 =	vld [tilespmem:$0x3D0]  }
0x2a: {  	v32 =	vld [tilespmem:$0xE0]  }
0x2b: {  	s18 =	simm.s32 $0x390;
	v34 =	vld [tilespmem:$0x3E0]  }
0x2c: {  	s16 =	simm.s32 $0x90;
	v6 =	vld [tilespmem:s18+$0x0]  }
0x2d: {  	s19 =	simm.s32 $0x210;
	v7 =	vld [tilespmem:s16+$0x0]  }
0x2e: {  	v8 =	vld [tilespmem:s19+$0x0]  }
0x2f: {  	v36 =	vld [tilespmem:$0xF0]  }
0x30: {  	v38 =	vld [tilespmem:$0x3F0]  }
0x31: {  	s17 =	simm.s32 $0x510;
	v37 =	vld [tilespmem:$0x270];
	v6 =	vadd.f32 $9.999999970e-07, v6  }
0x32: {  	v40 =	vld.msk [tilespmem:s17+$0x0 ss:$0x0], $0xffff;
	v7 =	vadd.f32 $9.999999970e-07, v7  }
0x33: {  	v33 =	vld [tilespmem:$0x260];
	v8 =	vadd.f32 $9.999999970e-07, v8;
	v41 =	vbroadcast v6, $0x0  }
0x34: {  	v39 =	vld [tilespmem:$0x570];
	v42 =	vbroadcast v7, $0x0  }
0x35: {  	v35 =	vld [tilespmem:$0x560];
	v43 =	vbroadcast v8, $0x0;
	v47 =	vsub.f32 v41, v38  }
0x36: {  	v10 =	vimm.f32 $0.0e+00;
	v31 =	vld [tilespmem:$0x550];
	v45 =	vsub.f32 v41, v34;
	v48 =	vsub.f32 v42, v36  }
0x37: {  	v19 =	vld [tilespmem:$0x3A0];
	v12 =	vmul.f32 v27, v40;
	v57 =	vsub.f32 v41, v30;
	v53 =	vsub.f32 v43, v37  }
0x38: {  	v20 =	vld [tilespmem:$0xB0];
	v16 =	vmul.f32 v23, v40;
	v60 =	vsub.f32 v42, v32;
	v49 =	vsub.f32 v41, v26  }
0x39: {  	v21 =	vld [tilespmem:$0x230];
	v6 =	vmul.f32 v39, v40;
	v50 =	vsub.f32 v43, v33;
	v52 =	vsub.f32 v42, v28  }
0x3a: {  	v18 =	vld [tilespmem:$0xA0];
	v7 =	vmul.f32 v35, v40;
	v44 =	vsub.f32 v41, v22;
	v54 =	vsub.f32 v43, v29  }
0x3b: {  	v17 =	vld [tilespmem:$0x220];
	v8 =	vmul.f32 v31, v40;
	v55 =	vsub.f32 v42, v24;
	v56 =	vsub.f32 v43, v25  }
0x3c: {  	v15 =	vld [tilespmem:$0x390];
	v46 =	vsub.f32 v41, v19;
	v45 =	vmul.f32 v45, v45;
	v47 =	vmul.f32 v47, v47  }
0x3d: {  	v9 =	vld [tilespmem:$0x510];
	v58 =	vsub.f32 v42, v20;
	v51 =	vmul.f32 v48, v48;
	v53 =	vmul.f32 v53, v53  }
0x3e: {  	s20 =	simm.s32 $0x91;
	s21 =	simm.s32 $0x90;
	v11 =	vld [tilespmem:$0x520];
	v59 =	vsub.f32 v43, v21;
	v48 =	vmul.f32 v57, v57;
	v57 =	vmul.f32 v60, v60  }
.LBB2_2:
0x3f: {  	p0 =	seq.s32 s20, $0x9F;
	v60 =	vsub.f32 v42, v18;
	v49 =	vmul.f32 v49, v49;
	v50 =	vmul.f32 v50, v50  }
0x40: {  	v61 =	vsub.f32 v43, v17;
	v52 =	vmul.f32 v52, v52;
	v54 =	vmul.f32 v54, v54  }
0x41: {  	v41 =	vsub.f32 v41, v15;
	v55 =	vmul.f32 v55, v55;
	v56 =	vmul.f32 v56, v56  }
0x42: {  	v42 =	vsub.f32 v42, v14;
	v58 =	vmul.f32 v58, v58;
	v59 =	vmul.f32 v59, v59  }
0x43: {  	v43 =	vsub.f32 v43, v13;
	v60 =	vmul.f32 v60, v60;
	v61 =	vmul.f32 v61, v61  }
0x44: {  	v51 =	vadd.f32 v53, v51;
	v42 =	vmul.f32 v42, v42;
	v50 =	vadd.f32 v50, v57  }
0x45: {  	v43 =	vmul.f32 v43, v43;
	v53 =	vadd.f32 v56, v55;
	v52 =	vadd.f32 v54, v52  }
0x46: {  	v44 =	vmul.f32 v44, v44;
	v55 =	vadd.f32 v59, v58;
	v54 =	vadd.f32 v61, v60  }
0x47: {  	v42 =	vadd.f32 v43, v42;
	v43 =	vmul.f32 v46, v46;
	v46 =	vadd.f32 v47, v51  }
0x48: {  	v41 =	vmul.f32 v41, v41;
	v47 =	vadd.f32 v48, v52;
	v45 =	vadd.f32 v45, v50  }
0x49: {  	v48 =	vmul.f32 v11, v40;
	v49 =	vadd.f32 v49, v53;
	v44 =	vadd.f32 v44, v55  }
0x4a: {  	v40 =	vmul.f32 v9, v40;
	v41 =	vadd.f32 v41, v42;
	v42 =	vadd.f32 v43, v54  }
0x4b: {  	v43 =	vshra.s32 v45, $0x1;
	v50 =	vshra.s32 v46, $0x1;
	v46 =	vmul.f32 $5.000000000e-01, v46  }
0x4c: {  	v51 =	vshra.s32 v47, $0x1;
	v47 =	vmul.f32 $5.000000000e-01, v47;
	v45 =	vmul.f32 $5.000000000e-01, v45  }
0x4d: {  	v53 =	vshra.s32 v49, $0x1;
	v49 =	vmul.f32 $5.000000000e-01, v49;
	v52 =	vshra.s32 v44, $0x1  }
0x4e: {  	v44 =	vmul.f32 $5.000000000e-01, v44;
	v54 =	vshra.s32 v42, $0x1;
	v42 =	vmul.f32 $5.000000000e-01, v42  }
0x4f: {  	v50 =	vsub.s32 $0x5F3759DF, v50;
	v55 =	vshra.s32 v41, $0x1;
	v41 =	vmul.f32 $5.000000000e-01, v41  }
0x50: {  	v51 =	vsub.s32 $0x5F3759DF, v51;
	v43 =	vsub.s32 $0x5F3759DF, v43;
	v55 =	vsub.s32 $0x5F3759DF, v55  }
0x51: {  	v53 =	vsub.s32 $0x5F3759DF, v53;
	v57 =	vmul.f32 v50, v46;
	v56 =	vmul.f32 v55, v41  }
0x52: {  	v52 =	vsub.s32 $0x5F3759DF, v52;
	v58 =	vmul.f32 v51, v47;
	v59 =	vmul.f32 v43, v45  }
0x53: {  	v60 =	vmul.f32 v53, v49;
	v54 =	vsub.s32 $0x5F3759DF, v54;
	v56 =	vmul.f32 v55, v56  }
0x54: {  	v62 =	vmul.f32 v52, v44;
	v61 =	vmul.f32 v54, v42  }
0x55: {  	v59 =	vmul.f32 v43, v59;
	v57 =	vmul.f32 v50, v57;
	v56 =	vsub.f32 $1.500000000e+00, v56  }
0x56: {  	v58 =	vmul.f32 v51, v58;
	v61 =	vmul.f32 v54, v61  }
0x57: {  	v63 =	vmov s16;
	s16 =	smov.u32 s20;
	v55 =	vmul.f32 v55, v56;
	v56 =	vmul.f32 v53, v60  }
0x58: {  	s18 =	sadd.s32 $0x1, s18;
	v57 =	vsub.f32 $1.500000000e+00, v57;
	v60 =	vsub.f32 $1.500000000e+00, v61;
	v61 =	vmul.f32 v52, v62  }
0x59: {  	s21 =	sadd.s32 $0x1, s21;
	v58 =	vsub.f32 $1.500000000e+00, v58;
	v59 =	vsub.f32 $1.500000000e+00, v59;
	v41 =	vmul.f32 v55, v41;
	v62 =	vld [tilespmem:s18+$0x0]  }
0x5a: {  	v50 =	vmul.f32 v50, v57;
	v54 =	vmul.f32 v54, v60;
	v60 =	vsub.f32 $1.500000000e+00, v61;
	v0 =	vld [tilespmem:s21+$0x0]  }
0x5b: {  	s19 =	sadd.s32 $0x1, s19;
	v43 =	vmul.f32 v43, v59;
	v56 =	vsub.f32 $1.500000000e+00, v56;
	v41 =	vmul.f32 v41, v55  }
0x5c: {  	vm0 =	vlt.u32 v63, v4;
	v42 =	vmul.f32 v54, v42;
	v52 =	vmul.f32 v52, v60;
	v57 =	vld [tilespmem:s19+$0x0]  }
0x5d: {  	v51 =	vmul.f32 v51, v58;
	v53 =	vmul.f32 v53, v56;
	v41 =	vsub.f32 $1.500000000e+00, v41  }
0x5e: {  	v42 =	vmul.f32 v42, v54;
	v44 =	vmul.f32 v52, v44;
	v56 =	vadd.f32 $9.999999970e-07, v62  }
0x5f: {  	v49 =	vmul.f32 v53, v49;
	v41 =	vmul.f32 v41, v55;
	v0 =	vadd.f32 $9.999999970e-07, v0  }
0x60: {  	v47 =	vmul.f32 v51, v47;
	v42 =	vsub.f32 $1.500000000e+00, v42;
	v44 =	vmul.f32 v44, v52  }
0x61: {  	v40 =	vmul.f32 v41, v40;
	v41 =	vmul.f32 v49, v53;
	v55 =	vadd.f32 $9.999999970e-07, v57  }
0x62: {  	v45 =	vmul.f32 v43, v45;
	v42 =	vmul.f32 v42, v54;
	v44 =	vsub.f32 $1.500000000e+00, v44  }
0x63: {  	v47 =	vmul.f32 v47, v51;
	v40 =	vnsel vm0, $0x0, v40;
	v41 =	vsub.f32 $1.500000000e+00, v41  }
0x64: {  	v10 =	vadd.f32 v40, v10;
	v40 =	vmul.f32 v42, v48;
	v42 =	vmul.f32 v44, v52  }
0x65: {  	v46 =	vmul.f32 v50, v46;
	v45 =	vmul.f32 v45, v43;
	v44 =	vsub.f32 $1.500000000e+00, v47  }
0x66: {  	s17 =	sadd.s32 $0x1, s17;
	v10 =	vadd.f32 v40, v10;
	v16 =	vmul.f32 v42, v16;
	v42 =	vmul.f32 v41, v53  }
0x67: {  	v46 =	vmul.f32 v46, v50;
	v45 =	vsub.f32 $1.500000000e+00, v45;
	v41 =	vbroadcast v56, $0x0;
	v40 =	vld.msk [tilespmem:s17+$0x0 ss:$0x0], $0xffff  }
0x68: {  	v10 =	vadd.f32 v16, v10;
	v12 =	vmul.f32 v42, v12;
	v16 =	vmul.f32 v44, v51  }
0x69: {  	v44 =	vsub.f32 $1.500000000e+00, v46;
	v42 =	vbroadcast v0, $0x0;
	v0 =	vsub.f32 v41, v38  }
0x6a: {  	v10 =	vadd.f32 v12, v10;
	v8 =	vmul.f32 v16, v8;
	v12 =	vmul.f32 v45, v43  }
0x6b: {  	v45 =	vsub.f32 v41, v34;
	v43 =	vbroadcast v55, $0x0;
	v48 =	vsub.f32 v42, v36  }
0x6c: {  	v8 =	vadd.f32 v8, v10;
	v7 =	vmul.f32 v12, v7;
	v10 =	vmul.f32 v44, v50  }
0x6d: {  	v57 =	vsub.f32 v41, v30;
	v53 =	vsub.f32 v43, v37;
	v12 =	vmul.f32 v39, v40  }
0x6e: {  	v60 =	vsub.f32 v42, v32;
	v16 =	vadd.f32 v7, v8;
	v10 =	vmul.f32 v10, v6  }
0x6f: {  	v49 =	vsub.f32 v41, v26;
	v50 =	vsub.f32 v43, v33;
	v7 =	vmul.f32 v35, v40;
	v6 =	vmovc v12  }
0x70: {  	v52 =	vsub.f32 v42, v28;
	v10 =	vadd.f32 v10, v16;
	v8 =	vmul.f32 v31, v40  }
.Ltmp0:
0x71: {  	v44 =	vsub.f32 v41, v22;
	v54 =	vsub.f32 v43, v29;
	v12 =	vmul.f32 v27, v40;
	(pc) =	sbr.rel @!p0 .LBB2_2-.Ltmp0, $4  }
0x72: {  	v55 =	vsub.f32 v42, v24;
	v56 =	vsub.f32 v43, v25;
	v16 =	vmul.f32 v23, v40  }
0x73: {  	v46 =	vsub.f32 v41, v19;
	v45 =	vmul.f32 v45, v45;
	v47 =	vmul.f32 v0, v0  }
0x74: {  	v58 =	vsub.f32 v42, v20;
	v51 =	vmul.f32 v48, v48;
	v53 =	vmul.f32 v53, v53  }
0x75: {  	s20 =	sadd.s32 $0x1, s20;
	v59 =	vsub.f32 v43, v21;
	v48 =	vmul.f32 v57, v57;
	v57 =	vmul.f32 v60, v60  }
0x76: {  	v0 =	vsub.f32 v42, v18  }
0x77: {  	v18 =	vmul.f32 v49, v49;
	v19 =	vmul.f32 v50, v50;
	v17 =	vsub.f32 v43, v17  }
0x78: {  	v20 =	vmul.f32 v52, v52;
	v21 =	vmul.f32 v54, v54;
	v15 =	vsub.f32 v41, v15  }
0x79: {  	v22 =	vmul.f32 v55, v55;
	v23 =	vmul.f32 v56, v56;
	v14 =	vsub.f32 v42, v14  }
0x7a: {  	v24 =	vmul.f32 v58, v58;
	v13 =	vsub.f32 v43, v13;
	v11 =	vmul.f32 v11, v40  }
0x7b: {  	v26 =	vadd.f32 v53, v51;
	v25 =	vmul.f32 v59, v59;
	v0 =	vmul.f32 v0, v0  }
0x7c: {  	v17 =	vmul.f32 v17, v17;
	v14 =	vmul.f32 v14, v14;
	v19 =	vadd.f32 v19, v57  }
0x7d: {  	v13 =	vmul.f32 v13, v13;
	v22 =	vadd.f32 v23, v22;
	v20 =	vadd.f32 v21, v20  }
0x7e: {  	v21 =	vmul.f32 v44, v44;
	v23 =	vadd.f32 v47, v26;
	v0 =	vadd.f32 v17, v0  }
0x7f: {  	v15 =	vmul.f32 v15, v15;
	v17 =	vadd.f32 v25, v24;
	v13 =	vadd.f32 v13, v14  }
0x80: {  	v14 =	vmul.f32 v46, v46;
	v20 =	vadd.f32 v48, v20;
	v19 =	vadd.f32 v45, v19  }
0x81: {  	v9 =	vmul.f32 v9, v40;
	v18 =	vadd.f32 v18, v22;
	v17 =	vadd.f32 v21, v17  }
0x82: {  	v13 =	vadd.f32 v15, v13;
	v0 =	vadd.f32 v14, v0;
	v14 =	vshra.s32 v19, $0x1  }
0x83: {  	v15 =	vshra.s32 v23, $0x1;
	v21 =	vmul.f32 $5.000000000e-01, v23;
	v22 =	vshra.s32 v20, $0x1  }
0x84: {  	v20 =	vmul.f32 $5.000000000e-01, v20;
	v19 =	vmul.f32 $5.000000000e-01, v19;
	v24 =	vshra.s32 v18, $0x1  }
0x85: {  	v18 =	vmul.f32 $5.000000000e-01, v18;
	v15 =	vsub.s32 $0x5F3759DF, v15;
	v22 =	vsub.s32 $0x5F3759DF, v22  }
0x86: {  	v14 =	vsub.s32 $0x5F3759DF, v14;
	v23 =	vshra.s32 v17, $0x1;
	v25 =	vshra.s32 v0, $0x1  }
0x87: {  	v0 =	vmul.f32 $5.000000000e-01, v0;
	v26 =	vshra.s32 v13, $0x1;
	v13 =	vmul.f32 $5.000000000e-01, v13  }
0x88: {  	v17 =	vmul.f32 $5.000000000e-01, v17;
	v28 =	vmul.f32 v15, v21;
	v26 =	vsub.s32 $0x5F3759DF, v26  }
0x89: {  	v24 =	vsub.s32 $0x5F3759DF, v24;
	v29 =	vmul.f32 v22, v20;
	v27 =	vmul.f32 v26, v13  }
0x8a: {  	v30 =	vmul.f32 v14, v19;
	v31 =	vmul.f32 v24, v18  }
0x8b: {  	v23 =	vsub.s32 $0x5F3759DF, v23;
	v25 =	vsub.s32 $0x5F3759DF, v25;
	v27 =	vmul.f32 v26, v27  }
0x8c: {  	v32 =	vmul.f32 v25, v0;
	v33 =	vmul.f32 v23, v17  }
0x8d: {  	v30 =	vmul.f32 v14, v30;
	v28 =	vmul.f32 v15, v28;
	v27 =	vsub.f32 $1.500000000e+00, v27  }
0x8e: {  	v29 =	vmul.f32 v22, v29;
	v32 =	vmul.f32 v25, v32  }
0x8f: {  	v62 =	vmul.f32 v23, v33;
	v28 =	vsub.f32 $1.500000000e+00, v28;
	v26 =	vmul.f32 v26, v27  }
0x90: {  	v30 =	vsub.f32 $1.500000000e+00, v30;
	v27 =	vmul.f32 v24, v31;
	v31 =	vsub.f32 $1.500000000e+00, v32  }
0x91: {  	v29 =	vsub.f32 $1.500000000e+00, v29;
	v15 =	vmul.f32 v15, v28;
	v13 =	vmul.f32 v26, v13  }
0x92: {  	v14 =	vmul.f32 v14, v30;
	v25 =	vmul.f32 v25, v31;
	v31 =	vsub.f32 $1.500000000e+00, v62  }
0x93: {  	v22 =	vmul.f32 v22, v29;
	v27 =	vsub.f32 $1.500000000e+00, v27;
	v13 =	vmul.f32 v13, v26  }
0x94: {  	v0 =	vmul.f32 v25, v0;
	v23 =	vmul.f32 v23, v31  }
0x95: {  	v20 =	vmul.f32 v22, v20;
	v24 =	vmul.f32 v24, v27;
	v13 =	vsub.f32 $1.500000000e+00, v13  }
0x96: {  	v0 =	vmul.f32 v0, v25;
	v17 =	vmul.f32 v23, v17  }
0x97: {  	v28 =	vld [tilespmem:$0x3E0];
	v18 =	vmul.f32 v24, v18;
	v13 =	vmul.f32 v13, v26  }
0x98: {  	v29 =	vld [tilespmem:$0xF0];
	v27 =	vmov s16;
	v0 =	vsub.f32 $1.500000000e+00, v0;
	v17 =	vmul.f32 v17, v23  }
0x99: {  	v30 =	vld [tilespmem:$0x270];
	vm0 =	vlt.u32 v27, v4;
	v9 =	vmul.f32 v13, v9;
	v13 =	vmul.f32 v18, v24  }
0x9a: {  	v32 =	vld [tilespmem:$0x570];
	v0 =	vmul.f32 v0, v25;
	v17 =	vsub.f32 $1.500000000e+00, v17;
	v18 =	vmul.f32 v14, v19  }
0x9b: {  	v31 =	vld [tilespmem:$0x3F0];
	v19 =	vmul.f32 v20, v22;
	v9 =	vnsel vm0, $0x0, v9;
	v13 =	vsub.f32 $1.500000000e+00, v13  }
0x9c: {  	v27 =	vld [tilespmem:$0x260];
	v0 =	vmul.f32 v0, v11;
	v9 =	vadd.f32 v9, v10;
	v10 =	vmul.f32 v17, v23  }
0x9d: {  	v26 =	vld [tilespmem:$0xE0];
	v11 =	vsub.f32 $1.500000000e+00, v19;
	v17 =	vmul.f32 v18, v14;
	v18 =	vmul.f32 v15, v21  }
0x9e: {  	v20 =	vld [tilespmem:$0x530];
	v0 =	vadd.f32 v0, v9;
	v9 =	vmul.f32 v10, v16;
	v10 =	vmul.f32 v13, v24  }
0x9f: {  	v25 =	vld [tilespmem:$0x3D0];
	v13 =	vsub.f32 $1.500000000e+00, v17;
	v16 =	vmul.f32 v18, v15  }
0xa0: {  	v19 =	vld [tilespmem:$0x3B0];
	v0 =	vadd.f32 v9, v0;
	v9 =	vmul.f32 v10, v12;
	v10 =	vmul.f32 v11, v22  }
0xa1: {  	v23 =	vld [tilespmem:$0x540];
	v11 =	vsub.f32 $1.500000000e+00, v16  }
0xa2: {  	v21 =	vld [tilespmem:$0x250];
	v0 =	vadd.f32 v9, v0;
	v8 =	vmul.f32 v10, v8;
	v9 =	vmul.f32 v13, v14  }
0xa3: {  	v18 =	vld [tilespmem:$0xC0]  }
0xa4: {  	v17 =	vld [tilespmem:$0x240];
	v0 =	vadd.f32 v8, v0;
	v7 =	vmul.f32 v9, v7;
	v8 =	vmul.f32 v11, v15  }
0xa5: {  	s19 =	simm.s32 $0x220;
	v24 =	vld [tilespmem:$0xD0]  }
0xa6: {  	s16 =	simm.s32 $0xA0;
	v9 =	vld [tilespmem:s19+$0x0];
	v0 =	vadd.f32 v7, v0;
	v6 =	vmul.f32 v8, v6  }
0xa7: {  	s18 =	simm.s32 $0x3A0;
	v8 =	vld [tilespmem:s16+$0x0]  }
0xa8: {  	v10 =	vadd.f32 v6, v0;
	v0 =	vld [tilespmem:s18+$0x0]  }
0xa9: {  	v12 =	vld [tilespmem:$0x3A0]  }
0xaa: {  	v16 =	vld [tilespmem:$0xB0]  }
0xab: {  	v22 =	vld [tilespmem:$0x3C0];
	v9 =	vadd.f32 $9.999999970e-07, v9  }
0xac: {  	s17 =	simm.s32 $0x520;
	v14 =	vld [tilespmem:$0xA0];
	v63 =	vadd.f32 $9.999999970e-07, v8  }
0xad: {  	v8 =	vld.msk [tilespmem:s17+$0x0 ss:$0x0], $0xffff;
	v37 =	vbroadcast v9, $0x0;
	v0 =	vadd.f32 $9.999999970e-07, v0  }
0xae: {  	v13 =	vld [tilespmem:$0x220];
	v38 =	vbroadcast v63, $0x0  }
0xaf: {  	v11 =	vld [tilespmem:$0x520];
	v42 =	vsub.f32 v37, v30;
	v36 =	vbroadcast v0, $0x0  }
0xb0: {  	v15 =	vld [tilespmem:$0x230];
	v40 =	vsub.f32 v37, v27;
	v41 =	vsub.f32 v38, v29  }
0xb1: {  	v7 =	vld [tilespmem:$0x550];
	v44 =	vsub.f32 v38, v26;
	v39 =	vsub.f32 v36, v31  }
0xb2: {  	s20 =	simm.s32 $0xA1;
	s21 =	simm.s32 $0xA0;
	v6 =	vld [tilespmem:$0x560];
	v9 =	vmul.f32 v32, v8;
	v45 =	vsub.f32 v36, v28;
	v43 =	vsub.f32 v36, v25  }
.LBB2_4:
0xb3: {  	p0 =	seq.s32 s20, $0xAF;
	v0 =	vsub.f32 v36, v22;
	v34 =	vmul.f32 v23, v8;
	v33 =	vsub.f32 v38, v24  }
0xb4: {  	v46 =	vsub.f32 v36, v19;
	v35 =	vmul.f32 v20, v8;
	v47 =	vsub.f32 v37, v21  }
0xb5: {  	v48 =	vsub.f32 v38, v18;
	v45 =	vmul.f32 v45, v45;
	v39 =	vmul.f32 v39, v39  }
0xb6: {  	v49 =	vsub.f32 v37, v17;
	v41 =	vmul.f32 v41, v41;
	v42 =	vmul.f32 v42, v42  }
0xb7: {  	v50 =	vsub.f32 v38, v16;
	v43 =	vmul.f32 v43, v43;
	v44 =	vmul.f32 v44, v44  }
0xb8: {  	v51 =	vsub.f32 v37, v15;
	v40 =	vmul.f32 v40, v40;
	v33 =	vmul.f32 v33, v33  }
0xb9: {  	v38 =	vsub.f32 v38, v14;
	v48 =	vmul.f32 v48, v48;
	v47 =	vmul.f32 v47, v47  }
0xba: {  	v37 =	vsub.f32 v37, v13;
	v50 =	vmul.f32 v50, v50;
	v49 =	vmul.f32 v49, v49  }
0xbb: {  	v36 =	vsub.f32 v36, v12;
	v38 =	vmul.f32 v38, v38;
	v51 =	vmul.f32 v51, v51  }
0xbc: {  	v37 =	vmul.f32 v37, v37;
	v41 =	vadd.f32 v42, v41;
	v40 =	vadd.f32 v40, v44  }
0xbd: {  	v0 =	vmul.f32 v0, v0;
	v42 =	vadd.f32 v49, v48;
	v33 =	vadd.f32 v47, v33  }
0xbe: {  	v44 =	vmul.f32 v46, v46;
	v37 =	vadd.f32 v37, v38;
	v38 =	vadd.f32 v51, v50  }
0xbf: {  	v36 =	vmul.f32 v36, v36;
	v39 =	vadd.f32 v39, v41;
	v40 =	vadd.f32 v45, v40  }
0xc0: {  	v41 =	vmul.f32 v11, v8;
	v0 =	vadd.f32 v0, v42;
	v33 =	vadd.f32 v43, v33  }
0xc1: {  	v36 =	vadd.f32 v36, v37;
	v37 =	vadd.f32 v44, v38;
	v38 =	vshra.s32 v39, $0x1  }
0xc2: {  	v39 =	vmul.f32 $5.000000000e-01, v39;
	v42 =	vshra.s32 v40, $0x1;
	v40 =	vmul.f32 $5.000000000e-01, v40  }
0xc3: {  	v43 =	vshra.s32 v36, $0x1;
	v36 =	vmul.f32 $5.000000000e-01, v36;
	v44 =	vshra.s32 v33, $0x1  }
0xc4: {  	v45 =	vshra.s32 v0, $0x1;
	v46 =	vmul.f32 $5.000000000e-01, v33;
	v43 =	vsub.s32 $0x5F3759DF, v43  }
0xc5: {  	v47 =	vshra.s32 v37, $0x1;
	v0 =	vmul.f32 $5.000000000e-01, v0;
	v33 =	vmul.f32 v43, v36  }
0xc6: {  	v38 =	vsub.s32 $0x5F3759DF, v38;
	v37 =	vmul.f32 $5.000000000e-01, v37;
	v42 =	vsub.s32 $0x5F3759DF, v42  }
0xc7: {  	v47 =	vsub.s32 $0x5F3759DF, v47;
	v44 =	vsub.s32 $0x5F3759DF, v44;
	v33 =	vmul.f32 v43, v33  }
0xc8: {  	v49 =	vmul.f32 v38, v39;
	v45 =	vsub.s32 $0x5F3759DF, v45;
	v48 =	vmul.f32 v47, v37  }
0xc9: {  	v51 =	vmul.f32 v42, v40;
	v50 =	vmul.f32 v44, v46;
	v33 =	vsub.f32 $1.500000000e+00, v33  }
0xca: {  	v52 =	vmov s16;
	s16 =	smov.u32 s20;
	v53 =	vmul.f32 v45, v0;
	v48 =	vmul.f32 v47, v48  }
0xcb: {  	v49 =	vmul.f32 v38, v49;
	v43 =	vmul.f32 v43, v33;
	v33 =	vor.u32 $0xA0, v2  }
0xcc: {  	s18 =	sadd.s32 $0x1, s18;
	v51 =	vmul.f32 v42, v51;
	v53 =	vmul.f32 v45, v53;
	v48 =	vsub.f32 $1.500000000e+00, v48  }
0xcd: {  	s21 =	sadd.s32 $0x1, s21;
	v50 =	vmul.f32 v44, v50;
	v49 =	vsub.f32 $1.500000000e+00, v49;
	v36 =	vmul.f32 v43, v36;
	v54 =	vld [tilespmem:s18+$0x0]  }
0xce: {  	v51 =	vsub.f32 $1.500000000e+00, v51;
	v47 =	vmul.f32 v47, v48;
	v48 =	vsub.f32 $1.500000000e+00, v53;
	v55 =	vld [tilespmem:s21+$0x0]  }
0xcf: {  	s19 =	sadd.s32 $0x1, s19;
	v50 =	vsub.f32 $1.500000000e+00, v50;
	v49 =	vmul.f32 v38, v49;
	v36 =	vmul.f32 v36, v43  }
0xd0: {  	vm0 =	vlt.u32 v52, v33;
	v37 =	vmul.f32 v47, v37;
	v45 =	vmul.f32 v45, v48;
	v38 =	vld [tilespmem:s19+$0x0]  }
0xd1: {  	v42 =	vmul.f32 v42, v51;
	v44 =	vmul.f32 v44, v50;
	v36 =	vsub.f32 $1.500000000e+00, v36  }
0xd2: {  	v37 =	vmul.f32 v37, v47;
	v0 =	vmul.f32 v45, v0;
	v48 =	vadd.f32 $9.999999970e-07, v54  }
0xd3: {  	v36 =	vmul.f32 v36, v43;
	v43 =	vmul.f32 v44, v46;
	v50 =	vadd.f32 $9.999999970e-07, v55  }
0xd4: {  	v40 =	vmul.f32 v42, v40;
	v37 =	vsub.f32 $1.500000000e+00, v37;
	v0 =	vmul.f32 v0, v45  }
0xd5: {  	v36 =	vmul.f32 v36, v41;
	v46 =	vadd.f32 $9.999999970e-07, v38;
	v38 =	vmul.f32 v43, v44  }
0xd6: {  	v39 =	vmul.f32 v49, v39;
	v37 =	vmul.f32 v37, v47;
	v0 =	vsub.f32 $1.500000000e+00, v0  }
0xd7: {  	v40 =	vmul.f32 v40, v42;
	v36 =	vnsel vm0, $0x0, v36;
	v38 =	vsub.f32 $1.500000000e+00, v38  }
0xd8: {  	v35 =	vmul.f32 v37, v35;
	v0 =	vmul.f32 v0, v45;
	v10 =	vadd.f32 v36, v10  }
0xd9: {  	v39 =	vmul.f32 v39, v49;
	v40 =	vsub.f32 $1.500000000e+00, v40;
	v37 =	vmul.f32 v7, v8  }
0xda: {  	v0 =	vmul.f32 v0, v34;
	v10 =	vadd.f32 v35, v10;
	v34 =	vmul.f32 v38, v44  }
0xdb: {  	s17 =	sadd.s32 $0x1, s17;
	v41 =	vsub.f32 $1.500000000e+00, v39;
	v35 =	vmul.f32 v6, v8;
	v36 =	vbroadcast v48, $0x0  }
0xdc: {  	v0 =	vadd.f32 v0, v10;
	v10 =	vmul.f32 v34, v37;
	v34 =	vmul.f32 v40, v42;
	v8 =	vld.msk [tilespmem:s17+$0x0 ss:$0x0], $0xffff  }
0xdd: {  	v39 =	vsub.f32 v36, v31;
	v38 =	vbroadcast v50, $0x0;
	v37 =	vbroadcast v46, $0x0  }
.Ltmp1:
0xde: {  	v0 =	vadd.f32 v10, v0;
	v10 =	vmul.f32 v34, v35;
	v34 =	vmul.f32 v41, v49;
	(pc) =	sbr.rel @!p0 .LBB2_4-.Ltmp1, $4  }
0xdf: {  	v45 =	vsub.f32 v36, v28;
	v41 =	vsub.f32 v38, v29  }
0xe0: {  	v42 =	vsub.f32 v37, v30;
	v0 =	vadd.f32 v10, v0;
	v10 =	vmul.f32 v34, v9  }
0xe1: {  	v43 =	vsub.f32 v36, v25;
	v44 =	vsub.f32 v38, v26  }
0xe2: {  	s20 =	sadd.s32 $0x1, s20;
	v40 =	vsub.f32 v37, v27;
	v9 =	vmul.f32 v32, v8;
	v10 =	vadd.f32 v10, v0  }
0xe3: {  	v0 =	vsub.f32 v36, v22;
	v22 =	vmul.f32 v23, v8;
	v23 =	vsub.f32 v38, v24  }
0xe4: {  	v19 =	vsub.f32 v36, v19;
	v21 =	vsub.f32 v37, v21  }
0xe5: {  	v18 =	vsub.f32 v38, v18;
	v24 =	vmul.f32 v45, v45;
	v25 =	vmul.f32 v39, v39  }
0xe6: {  	v17 =	vsub.f32 v37, v17;
	v26 =	vmul.f32 v41, v41;
	v27 =	vmul.f32 v42, v42  }
0xe7: {  	v16 =	vsub.f32 v38, v16;
	v28 =	vmul.f32 v43, v43;
	v29 =	vmul.f32 v44, v44  }
0xe8: {  	v15 =	vsub.f32 v37, v15;
	v30 =	vmul.f32 v40, v40;
	v23 =	vmul.f32 v23, v23  }
0xe9: {  	v14 =	vsub.f32 v38, v14;
	v18 =	vmul.f32 v18, v18;
	v21 =	vmul.f32 v21, v21  }
0xea: {  	v13 =	vsub.f32 v37, v13;
	v16 =	vmul.f32 v16, v16;
	v17 =	vmul.f32 v17, v17  }
0xeb: {  	v12 =	vsub.f32 v36, v12;
	v14 =	vmul.f32 v14, v14;
	v15 =	vmul.f32 v15, v15  }
0xec: {  	v13 =	vmul.f32 v13, v13;
	v26 =	vadd.f32 v27, v26;
	v29 =	vadd.f32 v30, v29  }
0xed: {  	v0 =	vmul.f32 v0, v0;
	v17 =	vadd.f32 v17, v18;
	v18 =	vadd.f32 v21, v23  }
0xee: {  	v12 =	vmul.f32 v12, v12;
	v13 =	vadd.f32 v13, v14;
	v14 =	vadd.f32 v15, v16  }
0xef: {  	v15 =	vmul.f32 v19, v19;
	v19 =	vadd.f32 v25, v26;
	v16 =	vadd.f32 v24, v29  }
0xf0: {  	v20 =	vmul.f32 v20, v8;
	v0 =	vadd.f32 v0, v17;
	v17 =	vadd.f32 v28, v18  }
0xf1: {  	v12 =	vadd.f32 v12, v13;
	v13 =	vadd.f32 v15, v14;
	v14 =	vshra.s32 v19, $0x1  }
0xf2: {  	v18 =	vmul.f32 $5.000000000e-01, v19;
	v15 =	vshra.s32 v16, $0x1;
	v16 =	vmul.f32 $5.000000000e-01, v16  }
0xf3: {  	v14 =	vsub.s32 $0x5F3759DF, v14;
	v19 =	vshra.s32 v12, $0x1;
	v12 =	vmul.f32 $5.000000000e-01, v12  }
0xf4: {  	v21 =	vshra.s32 v17, $0x1;
	v23 =	vshra.s32 v0, $0x1;
	v19 =	vsub.s32 $0x5F3759DF, v19  }
0xf5: {  	v17 =	vmul.f32 $5.000000000e-01, v17;
	v25 =	vshra.s32 v13, $0x1;
	v24 =	vmul.f32 v19, v12  }
0xf6: {  	v0 =	vmul.f32 $5.000000000e-01, v0;
	v13 =	vmul.f32 $5.000000000e-01, v13;
	v15 =	vsub.s32 $0x5F3759DF, v15  }
0xf7: {  	v27 =	vmul.f32 v14, v18;
	v25 =	vsub.s32 $0x5F3759DF, v25;
	v24 =	vmul.f32 v19, v24  }
0xf8: {  	v21 =	vsub.s32 $0x5F3759DF, v21;
	v23 =	vsub.s32 $0x5F3759DF, v23;
	v26 =	vmul.f32 v25, v13  }
0xf9: {  	v29 =	vmul.f32 v15, v16;
	v28 =	vmul.f32 v21, v17;
	v24 =	vsub.f32 $1.500000000e+00, v24  }
0xfa: {  	v30 =	vmul.f32 v23, v0;
	v26 =	vmul.f32 v25, v26  }
0xfb: {  	v28 =	vmul.f32 v21, v28;
	v19 =	vmul.f32 v19, v24  }
0xfc: {  	v26 =	vsub.f32 $1.500000000e+00, v26;
	v24 =	vmul.f32 v14, v27;
	v27 =	vmul.f32 v23, v30  }
0xfd: {  	v29 =	vmul.f32 v15, v29;
	v28 =	vsub.f32 $1.500000000e+00, v28;
	v12 =	vmul.f32 v19, v12  }
0xfe: {  	v11 =	vmul.f32 v11, v8;
	v25 =	vmul.f32 v25, v26;
	v26 =	vsub.f32 $1.500000000e+00, v27  }
0xff: {  	v21 =	vmul.f32 v21, v28;
	v27 =	vsub.f32 $1.500000000e+00, v29;
	v12 =	vmul.f32 v12, v19  }
0x100: {  	v24 =	vsub.f32 $1.500000000e+00, v24;
	v13 =	vmul.f32 v25, v13;
	v23 =	vmul.f32 v23, v26  }
0x101: {  	v17 =	vmul.f32 v21, v17;
	v15 =	vmul.f32 v15, v27;
	v12 =	vsub.f32 $1.500000000e+00, v12  }
0x102: {  	v13 =	vmul.f32 v13, v25;
	v0 =	vmul.f32 v23, v0  }
0x103: {  	s17 =	simm.s32 $0x530;
	v14 =	vmul.f32 v14, v24;
	v24 =	vmov s16;
	v12 =	vmul.f32 v12, v19  }
0x104: {  	v30 =	vld.msk [tilespmem:s17+$0x0 ss:$0x0], $0xffff;
	v13 =	vsub.f32 $1.500000000e+00, v13;
	v16 =	vmul.f32 v15, v16;
	v0 =	vmul.f32 v0, v23  }
0x105: {  	s18 =	simm.s32 $0x230;
	v26 =	vld [tilespmem:$0x3F0];
	vm0 =	vlt.u32 v24, v33;
	v11 =	vmul.f32 v12, v11;
	v12 =	vmul.f32 v17, v21  }
0x106: {  	s31 =	simm.s32 $0xB0;
	v27 =	vld [tilespmem:s18+$0x0];
	v13 =	vmul.f32 v13, v25;
	v16 =	vmul.f32 v16, v15;
	v0 =	vsub.f32 $1.500000000e+00, v0  }
0x107: {  	v25 =	vld [tilespmem:s31+$0x0];
	v17 =	vmul.f32 v14, v18;
	v11 =	vnsel vm0, $0x0, v11;
	v12 =	vsub.f32 $1.500000000e+00, v12  }
0x108: {  	v18 =	vld [tilespmem:$0x550];
	v0 =	vmul.f32 v0, v23;
	v10 =	vadd.f32 v11, v10;
	v11 =	vmul.f32 v13, v20  }
0x109: {  	v7 =	vmul.f32 v7, v8;
	v23 =	vld [tilespmem:$0x270];
	v13 =	vsub.f32 $1.500000000e+00, v16;
	v16 =	vmul.f32 v17, v14  }
0x10a: {  	v17 =	vld [tilespmem:$0xD0];
	v0 =	vmul.f32 v0, v22;
	v10 =	vadd.f32 v11, v10;
	v11 =	vmul.f32 v12, v21  }
0x10b: {  	v6 =	vmul.f32 v6, v8;
	v20 =	vld [tilespmem:$0xE0];
	v8 =	vsub.f32 $1.500000000e+00, v16  }
0x10c: {  	v22 =	vld [tilespmem:$0xF0];
	v0 =	vadd.f32 v0, v10;
	v7 =	vmul.f32 v11, v7;
	v10 =	vmul.f32 v13, v15  }
0x10d: {  	v27 =	vadd.f32 $9.999999970e-07, v27;
	v25 =	vadd.f32 $9.999999970e-07, v25;
	v12 =	vld [tilespmem:$0x230]  }
0x10e: {  	v16 =	vld [tilespmem:$0x250];
	v0 =	vadd.f32 v7, v0;
	v6 =	vmul.f32 v10, v6;
	v7 =	vmul.f32 v8, v14  }
0x10f: {  	v31 =	vbroadcast v27, $0x0;
	v21 =	vld [tilespmem:$0x260]  }
0x110: {  	v25 =	vbroadcast v25, $0x0;
	v15 =	vld [tilespmem:$0xC0];
	v0 =	vadd.f32 v6, v0;
	v6 =	vmul.f32 v7, v9  }
0x111: {  	s19 =	simm.s32 $0x3B0;
	v35 =	vsub.f32 v31, v23;
	v14 =	vld [tilespmem:$0xB0]  }
0x112: {  	v52 =	vsub.f32 v25, v20;
	v28 =	vadd.f32 v6, v0;
	v0 =	vld [tilespmem:s19+$0x0]  }
0x113: {  	v40 =	vmul.f32 v18, v30;
	v13 =	vld [tilespmem:$0x240];
	v54 =	vsub.f32 v25, v17;
	v34 =	vsub.f32 v25, v22  }
0x114: {  	v24 =	vld [tilespmem:$0x3E0];
	v35 =	vmul.f32 v35, v35;
	v53 =	vsub.f32 v31, v21;
	v56 =	vsub.f32 v31, v16  }
0x115: {  	v8 =	vld [tilespmem:$0x570];
	v57 =	vsub.f32 v31, v12;
	v37 =	vmul.f32 v52, v52;
	v39 =	vmul.f32 v54, v54  }
0x116: {  	v10 =	vld [tilespmem:$0x3B0];
	v34 =	vmul.f32 v34, v34;
	v55 =	vsub.f32 v25, v15;
	v25 =	vsub.f32 v25, v14  }
0x117: {  	v19 =	vld [tilespmem:$0x3D0];
	v38 =	vmul.f32 v53, v53;
	v42 =	vmul.f32 v56, v56;
	v0 =	vadd.f32 $9.999999970e-07, v0  }
0x118: {  	v11 =	vld [tilespmem:$0x3C0];
	v31 =	vsub.f32 v31, v13;
	v43 =	vmul.f32 v57, v57;
	v25 =	vmul.f32 v25, v25  }
0x119: {  	v34 =	vadd.f32 v35, v34;
	v60 =	vadd.f32 v42, v39;
	v0 =	vbroadcast v0, $0x0  }
0x11a: {  	v27 =	vmul.f32 v8, v30;
	v37 =	vadd.f32 v38, v37;
	v25 =	vadd.f32 v43, v25  }
0x11b: {  	v7 =	vld [tilespmem:$0x560];
	v41 =	vmul.f32 v55, v55;
	v32 =	vsub.f32 v0, v24;
	v58 =	vsub.f32 v0, v10  }
0x11c: {  	v31 =	vmul.f32 v31, v31;
	v50 =	vsub.f32 v0, v26;
	v51 =	vsub.f32 v0, v19  }
0x11d: {  	v0 =	vsub.f32 v0, v11;
	v59 =	vmul.f32 v58, v58;
	v32 =	vmul.f32 v32, v32  }
0x11e: {  	v31 =	vadd.f32 v31, v41;
	v33 =	vmul.f32 v50, v50;
	v36 =	vmul.f32 v51, v51  }
0x11f: {  	v0 =	vmul.f32 v0, v0;
	v25 =	vadd.f32 v59, v25;
	v32 =	vadd.f32 v32, v37  }
0x120: {  	v29 =	vmul.f32 v7, v30;
	v33 =	vadd.f32 v33, v34;
	v35 =	vadd.f32 v36, v60  }
0x121: {  	v0 =	vadd.f32 v0, v31;
	v61 =	vshra.s32 v25, $0x1;
	v25 =	vmul.f32 $5.000000000e-01, v25  }
0x122: {  	v31 =	vshra.s32 v33, $0x1;
	v63 =	vmul.f32 $5.000000000e-01, v33;
	v34 =	vsub.s32 $0x5F3759DF, v61  }
0x123: {  	v48 =	vshra.s32 v0, $0x1;
	v0 =	vmul.f32 $5.000000000e-01, v0;
	v62 =	vmul.f32 v34, v25  }
0x124: {  	v9 =	vld [tilespmem:$0x530];
	v49 =	vshra.s32 v35, $0x1;
	v35 =	vmul.f32 $5.000000000e-01, v35;
	v33 =	vsub.s32 $0x5F3759DF, v48  }
0x125: {  	v39 =	vsub.s32 $0x5F3759DF, v49;
	v50 =	vmul.f32 v33, v0;
	v36 =	vmul.f32 v34, v62  }
0x126: {  	v37 =	vshra.s32 v32, $0x1;
	v32 =	vmul.f32 $5.000000000e-01, v32;
	v52 =	vmul.f32 v39, v35  }
0x127: {  	s16 =	simm.s32 $0xB1;
	v31 =	vsub.s32 $0x5F3759DF, v31;
	v41 =	vmul.f32 v33, v50;
	v36 =	vsub.f32 $1.500000000e+00, v36  }
0x128: {  	v47 =	vld [tilespmem:s16+$0x0];
	v37 =	vsub.s32 $0x5F3759DF, v37;
	v51 =	vmul.f32 v31, v63;
	v43 =	vmul.f32 v39, v52  }
0x129: {  	v6 =	vld [tilespmem:$0x540];
	v48 =	vmul.f32 v9, v30;
	v41 =	vsub.f32 $1.500000000e+00, v41;
	v34 =	vmul.f32 v34, v36  }
0x12a: {  	s17 =	simm.s32 $0x3B1;
	v54 =	vmul.f32 v37, v32;
	v42 =	vmul.f32 v31, v51;
	v56 =	vsub.f32 $1.500000000e+00, v43  }
0x12b: {  	v53 =	vmov s31;
	v55 =	vld [tilespmem:s17+$0x0];
	v41 =	vmul.f32 v33, v41;
	v46 =	vmul.f32 v34, v25  }
0x12c: {  	v42 =	vsub.f32 $1.500000000e+00, v42;
	v36 =	vmul.f32 v37, v54;
	v39 =	vmul.f32 v39, v56  }
0x12d: {  	v59 =	vadd.f32 $9.999999970e-07, v47;
	v0 =	vmul.f32 v41, v0;
	v57 =	vmul.f32 v46, v34  }
0x12e: {  	s18 =	simm.s32 $0x231;
	v30 =	vmul.f32 v6, v30;
	v33 =	vmul.f32 v31, v42;
	v36 =	vsub.f32 $1.500000000e+00, v36  }
0x12f: {  	v58 =	vld [tilespmem:s18+$0x0];
	v35 =	vmul.f32 v39, v35;
	v0 =	vmul.f32 v0, v41;
	v43 =	vsub.f32 $1.500000000e+00, v57  }
0x130: {  	v31 =	vadd.f32 $9.999999970e-07, v55;
	v25 =	vor.u32 $0xB0, v2;
	v37 =	vmul.f32 v37, v36  }
0x131: {  	v60 =	vmul.f32 v35, v39;
	v0 =	vsub.f32 $1.500000000e+00, v0;
	v34 =	vmul.f32 v43, v34  }
0x132: {  	v38 =	vmul.f32 v33, v63;
	vm15 =	vlt.u32 v53, v25;
	v32 =	vmul.f32 v37, v32  }
0x133: {  	v61 =	vsub.f32 $1.500000000e+00, v60;
	v0 =	vmul.f32 v0, v41;
	v34 =	vmul.f32 v34, v48  }
0x134: {  	v35 =	vadd.f32 $9.999999970e-07, v58;
	v38 =	vmul.f32 v38, v33;
	v32 =	vmul.f32 v32, v37  }
0x135: {  	s19 =	simm.s32 $0x531;
	v0 =	vmul.f32 v0, v30;
	v30 =	vmul.f32 v61, v39;
	v34 =	vnsel vm15, $0x0, v34  }
0x136: {  	v62 =	vsub.f32 $1.500000000e+00, v32;
	v63 =	vadd.f32 v34, v28;
	v28 =	vld.msk [tilespmem:s19+$0x0 ss:$0x0], $0xffff  }
0x137: {  	v36 =	vsub.f32 $1.500000000e+00, v38;
	v32 =	vbroadcast v31, $0x0;
	v30 =	vmul.f32 v30, v40  }
0x138: {  	s20 =	simm.s32 $0xB2;
	s21 =	simm.s32 $0xB1;
	v37 =	vmul.f32 v62, v37;
	v34 =	vbroadcast v59, $0x0;
	v31 =	vadd.f32 v0, v63  }
.LBB2_6:
0x139: {  	p0 =	seq.s32 s20, $0xBF;
	v0 =	vbroadcast v35, $0x0;
	v35 =	vsub.f32 v32, v24;
	v38 =	vsub.f32 v32, v26  }
0x13a: {  	v30 =	vadd.f32 v30, v31;
	v29 =	vmul.f32 v37, v29;
	v31 =	vmul.f32 v36, v33  }
0x13b: {  	v33 =	vsub.f32 v34, v22;
	v37 =	vmul.f32 v8, v28;
	v36 =	vsub.f32 v0, v23  }
0x13c: {  	v39 =	vsub.f32 v32, v19;
	v40 =	vadd.f32 v29, v30;
	v31 =	vmul.f32 v31, v27  }
0x13d: {  	v41 =	vsub.f32 v34, v20;
	v42 =	vsub.f32 v0, v21;
	v29 =	vmul.f32 v7, v28;
	v27 =	vmovc v37  }
0x13e: {  	v37 =	vsub.f32 v34, v17;
	v30 =	vmul.f32 v18, v28;
	v31 =	vadd.f32 v31, v40  }
0x13f: {  	v43 =	vsub.f32 v0, v16;
	v38 =	vmul.f32 v38, v38;
	v40 =	vsub.f32 v34, v15  }
0x140: {  	v33 =	vmul.f32 v33, v33;
	v36 =	vmul.f32 v36, v36;
	v34 =	vsub.f32 v34, v14  }
0x141: {  	v44 =	vsub.f32 v0, v12;
	v41 =	vmul.f32 v41, v41;
	v42 =	vmul.f32 v42, v42  }
0x142: {  	v0 =	vsub.f32 v0, v13;
	v43 =	vmul.f32 v43, v43;
	v37 =	vmul.f32 v37, v37  }
0x143: {  	v45 =	vsub.f32 v32, v10;
	v44 =	vmul.f32 v44, v44;
	v34 =	vmul.f32 v34, v34  }
0x144: {  	v32 =	vsub.f32 v32, v11;
	v0 =	vmul.f32 v0, v0;
	v40 =	vmul.f32 v40, v40  }
0x145: {  	v33 =	vadd.f32 v36, v33;
	v34 =	vadd.f32 v44, v34;
	v44 =	vmul.f32 v45, v45  }
0x146: {  	v35 =	vmul.f32 v35, v35;
	v36 =	vadd.f32 v43, v37;
	v37 =	vadd.f32 v42, v41  }
0x147: {  	v39 =	vmul.f32 v39, v39;
	v0 =	vadd.f32 v0, v40;
	v34 =	vadd.f32 v44, v34  }
0x148: {  	v32 =	vmul.f32 v32, v32;
	v33 =	vadd.f32 v38, v33;
	v35 =	vadd.f32 v35, v37  }
0x149: {  	v36 =	vadd.f32 v39, v36;
	v37 =	vshra.s32 v34, $0x1;
	v34 =	vmul.f32 $5.000000000e-01, v34  }
0x14a: {  	v0 =	vadd.f32 v32, v0;
	v32 =	vshra.s32 v33, $0x1;
	v37 =	vsub.s32 $0x5F3759DF, v37  }
0x14b: {  	v40 =	vmul.f32 $5.000000000e-01, v33;
	v39 =	vshra.s32 v35, $0x1;
	v38 =	vmul.f32 v37, v34  }
0x14c: {  	v35 =	vmul.f32 $5.000000000e-01, v35;
	v33 =	vshra.s32 v0, $0x1;
	v0 =	vmul.f32 $5.000000000e-01, v0  }
0x14d: {  	v41 =	vshra.s32 v36, $0x1;
	v33 =	vsub.s32 $0x5F3759DF, v33;
	v38 =	vmul.f32 v37, v38  }
0x14e: {  	v36 =	vmul.f32 $5.000000000e-01, v36;
	v32 =	vsub.s32 $0x5F3759DF, v32;
	v42 =	vmul.f32 v33, v0  }
0x14f: {  	v41 =	vsub.s32 $0x5F3759DF, v41;
	v43 =	vmul.f32 v32, v40;
	v38 =	vsub.f32 $1.500000000e+00, v38  }
0x150: {  	v39 =	vsub.s32 $0x5F3759DF, v39;
	v44 =	vmul.f32 v41, v36;
	v42 =	vmul.f32 v33, v42  }
0x151: {  	v45 =	vmov s16;
	s16 =	smov.u32 s20;
	v37 =	vmul.f32 v37, v38;
	v38 =	vmul.f32 v39, v35  }
0x152: {  	s17 =	sadd.s32 $0x1, s17;
	v44 =	vmul.f32 v41, v44;
	v43 =	vmul.f32 v32, v43;
	v42 =	vsub.f32 $1.500000000e+00, v42  }
0x153: {  	s21 =	sadd.s32 $0x1, s21;
	v34 =	vmul.f32 v37, v34;
	v38 =	vmul.f32 v39, v38;
	v46 =	vld [tilespmem:s17+$0x0]  }
0x154: {  	v48 =	vmul.f32 v9, v28;
	v42 =	vmul.f32 v33, v42;
	v33 =	vsub.f32 $1.500000000e+00, v44;
	v47 =	vld [tilespmem:s21+$0x0]  }
0x155: {  	s18 =	sadd.s32 $0x1, s18;
	v43 =	vsub.f32 $1.500000000e+00, v43;
	v34 =	vmul.f32 v34, v37;
	v38 =	vsub.f32 $1.500000000e+00, v38  }
0x156: {  	vm0 =	vlt.u32 v45, v25;
	v0 =	vmul.f32 v42, v0;
	v41 =	vmul.f32 v41, v33;
	v44 =	vld [tilespmem:s18+$0x0]  }
0x157: {  	v33 =	vmul.f32 v32, v43;
	v34 =	vsub.f32 $1.500000000e+00, v34;
	v38 =	vmul.f32 v39, v38  }
0x158: {  	v0 =	vmul.f32 v0, v42;
	v36 =	vmul.f32 v41, v36;
	v32 =	vadd.f32 $9.999999970e-07, v46  }
0x159: {  	v34 =	vmul.f32 v34, v37;
	v37 =	vmul.f32 v38, v35;
	v39 =	vadd.f32 $9.999999970e-07, v47  }
0x15a: {  	v40 =	vmul.f32 v33, v40;
	v0 =	vsub.f32 $1.500000000e+00, v0;
	v36 =	vmul.f32 v36, v41  }
0x15b: {  	v34 =	vmul.f32 v34, v48;
	v37 =	vmul.f32 v37, v38;
	v35 =	vadd.f32 $9.999999970e-07, v44  }
.Ltmp2:
0x15c: {  	s19 =	sadd.s32 $0x1, s19;
	v0 =	vmul.f32 v0, v42;
	v42 =	vmul.f32 v6, v28;
	v36 =	vsub.f32 $1.500000000e+00, v36;
	(pc) =	sbr.rel @!p0 .LBB2_6-.Ltmp2, $4  }
0x15d: {  	v40 =	vmul.f32 v40, v33;
	v34 =	vnsel vm0, $0x0, v34;
	v37 =	vsub.f32 $1.500000000e+00, v37;
	v28 =	vld.msk [tilespmem:s19+$0x0 ss:$0x0], $0xffff  }
0x15e: {  	v0 =	vmul.f32 v0, v42;
	v41 =	vmul.f32 v36, v41;
	v31 =	vadd.f32 v34, v31  }
0x15f: {  	v36 =	vsub.f32 $1.500000000e+00, v40;
	v32 =	vbroadcast v32, $0x0;
	v34 =	vbroadcast v39, $0x0  }
0x160: {  	s20 =	sadd.s32 $0x1, s20;
	v30 =	vmul.f32 v41, v30;
	v37 =	vmul.f32 v37, v38;
	v31 =	vadd.f32 v0, v31  }
0x161: {  	v26 =	vsub.f32 v32, v26;
	v22 =	vsub.f32 v34, v22  }
0x162: {  	v0 =	vbroadcast v35, $0x0;
	v20 =	vsub.f32 v34, v20;
	v17 =	vsub.f32 v34, v17  }
0x163: {  	v33 =	vmul.f32 v36, v33;
	v15 =	vsub.f32 v34, v15;
	v14 =	vsub.f32 v34, v14  }
0x164: {  	v10 =	vsub.f32 v32, v10;
	v29 =	vmul.f32 v37, v29;
	v18 =	vmul.f32 v18, v28  }
0x165: {  	v9 =	vmul.f32 v9, v28;
	v6 =	vmul.f32 v6, v28;
	v23 =	vsub.f32 v0, v23  }
0x166: {  	v21 =	vsub.f32 v0, v21;
	v16 =	vsub.f32 v0, v16;
	v26 =	vmul.f32 v26, v26  }
0x167: {  	v22 =	vmul.f32 v22, v22;
	v12 =	vsub.f32 v0, v12;
	v20 =	vmul.f32 v20, v20  }
0x168: {  	v0 =	vsub.f32 v0, v13;
	v13 =	vmul.f32 v17, v17;
	v14 =	vmul.f32 v14, v14  }
0x169: {  	v24 =	vsub.f32 v32, v24;
	v15 =	vmul.f32 v15, v15;
	v10 =	vmul.f32 v10, v10  }
0x16a: {  	v19 =	vsub.f32 v32, v19;
	v23 =	vmul.f32 v23, v23;
	v12 =	vmul.f32 v12, v12  }
0x16b: {  	v11 =	vsub.f32 v32, v11;
	v21 =	vmul.f32 v21, v21;
	v16 =	vmul.f32 v16, v16  }
0x16c: {  	v0 =	vmul.f32 v0, v0;
	v12 =	vadd.f32 v12, v14;
	v14 =	vadd.f32 v23, v22  }
0x16d: {  	v17 =	vmul.f32 v24, v24;
	v13 =	vadd.f32 v16, v13;
	v16 =	vadd.f32 v21, v20  }
0x16e: {  	v11 =	vmul.f32 v11, v11;
	v0 =	vadd.f32 v0, v15;
	v10 =	vadd.f32 v10, v12  }
0x16f: {  	v12 =	vmul.f32 v19, v19;
	v15 =	vadd.f32 v17, v16;
	v14 =	vadd.f32 v26, v14  }
0x170: {  	v0 =	vadd.f32 v11, v0;
	v16 =	vshra.s32 v10, $0x1;
	v10 =	vmul.f32 $5.000000000e-01, v10  }
0x171: {  	v12 =	vadd.f32 v12, v13;
	v11 =	vshra.s32 v14, $0x1;
	v13 =	vsub.s32 $0x5F3759DF, v16  }
0x172: {  	v19 =	vshra.s32 v0, $0x1;
	v0 =	vmul.f32 $5.000000000e-01, v0;
	v16 =	vmul.f32 v13, v10  }
0x173: {  	v17 =	vshra.s32 v15, $0x1;
	v14 =	vmul.f32 $5.000000000e-01, v14;
	v19 =	vsub.s32 $0x5F3759DF, v19  }
0x174: {  	v11 =	vsub.s32 $0x5F3759DF, v11;
	v21 =	vmul.f32 v19, v0;
	v16 =	vmul.f32 v13, v16  }
0x175: {  	v20 =	vshra.s32 v12, $0x1;
	v12 =	vmul.f32 $5.000000000e-01, v12;
	v22 =	vmul.f32 v11, v14  }
0x176: {  	v20 =	vsub.s32 $0x5F3759DF, v20;
	v21 =	vmul.f32 v19, v21;
	v16 =	vsub.f32 $1.500000000e+00, v16  }
0x177: {  	v15 =	vmul.f32 $5.000000000e-01, v15;
	v17 =	vsub.s32 $0x5F3759DF, v17;
	v23 =	vmul.f32 v20, v12  }
0x178: {  	v22 =	vmul.f32 v11, v22;
	v21 =	vsub.f32 $1.500000000e+00, v21;
	v13 =	vmul.f32 v13, v16  }
0x179: {  	v23 =	vmul.f32 v20, v23;
	v16 =	vmul.f32 v17, v15  }
0x17a: {  	v19 =	vmul.f32 v19, v21;
	v10 =	vmul.f32 v13, v10  }
0x17b: {  	v27 =	vmul.f32 v33, v27;
	v21 =	vsub.f32 $1.500000000e+00, v23;
	v16 =	vmul.f32 v17, v16  }
0x17c: {  	v22 =	vsub.f32 $1.500000000e+00, v22;
	v0 =	vmul.f32 v19, v0;
	v10 =	vmul.f32 v10, v13  }
0x17d: {  	v24 =	vadd.f32 v30, v31;
	v20 =	vmul.f32 v20, v21;
	v16 =	vsub.f32 $1.500000000e+00, v16  }
0x17e: {  	v11 =	vmul.f32 v11, v22;
	v0 =	vmul.f32 v0, v19;
	v10 =	vsub.f32 $1.500000000e+00, v10  }
0x17f: {  	v23 =	vadd.f32 v29, v24;
	v12 =	vmul.f32 v20, v12;
	v16 =	vmul.f32 v17, v16  }
0x180: {  	v14 =	vmul.f32 v11, v14;
	v0 =	vsub.f32 $1.500000000e+00, v0;
	v10 =	vmul.f32 v10, v13  }
0x181: {  	v21 =	vmov s16;
	v12 =	vmul.f32 v12, v20;
	v13 =	vmul.f32 v16, v15  }
0x182: {  	vm0 =	vlt.u32 v21, v25;
	v0 =	vmul.f32 v0, v19;
	v9 =	vmul.f32 v10, v9  }
0x183: {  	v17 =	vadd.f32 v27, v23;
	v12 =	vsub.f32 $1.500000000e+00, v12;
	v10 =	vmul.f32 v13, v16  }
0x184: {  	s17 =	simm.s32 $0xC0;
	v13 =	vmul.f32 v14, v11;
	v0 =	vmul.f32 v0, v6;
	v9 =	vnsel vm0, $0x0, v9  }
0x185: {  	s18 =	simm.s32 $0x240;
	v22 =	vld [tilespmem:s17+$0x0];
	v6 =	vmul.f32 v12, v20;
	v10 =	vsub.f32 $1.500000000e+00, v10;
	v9 =	vadd.f32 v9, v17  }
0x186: {  	v7 =	vmul.f32 v7, v28;
	v24 =	vld [tilespmem:s18+$0x0];
	v12 =	vsub.f32 $1.500000000e+00, v13  }
0x187: {  	v21 =	vld [tilespmem:$0x3E0];
	v6 =	vmul.f32 v6, v18;
	v0 =	vadd.f32 v0, v9;
	v9 =	vmul.f32 v10, v16  }
0x188: {  	v8 =	vmul.f32 v8, v28;
	v23 =	vld [tilespmem:$0x3F0]  }
0x189: {  	v15 =	vld [tilespmem:$0xC0];
	v0 =	vadd.f32 v6, v0;
	v6 =	vmul.f32 v9, v7;
	v7 =	vmul.f32 v12, v11  }
0x18a: {  	v19 =	vld [tilespmem:$0x270]  }
0x18b: {  	v14 =	vld [tilespmem:$0xD0];
	v0 =	vadd.f32 v6, v0;
	v6 =	vmul.f32 v7, v8  }
0x18c: {  	s19 =	simm.s32 $0x3C0;
	v20 =	vld [tilespmem:$0xF0]  }
0x18d: {  	v10 =	vadd.f32 v6, v0;
	v0 =	vld [tilespmem:s19+$0x0]  }
0x18e: {  	v24 =	vadd.f32 $9.999999970e-07, v24;
	v17 =	vld [tilespmem:$0xE0]  }
0x18f: {  	v22 =	vadd.f32 $9.999999970e-07, v22;
	v16 =	vld [tilespmem:$0x240]  }
0x190: {  	v25 =	vbroadcast v24, $0x0;
	v12 =	vld [tilespmem:$0x250]  }
0x191: {  	v22 =	vbroadcast v22, $0x0;
	v13 =	vld [tilespmem:$0x3C0]  }
0x192: {  	v18 =	vld [tilespmem:$0x3D0];
	v29 =	vsub.f32 v25, v19;
	v0 =	vadd.f32 $9.999999970e-07, v0  }
0x193: {  	v30 =	vsub.f32 v22, v15;
	v27 =	vsub.f32 v22, v20;
	v11 =	vld [tilespmem:$0x260]  }
0x194: {  	v50 =	vsub.f32 v22, v17;
	v31 =	vsub.f32 v25, v16;
	v0 =	vbroadcast v0, $0x0  }
0x195: {  	v30 =	vmul.f32 v30, v30;
	v22 =	vsub.f32 v22, v14;
	v52 =	vsub.f32 v25, v12  }
0x196: {  	v31 =	vmul.f32 v31, v31;
	v24 =	vsub.f32 v0, v23;
	v26 =	vsub.f32 v0, v21  }
0x197: {  	v22 =	vmul.f32 v22, v22;
	v28 =	vsub.f32 v0, v18;
	v0 =	vsub.f32 v0, v13  }
0x198: {  	v25 =	vsub.f32 v25, v11;
	v30 =	vadd.f32 v31, v30;
	v31 =	vmul.f32 v52, v52  }
0x199: {  	v29 =	vmul.f32 v29, v29;
	v0 =	vmul.f32 v0, v0  }
0x19a: {  	v27 =	vmul.f32 v27, v27;
	v25 =	vmul.f32 v25, v25;
	v22 =	vadd.f32 v31, v22  }
0x19b: {  	s16 =	simm.s32 $0x540;
	v6 =	vld [tilespmem:$0x560];
	v26 =	vmul.f32 v26, v26;
	v28 =	vmul.f32 v28, v28;
	v0 =	vadd.f32 v0, v30  }
0x19c: {  	v27 =	vadd.f32 v29, v27;
	v53 =	vmul.f32 v24, v24;
	v24 =	vld.msk [tilespmem:s16+$0x0 ss:$0x0], $0xffff;
	v30 =	vmul.f32 v50, v50  }
0x19d: {  	v22 =	vadd.f32 v28, v22;
	v31 =	vshra.s32 v0, $0x1;
	v0 =	vmul.f32 $5.000000000e-01, v0  }
0x19e: {  	v27 =	vadd.f32 v53, v27;
	v28 =	vadd.f32 v25, v30;
	v29 =	vsub.s32 $0x5F3759DF, v31  }
0x19f: {  	v51 =	vmov s17;
	s17 =	simm.s32 $0xC1;
	v54 =	vshra.s32 v22, $0x1;
	v30 =	vmul.f32 v29, v0  }
0x1a0: {  	v56 =	vld [tilespmem:s17+$0x0];
	v55 =	vmul.f32 $5.000000000e-01, v22;
	v38 =	vmul.f32 $5.000000000e-01, v27;
	v22 =	vadd.f32 v26, v28  }
0x1a1: {  	s18 =	simm.s32 $0x3C1;
	v8 =	vld [tilespmem:$0x550];
	v25 =	vmul.f32 v6, v24;
	v26 =	vmul.f32 v29, v30;
	v30 =	vsub.s32 $0x5F3759DF, v54  }
0x1a2: {  	v31 =	vld [tilespmem:s18+$0x0];
	v58 =	vshra.s32 v22, $0x1;
	v59 =	vmul.f32 $5.000000000e-01, v22;
	v57 =	vmul.f32 v30, v55  }
0x1a3: {  	v9 =	vld [tilespmem:$0x540];
	v28 =	vshra.s32 v27, $0x1;
	v22 =	vsub.f32 $1.500000000e+00, v26;
	v26 =	vsub.s32 $0x5F3759DF, v58  }
0x1a4: {  	s19 =	simm.s32 $0x241;
	v61 =	vsub.s32 $0x5F3759DF, v28;
	v27 =	vmul.f32 v30, v57;
	v60 =	vmul.f32 v26, v59  }
0x1a5: {  	v62 =	vadd.f32 $9.999999970e-07, v56;
	v41 =	vld [tilespmem:s19+$0x0];
	v40 =	vmul.f32 v29, v22;
	v22 =	vmul.f32 v61, v38  }
0x1a6: {  	v28 =	vmul.f32 v8, v24;
	v27 =	vsub.f32 $1.500000000e+00, v27;
	v29 =	vmul.f32 v26, v60  }
0x1a7: {  	v39 =	vadd.f32 $9.999999970e-07, v31;
	v0 =	vmul.f32 v40, v0;
	v22 =	vmul.f32 v61, v22  }
0x1a8: {  	v31 =	vmul.f32 v9, v24;
	v32 =	vmul.f32 v30, v27;
	v29 =	vsub.f32 $1.500000000e+00, v29  }
0x1a9: {  	v27 =	vbroadcast v39, $0x0;
	v0 =	vmul.f32 v0, v40;
	v63 =	vsub.f32 $1.500000000e+00, v22  }
0x1aa: {  	v34 =	vadd.f32 $9.999999970e-07, v41;
	v33 =	vmul.f32 v32, v55;
	v30 =	vmul.f32 v26, v29  }
0x1ab: {  	v29 =	vbroadcast v62, $0x0;
	v0 =	vsub.f32 $1.500000000e+00, v0;
	v26 =	vmul.f32 v61, v63  }
0x1ac: {  	v22 =	vor.u32 $0xC0, v2;
	v35 =	vmul.f32 v33, v32;
	v36 =	vmul.f32 v30, v59  }
0x1ad: {  	s20 =	simm.s32 $0xC2;
	s21 =	simm.s32 $0xC1;
	v7 =	vld [tilespmem:$0x570];
	vm0 =	vlt.u32 v51, v22;
	v33 =	vmul.f32 v0, v40;
	v37 =	vmul.f32 v26, v38  }
.LBB2_8:
0x1ae: {  	p0 =	seq.s32 s20, $0xCF;
	v0 =	vbroadcast v34, $0x0;
	v34 =	vsub.f32 $1.500000000e+00, v35;
	v35 =	vmul.f32 v36, v30  }
0x1af: {  	v36 =	vsub.f32 v27, v23;
	v31 =	vmul.f32 v33, v31;
	v33 =	vmul.f32 v37, v26  }
0x1b0: {  	v37 =	vsub.f32 v27, v21;
	v32 =	vmul.f32 v34, v32;
	v34 =	vsub.f32 $1.500000000e+00, v35  }
0x1b1: {  	v35 =	vsub.f32 v29, v20;
	v31 =	vnsel vm0, $0x0, v31;
	v33 =	vsub.f32 $1.500000000e+00, v33  }
0x1b2: {  	v10 =	vadd.f32 v31, v10;
	v28 =	vmul.f32 v32, v28;
	v30 =	vmul.f32 v34, v30  }
0x1b3: {  	v24 =	vmul.f32 v7, v24;
	v31 =	vsub.f32 v27, v18;
	v32 =	vsub.f32 v0, v19  }
0x1b4: {  	v26 =	vmul.f32 v33, v26;
	v10 =	vadd.f32 v28, v10;
	v25 =	vmul.f32 v30, v25  }
0x1b5: {  	v28 =	vsub.f32 v29, v15;
	v30 =	vsub.f32 v29, v17  }
0x1b6: {  	v33 =	vsub.f32 v0, v16;
	v24 =	vmul.f32 v26, v24;
	v10 =	vadd.f32 v25, v10  }
0x1b7: {  	v38 =	vmov s17;
	s17 =	smov.u32 s20;
	v26 =	vsub.f32 v29, v14;
	v25 =	vsub.f32 v27, v13  }
0x1b8: {  	v27 =	vmul.f32 v28, v28;
	v28 =	vmul.f32 v33, v33;
	v10 =	vadd.f32 v24, v10  }
0x1b9: {  	s16 =	sadd.s32 $0x1, s16;
	v34 =	vmul.f32 v36, v36;
	v29 =	vsub.f32 v0, v12;
	v33 =	vmul.f32 v37, v37  }
0x1ba: {  	v27 =	vadd.f32 v28, v27;
	v25 =	vmul.f32 v25, v25;
	v28 =	vmul.f32 v35, v35;
	v24 =	vld.msk [tilespmem:s16+$0x0 ss:$0x0], $0xffff  }
0x1bb: {  	v0 =	vsub.f32 v0, v11;
	v26 =	vmul.f32 v26, v26;
	v29 =	vmul.f32 v29, v29  }
0x1bc: {  	v25 =	vadd.f32 v25, v27;
	v27 =	vmul.f32 v31, v31;
	v31 =	vmul.f32 v32, v32  }
0x1bd: {  	v0 =	vmul.f32 v0, v0;
	v26 =	vadd.f32 v29, v26;
	v29 =	vmul.f32 v30, v30  }
0x1be: {  	v30 =	vshra.s32 v25, $0x1;
	v32 =	vmul.f32 $5.000000000e-01, v25;
	v28 =	vadd.f32 v31, v28  }
0x1bf: {  	v0 =	vadd.f32 v0, v29;
	v26 =	vadd.f32 v27, v26;
	v30 =	vsub.s32 $0x5F3759DF, v30  }
0x1c0: {  	s18 =	sadd.s32 $0x1, s18;
	v27 =	vmul.f32 v30, v32;
	v28 =	vadd.f32 v34, v28;
	v25 =	vmul.f32 v6, v24  }
0x1c1: {  	v0 =	vadd.f32 v33, v0;
	v31 =	vshra.s32 v26, $0x1;
	v26 =	vmul.f32 $5.000000000e-01, v26;
	v29 =	vld [tilespmem:s18+$0x0]  }
0x1c2: {  	s21 =	sadd.s32 $0x1, s21;
	v33 =	vsub.s32 $0x5F3759DF, v31;
	v27 =	vmul.f32 v30, v27;
	v31 =	vshra.s32 v28, $0x1  }
0x1c3: {  	v36 =	vshra.s32 v0, $0x1;
	v0 =	vmul.f32 $5.000000000e-01, v0;
	v35 =	vmul.f32 v33, v26;
	v34 =	vld [tilespmem:s21+$0x0]  }
0x1c4: {  	v36 =	vsub.s32 $0x5F3759DF, v36;
	v37 =	vmul.f32 $5.000000000e-01, v28;
	v27 =	vsub.f32 $1.500000000e+00, v27  }
0x1c5: {  	v39 =	vsub.s32 $0x5F3759DF, v31;
	v28 =	vmul.f32 v33, v35;
	v35 =	vmul.f32 v36, v0  }
0x1c6: {  	v40 =	vmul.f32 v30, v27;
	v27 =	vmul.f32 v39, v37;
	v29 =	vadd.f32 $9.999999970e-07, v29  }
0x1c7: {  	s19 =	sadd.s32 $0x1, s19;
	v30 =	vsub.f32 $1.500000000e+00, v28;
	v28 =	vmul.f32 v8, v24;
	v35 =	vmul.f32 v36, v35  }
0x1c8: {  	v42 =	vmul.f32 v40, v32;
	v43 =	vmul.f32 v39, v27;
	v34 =	vadd.f32 $9.999999970e-07, v34;
	v41 =	vld [tilespmem:s19+$0x0]  }
0x1c9: {  	v31 =	vmul.f32 v9, v24;
	v32 =	vmul.f32 v33, v30;
	v30 =	vsub.f32 $1.500000000e+00, v35  }
.Ltmp3:
0x1ca: {  	v27 =	vbroadcast v29, $0x0;
	v33 =	vmul.f32 v42, v40;
	v35 =	vsub.f32 $1.500000000e+00, v43;
	(pc) =	sbr.rel @!p0 .LBB2_8-.Ltmp3, $4  }
0x1cb: {  	v42 =	vmul.f32 v32, v26;
	v30 =	vmul.f32 v36, v30  }
0x1cc: {  	v29 =	vbroadcast v34, $0x0;
	v33 =	vsub.f32 $1.500000000e+00, v33;
	v26 =	vmul.f32 v39, v35  }
0x1cd: {  	v35 =	vmul.f32 v42, v32;
	v36 =	vmul.f32 v30, v0;
	v34 =	vadd.f32 $9.999999970e-07, v41  }
0x1ce: {  	s20 =	sadd.s32 $0x1, s20;
	vm0 =	vlt.u32 v38, v22;
	v33 =	vmul.f32 v33, v40;
	v37 =	vmul.f32 v26, v37  }
0x1cf: {  	v35 =	vsub.f32 $1.500000000e+00, v35;
	v23 =	vsub.f32 v27, v23  }
0x1d0: {  	v21 =	vsub.f32 v27, v21;
	v20 =	vsub.f32 v29, v20  }
0x1d1: {  	v0 =	vmul.f32 v36, v30;
	v18 =	vsub.f32 v27, v18;
	v15 =	vsub.f32 v29, v15  }
0x1d2: {  	v34 =	vbroadcast v34, $0x0;
	v17 =	vsub.f32 v29, v17;
	v13 =	vsub.f32 v27, v13  }
0x1d3: {  	v14 =	vsub.f32 v29, v14;
	v61 =	vmul.f32 v37, v26;
	v31 =	vmul.f32 v33, v31  }
0x1d4: {  	v0 =	vsub.f32 $1.500000000e+00, v0;
	v32 =	vmul.f32 v35, v32;
	v19 =	vsub.f32 v34, v19  }
0x1d5: {  	v16 =	vsub.f32 v34, v16;
	v15 =	vmul.f32 v15, v15;
	v21 =	vmul.f32 v21, v21  }
0x1d6: {  	v12 =	vsub.f32 v34, v12;
	v23 =	vmul.f32 v23, v23;
	v13 =	vmul.f32 v13, v13  }
0x1d7: {  	v14 =	vmul.f32 v14, v14;
	v11 =	vsub.f32 v34, v11;
	v16 =	vmul.f32 v16, v16  }
0x1d8: {  	v62 =	vsub.f32 $1.500000000e+00, v61;
	v28 =	vmul.f32 v32, v28;
	v12 =	vmul.f32 v12, v12  }
0x1d9: {  	s16 =	sadd.s32 $0x1, s16;
	v0 =	vmul.f32 v0, v30;
	v11 =	vmul.f32 v11, v11;
	v15 =	vadd.f32 v16, v15  }
0x1da: {  	v27 =	vld.msk [tilespmem:s16+$0x0 ss:$0x0], $0xffff;
	v26 =	vmul.f32 v62, v26;
	v16 =	vmul.f32 v20, v20;
	v12 =	vadd.f32 v12, v14  }
0x1db: {  	v14 =	vmul.f32 v17, v17;
	v0 =	vmul.f32 v0, v25;
	v13 =	vadd.f32 v13, v15  }
0x1dc: {  	v15 =	vmul.f32 v18, v18;
	v18 =	vmul.f32 v19, v19  }
0x1dd: {  	v11 =	vadd.f32 v11, v14;
	v17 =	vshra.s32 v13, $0x1;
	v13 =	vmul.f32 $5.000000000e-01, v13  }
0x1de: {  	v16 =	vadd.f32 v18, v16;
	v12 =	vadd.f32 v15, v12;
	v17 =	vsub.s32 $0x5F3759DF, v17  }
0x1df: {  	v9 =	vmul.f32 v9, v27;
	v11 =	vadd.f32 v21, v11;
	v15 =	vmul.f32 v17, v13  }
0x1e0: {  	v16 =	vadd.f32 v23, v16;
	v18 =	vshra.s32 v12, $0x1;
	v12 =	vmul.f32 $5.000000000e-01, v12  }
0x1e1: {  	v21 =	vshra.s32 v11, $0x1;
	v18 =	vsub.s32 $0x5F3759DF, v18;
	v15 =	vmul.f32 v17, v15  }
0x1e2: {  	v11 =	vmul.f32 $5.000000000e-01, v11;
	v21 =	vsub.s32 $0x5F3759DF, v21;
	v20 =	vmul.f32 v18, v12  }
0x1e3: {  	v19 =	vshra.s32 v16, $0x1;
	v16 =	vmul.f32 $5.000000000e-01, v16;
	v15 =	vsub.f32 $1.500000000e+00, v15  }
0x1e4: {  	v23 =	vmul.f32 v21, v11;
	v19 =	vsub.s32 $0x5F3759DF, v19;
	v20 =	vmul.f32 v18, v20  }
0x1e5: {  	v15 =	vmul.f32 v17, v15;
	v17 =	vmul.f32 v19, v16  }
0x1e6: {  	v14 =	vmul.f32 v7, v24;
	v23 =	vmul.f32 v21, v23;
	v20 =	vsub.f32 $1.500000000e+00, v20  }
0x1e7: {  	v24 =	vnsel vm0, $0x0, v31;
	v13 =	vmul.f32 v15, v13;
	v17 =	vmul.f32 v19, v17  }
0x1e8: {  	v10 =	vadd.f32 v24, v10;
	v18 =	vmul.f32 v18, v20;
	v20 =	vsub.f32 $1.500000000e+00, v23  }
0x1e9: {  	v8 =	vmul.f32 v8, v27;
	v13 =	vmul.f32 v13, v15;
	v17 =	vsub.f32 $1.500000000e+00, v17  }
0x1ea: {  	v10 =	vadd.f32 v28, v10;
	v12 =	vmul.f32 v18, v12;
	v20 =	vmul.f32 v21, v20  }
0x1eb: {  	v14 =	vmul.f32 v26, v14;
	v13 =	vsub.f32 $1.500000000e+00, v13;
	v17 =	vmul.f32 v19, v17  }
0x1ec: {  	v0 =	vadd.f32 v0, v10;
	v10 =	vmul.f32 v12, v18;
	v11 =	vmul.f32 v20, v11  }
0x1ed: {  	v13 =	vmul.f32 v13, v15;
	v15 =	vmul.f32 v17, v16  }
0x1ee: {  	v0 =	vadd.f32 v14, v0;
	v10 =	vsub.f32 $1.500000000e+00, v10;
	v11 =	vmul.f32 v11, v20  }
0x1ef: {  	v12 =	vmov s17;
	v9 =	vmul.f32 v13, v9;
	v13 =	vmul.f32 v15, v17  }
0x1f0: {  	vm0 =	vlt.u32 v12, v22;
	v10 =	vmul.f32 v10, v18;
	v11 =	vsub.f32 $1.500000000e+00, v11  }
0x1f1: {  	v6 =	vmul.f32 v6, v27;
	v9 =	vnsel vm0, $0x0, v9;
	v12 =	vsub.f32 $1.500000000e+00, v13  }
0x1f2: {  	v8 =	vmul.f32 v10, v8;
	v0 =	vadd.f32 v9, v0;
	v9 =	vmul.f32 v11, v20  }
0x1f3: {  	v7 =	vmul.f32 v7, v27  }
0x1f4: {  	v0 =	vadd.f32 v8, v0;
	v6 =	vmul.f32 v9, v6;
	v8 =	vmul.f32 v12, v17;
	_ =	sdelay $0x1  }
0x1f5: {  	s19 =	simm.s32 $0x250;
	v0 =	vadd.f32 v6, v0;
	v6 =	vmul.f32 v8, v7  }
0x1f6: {  	s31 =	simm.s32 $0xD0;
	v17 =	vld [tilespmem:s19+$0x0]  }
0x1f7: {  	s18 =	simm.s32 $0x3D0;
	v15 =	vadd.f32 v6, v0;
	v0 =	vld [tilespmem:s31+$0x0]  }
0x1f8: {  	v20 =	vld [tilespmem:s18+$0x0]  }
0x1f9: {  	v19 =	vld [tilespmem:$0x250]  }
0x1fa: {  	v16 =	vld [tilespmem:$0x3D0]  }
0x1fb: {  	v18 =	vld [tilespmem:$0xD0]  }
0x1fc: {  	v11 =	vld [tilespmem:$0x3E0];
	v17 =	vadd.f32 $9.999999970e-07, v17;
	v0 =	vadd.f32 $9.999999970e-07, v0  }
0x1fd: {  	v13 =	vld [tilespmem:$0xE0];
	v20 =	vadd.f32 $9.999999970e-07, v20  }
0x1fe: {  	v12 =	vld [tilespmem:$0x260];
	v17 =	vbroadcast v17, $0x0;
	v0 =	vbroadcast v0, $0x0  }
0x1ff: {  	v8 =	vld [tilespmem:$0x270];
	v20 =	vbroadcast v20, $0x0  }
0x200: {  	v9 =	vld [tilespmem:$0xF0];
	v22 =	vsub.f32 v17, v19;
	v21 =	vsub.f32 v0, v18  }
0x201: {  	v7 =	vld [tilespmem:$0x3F0];
	v23 =	vsub.f32 v20, v11  }
0x202: {  	v24 =	vsub.f32 v20, v16;
	v22 =	vmul.f32 v22, v22;
	v21 =	vmul.f32 v21, v21  }
0x203: {  	v26 =	vsub.f32 v17, v12;
	v25 =	vsub.f32 v0, v13  }
0x204: {  	v17 =	vsub.f32 v17, v8;
	v21 =	vadd.f32 v22, v21;
	v22 =	vmul.f32 v24, v24  }
0x205: {  	v0 =	vsub.f32 v0, v9;
	v24 =	vmul.f32 v25, v25;
	v25 =	vmul.f32 v26, v26  }
0x206: {  	s18 =	simm.s32 $0x3D1;
	v20 =	vsub.f32 v20, v7;
	v17 =	vmul.f32 v17, v17;
	v21 =	vadd.f32 v22, v21  }
0x207: {  	v29 =	vld [tilespmem:s18+$0x0];
	v0 =	vmul.f32 v0, v0;
	v22 =	vmul.f32 v23, v23;
	v24 =	vadd.f32 v25, v24  }
0x208: {  	v20 =	vmul.f32 v20, v20;
	v25 =	vshra.s32 v21, $0x1;
	v23 =	vmul.f32 $5.000000000e-01, v21  }
0x209: {  	v14 =	vld [tilespmem:$0x550];
	v0 =	vadd.f32 v17, v0;
	v22 =	vadd.f32 v22, v24;
	v26 =	vsub.s32 $0x5F3759DF, v25  }
0x20a: {  	s16 =	simm.s32 $0x550;
	v6 =	vld [tilespmem:$0x570];
	v17 =	vmul.f32 v26, v23  }
0x20b: {  	v0 =	vadd.f32 v20, v0;
	v21 =	vld.msk [tilespmem:s16+$0x0 ss:$0x0], $0xffff;
	v25 =	vshra.s32 v22, $0x1;
	v24 =	vmul.f32 $5.000000000e-01, v22  }
0x20c: {  	s17 =	simm.s32 $0xD1;
	v10 =	vld [tilespmem:$0x560];
	v31 =	vadd.f32 $9.999999970e-07, v29;
	v27 =	vsub.s32 $0x5F3759DF, v25;
	v17 =	vmul.f32 v26, v17  }
0x20d: {  	v30 =	vld [tilespmem:s17+$0x0];
	v28 =	vshra.s32 v0, $0x1;
	v25 =	vmul.f32 $5.000000000e-01, v0;
	v22 =	vmul.f32 v27, v24  }
0x20e: {  	s19 =	simm.s32 $0x251;
	v20 =	vmov s31;
	v28 =	vsub.s32 $0x5F3759DF, v28;
	v0 =	vsub.f32 $1.500000000e+00, v17  }
0x20f: {  	v29 =	vld [tilespmem:s19+$0x0];
	v63 =	vmul.f32 v28, v25;
	v17 =	vor.u32 $0xD0, v2;
	v22 =	vmul.f32 v27, v22  }
0x210: {  	vm0 =	vlt.u32 v20, v17;
	v20 =	vmul.f32 v6, v21;
	v26 =	vmul.f32 v26, v0  }
0x211: {  	s20 =	simm.s32 $0xD2;
	s21 =	simm.s32 $0xD1;
	v33 =	vmul.f32 v28, v63;
	v32 =	vsub.f32 $1.500000000e+00, v22;
	v22 =	vmul.f32 v10, v21  }
.LBB2_10:
0x212: {  	p0 =	sne.s32 s20, $0xDF;
	v0 =	vadd.f32 $9.999999970e-07, v30;
	v23 =	vmul.f32 v26, v23;
	v21 =	vmul.f32 v14, v21  }
0x213: {  	v30 =	vbroadcast v31, $0x0;
	v27 =	vmul.f32 v27, v32;
	v31 =	vsub.f32 $1.500000000e+00, v33  }
0x214: {  	v0 =	vbroadcast v0, $0x0;
	v29 =	vadd.f32 $9.999999970e-07, v29;
	v23 =	vmul.f32 v23, v26  }
0x215: {  	v32 =	vsub.f32 v30, v7;
	v24 =	vmul.f32 v27, v24;
	v28 =	vmul.f32 v28, v31  }
0x216: {  	v31 =	vsub.f32 v30, v11;
	v29 =	vbroadcast v29, $0x0;
	v23 =	vsub.f32 $1.500000000e+00, v23  }
0x217: {  	v33 =	vsub.f32 v0, v9;
	v24 =	vmul.f32 v24, v27;
	v25 =	vmul.f32 v28, v25  }
0x218: {  	v34 =	vsub.f32 v0, v13;
	v35 =	vsub.f32 v29, v8;
	v23 =	vmul.f32 v23, v26  }
0x219: {  	v26 =	vsub.f32 v29, v12;
	v24 =	vsub.f32 $1.500000000e+00, v24;
	v25 =	vmul.f32 v25, v28  }
0x21a: {  	v0 =	vsub.f32 v0, v18;
	v29 =	vsub.f32 v29, v19;
	v21 =	vmul.f32 v23, v21  }
0x21b: {  	v23 =	vsub.f32 v30, v16;
	v24 =	vmul.f32 v24, v27;
	v25 =	vsub.f32 $1.500000000e+00, v25  }
0x21c: {  	v0 =	vmul.f32 v0, v0;
	v27 =	vmul.f32 v29, v29;
	v21 =	vnsel vm0, $0x0, v21  }
0x21d: {  	v15 =	vadd.f32 v21, v15;
	v21 =	vmul.f32 v24, v22;
	v22 =	vmul.f32 v25, v28  }
0x21e: {  	v23 =	vmul.f32 v23, v23;
	v0 =	vadd.f32 v27, v0;
	v24 =	vmul.f32 v34, v34  }
0x21f: {  	v25 =	vmul.f32 v26, v26;
	v15 =	vadd.f32 v21, v15;
	v20 =	vmul.f32 v22, v20  }
0x220: {  	v0 =	vadd.f32 v23, v0;
	v21 =	vmul.f32 v31, v31;
	v22 =	vmul.f32 v33, v33  }
0x221: {  	v24 =	vadd.f32 v25, v24;
	v25 =	vmul.f32 v35, v35;
	v15 =	vadd.f32 v20, v15  }
0x222: {  	v20 =	vshra.s32 v0, $0x1;
	v23 =	vmul.f32 $5.000000000e-01, v0;
	v0 =	vmul.f32 v32, v32  }
0x223: {  	s16 =	sadd.s32 $0x1, s16;
	v24 =	vadd.f32 v21, v24;
	v22 =	vadd.f32 v25, v22;
	v20 =	vsub.s32 $0x5F3759DF, v20  }
0x224: {  	s18 =	sadd.s32 $0x1, s18;
	v25 =	vmul.f32 v20, v23;
	v21 =	vld.msk [tilespmem:s16+$0x0 ss:$0x0], $0xffff  }
0x225: {  	v27 =	vshra.s32 v24, $0x1;
	v24 =	vmul.f32 $5.000000000e-01, v24;
	v0 =	vadd.f32 v0, v22;
	v26 =	vld [tilespmem:s18+$0x0]  }
0x226: {  	s21 =	sadd.s32 $0x1, s21;
	v22 =	vmov s17;
	s17 =	smov.u32 s20;
	v27 =	vsub.s32 $0x5F3759DF, v27;
	v28 =	vmul.f32 v20, v25  }
.Ltmp4:
0x227: {  	v31 =	vmul.f32 v27, v24;
	v29 =	vshra.s32 v0, $0x1;
	v25 =	vmul.f32 $5.000000000e-01, v0;
	v30 =	vld [tilespmem:s21+$0x0];
	(pc) =	sbr.rel @p0 .LBB2_10-.Ltmp4, $4  }
0x228: {  	s19 =	sadd.s32 $0x1, s19;
	v0 =	vsub.f32 $1.500000000e+00, v28;
	v28 =	vsub.s32 $0x5F3759DF, v29  }
0x229: {  	vm0 =	vlt.u32 v22, v17;
	v22 =	vmul.f32 v27, v31;
	v33 =	vmul.f32 v28, v25;
	v29 =	vld [tilespmem:s19+$0x0]  }
0x22a: {  	v31 =	vadd.f32 $9.999999970e-07, v26;
	v26 =	vmul.f32 v20, v0;
	v20 =	vmul.f32 v6, v21  }
0x22b: {  	s20 =	sadd.s32 $0x1, s20;
	v32 =	vsub.f32 $1.500000000e+00, v22;
	v22 =	vmul.f32 v10, v21;
	v33 =	vmul.f32 v28, v33  }
0x22c: {  	v0 =	vadd.f32 $9.999999970e-07, v30;
	v23 =	vmul.f32 v26, v23  }
0x22d: {  	v62 =	vbroadcast v31, $0x0;
	v21 =	vmul.f32 v14, v21  }
0x22e: {  	v27 =	vmul.f32 v27, v32;
	v63 =	vsub.f32 $1.500000000e+00, v33;
	v0 =	vbroadcast v0, $0x0  }
0x22f: {  	v29 =	vadd.f32 $9.999999970e-07, v29;
	v23 =	vmul.f32 v23, v26;
	v36 =	vsub.f32 v62, v7  }
0x230: {  	v16 =	vsub.f32 v62, v16;
	v24 =	vmul.f32 v27, v24;
	v28 =	vmul.f32 v28, v63  }
0x231: {  	v29 =	vbroadcast v29, $0x0;
	v23 =	vsub.f32 $1.500000000e+00, v23;
	v38 =	vsub.f32 v0, v9  }
0x232: {  	v34 =	vsub.f32 v0, v13;
	v0 =	vsub.f32 v0, v18;
	v16 =	vmul.f32 v16, v16  }
0x233: {  	v44 =	vmul.f32 v36, v36;
	v24 =	vmul.f32 v24, v27;
	v18 =	vsub.f32 v29, v19  }
0x234: {  	v37 =	vsub.f32 v62, v11;
	v25 =	vmul.f32 v28, v25;
	v19 =	vmul.f32 v23, v26  }
0x235: {  	v0 =	vmul.f32 v0, v0;
	v23 =	vsub.f32 $1.500000000e+00, v24;
	v18 =	vmul.f32 v18, v18  }
0x236: {  	v35 =	vsub.f32 v29, v8;
	v40 =	vsub.f32 v29, v12;
	v19 =	vmul.f32 v19, v21  }
0x237: {  	v39 =	vmul.f32 v25, v28;
	v21 =	vmul.f32 v23, v27;
	v0 =	vadd.f32 v18, v0  }
0x238: {  	v41 =	vmul.f32 v40, v40;
	v18 =	vnsel vm0, $0x0, v19;
	v19 =	vmul.f32 v34, v34  }
0x239: {  	v42 =	vmul.f32 v35, v35;
	v21 =	vmul.f32 v21, v22;
	v0 =	vadd.f32 v16, v0  }
0x23a: {  	v22 =	vmul.f32 v38, v38;
	v16 =	vmul.f32 v37, v37;
	v19 =	vadd.f32 v41, v19  }
0x23b: {  	v23 =	vsub.f32 $1.500000000e+00, v39;
	v43 =	vshra.s32 v0, $0x1;
	v0 =	vmul.f32 $5.000000000e-01, v0  }
0x23c: {  	v16 =	vadd.f32 v16, v19;
	v19 =	vadd.f32 v42, v22;
	v25 =	vsub.s32 $0x5F3759DF, v43  }
0x23d: {  	v15 =	vadd.f32 v18, v15;
	v18 =	vmul.f32 v23, v28;
	v22 =	vmul.f32 v25, v0  }
0x23e: {  	s16 =	sadd.s32 $0x1, s16;
	v23 =	vshra.s32 v16, $0x1;
	v16 =	vmul.f32 $5.000000000e-01, v16;
	v19 =	vadd.f32 v44, v19  }
0x23f: {  	s28 =	simm.s32 $0x260;
	v15 =	vadd.f32 v21, v15;
	v21 =	vld.msk [tilespmem:s16+$0x0 ss:$0x0], $0xffff;
	v23 =	vsub.s32 $0x5F3759DF, v23;
	v22 =	vmul.f32 v25, v22  }
0x240: {  	v48 =	vld [tilespmem:s28+$0x0];
	v45 =	vmul.f32 v23, v16;
	v26 =	vshra.s32 v19, $0x1;
	v19 =	vmul.f32 $5.000000000e-01, v19  }
0x241: {  	s18 =	simm.s32 $0xE0;
	v18 =	vmul.f32 v18, v20;
	v20 =	vsub.f32 $1.500000000e+00, v22;
	v22 =	vsub.s32 $0x5F3759DF, v26  }
0x242: {  	v46 =	vld [tilespmem:s18+$0x0];
	v24 =	vmul.f32 v23, v45;
	v47 =	vmul.f32 v22, v19  }
0x243: {  	s29 =	simm.s32 $0x3E0;
	v51 =	vmov s17;
	v15 =	vadd.f32 v18, v15;
	v18 =	vmul.f32 v25, v20  }
0x244: {  	v50 =	vld [tilespmem:s29+$0x0];
	v52 =	vmul.f32 v10, v21;
	v24 =	vsub.f32 $1.500000000e+00, v24;
	v49 =	vmul.f32 v22, v47  }
0x245: {  	v54 =	vadd.f32 $9.999999970e-07, v48;
	v14 =	vmul.f32 v14, v21;
	v0 =	vmul.f32 v18, v0  }
0x246: {  	v20 =	vmul.f32 v6, v21;
	v21 =	vmul.f32 v23, v24;
	v23 =	vsub.f32 $1.500000000e+00, v49  }
0x247: {  	v53 =	vadd.f32 $9.999999970e-07, v46;
	v55 =	vbroadcast v54, $0x0;
	v0 =	vmul.f32 v0, v18  }
0x248: {  	vm0 =	vlt.u32 v51, v17;
	v16 =	vmul.f32 v21, v16;
	v17 =	vmul.f32 v22, v23  }
0x249: {  	v57 =	vsub.f32 v55, v12;
	v22 =	vbroadcast v53, $0x0;
	v23 =	vadd.f32 $9.999999970e-07, v50  }
0x24a: {  	v0 =	vsub.f32 $1.500000000e+00, v0;
	v16 =	vmul.f32 v16, v21;
	v19 =	vmul.f32 v17, v19  }
0x24b: {  	v26 =	vmul.f32 v57, v57;
	v23 =	vbroadcast v23, $0x0;
	v56 =	vsub.f32 v22, v13  }
0x24c: {  	v0 =	vmul.f32 v0, v18;
	v16 =	vsub.f32 $1.500000000e+00, v16;
	v18 =	vmul.f32 v19, v17  }
0x24d: {  	v19 =	vmul.f32 v56, v56;
	v58 =	vsub.f32 v23, v11;
	v23 =	vsub.f32 v23, v7  }
0x24e: {  	v0 =	vmul.f32 v0, v14;
	v14 =	vsub.f32 v22, v9;
	v22 =	vsub.f32 v55, v8  }
0x24f: {  	v16 =	vmul.f32 v16, v21;
	v19 =	vadd.f32 v26, v19;
	v21 =	vmul.f32 v58, v58  }
0x250: {  	v18 =	vsub.f32 $1.500000000e+00, v18;
	v14 =	vmul.f32 v14, v14;
	v22 =	vmul.f32 v22, v22  }
0x251: {  	s16 =	simm.s32 $0xE1;
	v0 =	vnsel vm0, $0x0, v0;
	v16 =	vmul.f32 v16, v52;
	v19 =	vadd.f32 v21, v19  }
0x252: {  	s30 =	simm.s32 $0x261;
	v0 =	vadd.f32 v0, v15;
	v15 =	vmul.f32 v23, v23;
	v21 =	vld [tilespmem:s16+$0x0];
	v14 =	vadd.f32 v22, v14  }
0x253: {  	v17 =	vmul.f32 v18, v17;
	v18 =	vld [tilespmem:s30+$0x0];
	v22 =	vshra.s32 v19, $0x1;
	v19 =	vmul.f32 $5.000000000e-01, v19  }
0x254: {  	s31 =	simm.s32 $0x3E1;
	v14 =	vadd.f32 v15, v14;
	v22 =	vsub.s32 $0x5F3759DF, v22  }
0x255: {  	v0 =	vadd.f32 v16, v0;
	v16 =	vld [tilespmem:s31+$0x0];
	v15 =	vmul.f32 v22, v19  }
0x256: {  	v17 =	vmul.f32 v17, v20;
	v20 =	vshra.s32 v14, $0x1;
	v23 =	vmul.f32 $5.000000000e-01, v14  }
0x257: {  	v14 =	vadd.f32 $9.999999970e-07, v21;
	v21 =	vmul.f32 v22, v15;
	v20 =	vsub.s32 $0x5F3759DF, v20  }
0x258: {  	v18 =	vadd.f32 $9.999999970e-07, v18;
	v15 =	vadd.f32 v17, v0;
	v17 =	vmul.f32 v20, v23  }
0x259: {  	v0 =	vmov s18;
	v59 =	vbroadcast v14, $0x0;
	v21 =	vsub.f32 $1.500000000e+00, v21  }
0x25a: {  	v16 =	vadd.f32 $9.999999970e-07, v16;
	v14 =	vor.u32 $0xE0, v2;
	v17 =	vmul.f32 v20, v17  }
0x25b: {  	v18 =	vbroadcast v18, $0x0;
	v60 =	vsub.f32 v59, v9;
	v21 =	vmul.f32 v22, v21  }
0x25c: {  	v16 =	vbroadcast v16, $0x0;
	v22 =	vsub.f32 v59, v13;
	v17 =	vsub.f32 $1.500000000e+00, v17  }
0x25d: {  	s17 =	simm.s32 $0x560;
	v61 =	vsub.f32 v18, v12;
	v25 =	vmul.f32 v60, v60;
	v19 =	vmul.f32 v21, v19  }
0x25e: {  	v62 =	vld.msk [tilespmem:s17+$0x0 ss:$0x0], $0xffff;
	v18 =	vsub.f32 v18, v8;
	v22 =	vmul.f32 v22, v22;
	v63 =	vmul.f32 v20, v17  }
0x25f: {  	v17 =	vsub.f32 v16, v11;
	v20 =	vmul.f32 v61, v61;
	v19 =	vmul.f32 v19, v21  }
0x260: {  	v18 =	vmul.f32 v18, v18;
	v16 =	vsub.f32 v16, v7;
	v23 =	vmul.f32 v63, v23  }
0x261: {  	v20 =	vadd.f32 v20, v22;
	v17 =	vmul.f32 v17, v17;
	v19 =	vsub.f32 $1.500000000e+00, v19  }
0x262: {  	v18 =	vadd.f32 v18, v25;
	v16 =	vmul.f32 v16, v16;
	v22 =	vmul.f32 v23, v63  }
0x263: {  	s18 =	simm.s32 $0xE2;
	v17 =	vadd.f32 v17, v20;
	v19 =	vmul.f32 v19, v21;
	v21 =	vmul.f32 v10, v62  }
0x264: {  	vm0 =	vlt.u32 v0, v14;
	v20 =	vadd.f32 v16, v18;
	v18 =	vld [tilespmem:s18+$0x0];
	v0 =	vsub.f32 $1.500000000e+00, v22  }
0x265: {  	s19 =	simm.s32 $0x262;
	v23 =	vshra.s32 v17, $0x1;
	v16 =	vmul.f32 $5.000000000e-01, v17;
	v22 =	vmul.f32 v19, v21  }
0x266: {  	s20 =	simm.s32 $0xE3;
	s21 =	simm.s32 $0x3E2;
	s22 =	simm.s32 $0xE2;
	v19 =	vld [tilespmem:s19+$0x0];
	v17 =	vsub.s32 $0x5F3759DF, v23;
	v23 =	vmul.f32 v6, v62;
	v21 =	vmul.f32 v0, v63  }
.LBB2_12:
0x267: {  	p0 =	sne.s32 s20, $0xEF;
	v0 =	vld [tilespmem:s21+$0x0];
	v24 =	vmul.f32 v17, v16;
	v25 =	vshra.s32 v20, $0x1;
	v22 =	vnsel vm0, $0x0, v22  }
0x268: {  	v20 =	vmul.f32 $5.000000000e-01, v20;
	v15 =	vadd.f32 v22, v15;
	v21 =	vmul.f32 v21, v23  }
0x269: {  	v23 =	vsub.s32 $0x5F3759DF, v25;
	v18 =	vadd.f32 $9.999999970e-07, v18;
	v22 =	vmul.f32 v17, v24  }
0x26a: {  	v24 =	vmov s16;
	v25 =	vmul.f32 v23, v20;
	s16 =	smov.u32 s18;
	s18 =	smov.u32 s20;
	v15 =	vadd.f32 v21, v15  }
0x26b: {  	v18 =	vbroadcast v18, $0x0;
	v19 =	vadd.f32 $9.999999970e-07, v19;
	v21 =	vsub.f32 $1.500000000e+00, v22  }
0x26c: {  	v22 =	vmul.f32 v23, v25;
	v0 =	vadd.f32 $9.999999970e-07, v0  }
0x26d: {  	v19 =	vbroadcast v19, $0x0;
	v25 =	vsub.f32 v18, v9;
	v17 =	vmul.f32 v17, v21  }
0x26e: {  	s17 =	sadd.s32 $0x1, s17;
	v18 =	vsub.f32 v18, v13;
	v21 =	vsub.f32 $1.500000000e+00, v22;
	v0 =	vbroadcast v0, $0x0  }
0x26f: {  	v22 =	vsub.f32 v19, v12;
	v25 =	vmul.f32 v25, v25;
	v26 =	vld.msk [tilespmem:s17+$0x0 ss:$0x0], $0xffff;
	v16 =	vmul.f32 v17, v16  }
0x270: {  	v18 =	vmul.f32 v18, v18;
	v19 =	vsub.f32 v19, v8;
	v21 =	vmul.f32 v23, v21  }
0x271: {  	v23 =	vsub.f32 v0, v11;
	v22 =	vmul.f32 v22, v22;
	v16 =	vmul.f32 v16, v17  }
0x272: {  	v0 =	vsub.f32 v0, v7;
	v19 =	vmul.f32 v19, v19;
	v20 =	vmul.f32 v21, v20  }
0x273: {  	v18 =	vadd.f32 v22, v18;
	v22 =	vmul.f32 v23, v23;
	v16 =	vsub.f32 $1.500000000e+00, v16  }
.Ltmp5:
0x274: {  	v0 =	vmul.f32 v0, v0;
	v19 =	vadd.f32 v19, v25;
	v23 =	vmul.f32 v20, v21;
	(pc) =	sbr.rel @p0 .LBB2_12-.Ltmp5, $4  }
0x275: {  	s22 =	sadd.s32 $0x1, s22;
	v25 =	vmul.f32 v10, v26;
	v22 =	vadd.f32 v22, v18;
	v17 =	vmul.f32 v16, v17  }
0x276: {  	vm0 =	vlt.u32 v24, v14;
	v20 =	vadd.f32 v0, v19;
	v0 =	vsub.f32 $1.500000000e+00, v23;
	v18 =	vld [tilespmem:s22+$0x0]  }
0x277: {  	s19 =	sadd.s32 $0x1, s19;
	v23 =	vshra.s32 v22, $0x1;
	v16 =	vmul.f32 $5.000000000e-01, v22;
	v22 =	vmul.f32 v17, v25  }
0x278: {  	s21 =	sadd.s32 $0x1, s21;
	s20 =	sadd.s32 $0x1, s20;
	v21 =	vmul.f32 v0, v21;
	v19 =	vld [tilespmem:s19+$0x0];
	v17 =	vsub.s32 $0x5F3759DF, v23;
	v23 =	vmul.f32 v6, v26  }
0x279: {  	v0 =	vld [tilespmem:s21+$0x0]  }
0x27a: {  	v24 =	vmul.f32 v17, v16;
	v25 =	vshra.s32 v20, $0x1;
	v20 =	vmul.f32 $5.000000000e-01, v20  }
0x27b: {  	v22 =	vnsel vm0, $0x0, v22;
	v25 =	vsub.s32 $0x5F3759DF, v25;
	v18 =	vadd.f32 $9.999999970e-07, v18  }
0x27c: {  	v15 =	vadd.f32 v22, v15;
	v24 =	vmul.f32 v17, v24;
	v22 =	vmul.f32 v25, v20  }
0x27d: {  	v21 =	vmul.f32 v21, v23;
	v19 =	vadd.f32 $9.999999970e-07, v19;
	v18 =	vbroadcast v18, $0x0  }
0x27e: {  	v23 =	vsub.f32 $1.500000000e+00, v24;
	v22 =	vmul.f32 v25, v22;
	v0 =	vadd.f32 $9.999999970e-07, v0  }
0x27f: {  	v19 =	vbroadcast v19, $0x0;
	v13 =	vsub.f32 v18, v13;
	v18 =	vsub.f32 v18, v9  }
0x280: {  	s19 =	sadd.s32 $0x1, s17;
	v17 =	vmul.f32 v17, v23;
	v22 =	vsub.f32 $1.500000000e+00, v22;
	v0 =	vbroadcast v0, $0x0  }
0x281: {  	v23 =	vld.msk [tilespmem:s19+$0x0 ss:$0x0], $0xffff;
	v12 =	vsub.f32 v19, v12;
	v13 =	vmul.f32 v13, v13;
	v18 =	vmul.f32 v18, v18  }
0x282: {  	v19 =	vsub.f32 v19, v8;
	v16 =	vmul.f32 v17, v16;
	v22 =	vmul.f32 v25, v22  }
0x283: {  	v11 =	vsub.f32 v0, v11;
	v0 =	vsub.f32 v0, v7;
	v12 =	vmul.f32 v12, v12  }
0x284: {  	v19 =	vmul.f32 v19, v19;
	v16 =	vmul.f32 v16, v17  }
0x285: {  	v11 =	vmul.f32 v11, v11;
	v0 =	vmul.f32 v0, v0;
	v12 =	vadd.f32 v12, v13  }
0x286: {  	v62 =	vmul.f32 v10, v23;
	v23 =	vmul.f32 v6, v23;
	v18 =	vadd.f32 v19, v18  }
0x287: {  	v13 =	vmov s16;
	s16 =	simm.s32 $0xF0;
	v16 =	vsub.f32 $1.500000000e+00, v16;
	v11 =	vadd.f32 v11, v12  }
0x288: {  	s26 =	simm.s32 $0x270;
	v19 =	vld [tilespmem:s16+$0x0];
	v12 =	vadd.f32 v21, v15;
	v15 =	vmul.f32 v22, v20;
	v0 =	vadd.f32 v0, v18  }
0x289: {  	v20 =	vld [tilespmem:s26+$0x0];
	v16 =	vmul.f32 v16, v17;
	v18 =	vshra.s32 v11, $0x1;
	v11 =	vmul.f32 $5.000000000e-01, v11  }
0x28a: {  	s28 =	simm.s32 $0x3F0;
	vm14 =	vlt.u32 v13, v14;
	v15 =	vmul.f32 v15, v22;
	v17 =	vsub.s32 $0x5F3759DF, v18  }
0x28b: {  	v61 =	vld [tilespmem:s28+$0x0];
	v21 =	vshra.s32 v0, $0x1;
	v16 =	vmul.f32 v16, v62;
	v18 =	vmul.f32 v17, v11  }
0x28c: {  	v0 =	vmul.f32 $5.000000000e-01, v0;
	v13 =	vsub.s32 $0x5F3759DF, v21;
	v15 =	vsub.f32 $1.500000000e+00, v15  }
0x28d: {  	v19 =	vadd.f32 $9.999999970e-07, v19;
	v16 =	vnsel vm14, $0x0, v16;
	v18 =	vmul.f32 v17, v18  }
0x28e: {  	v21 =	vmul.f32 v13, v0;
	v20 =	vadd.f32 $9.999999970e-07, v20;
	v12 =	vadd.f32 v16, v12  }
0x28f: {  	s29 =	simm.s32 $0x3F1;
	v15 =	vmul.f32 v15, v22;
	v19 =	vbroadcast v19, $0x0;
	v18 =	vsub.f32 $1.500000000e+00, v18  }
0x290: {  	v16 =	vld [tilespmem:s29+$0x0];
	v21 =	vmul.f32 v13, v21;
	v22 =	vadd.f32 $9.999999970e-07, v61;
	v20 =	vbroadcast v20, $0x0  }
0x291: {  	s19 =	sadd.s32 $0x1, s19;
	v19 =	vsub.f32 v19, v9;
	v15 =	vmul.f32 v15, v23;
	v17 =	vmul.f32 v17, v18  }
0x292: {  	s20 =	simm.s32 $0x271;
	v23 =	vld.msk [tilespmem:s19+$0x0 ss:$0x0], $0xffff;
	v20 =	vsub.f32 v20, v8;
	v18 =	vsub.f32 $1.500000000e+00, v21;
	v21 =	vbroadcast v22, $0x0  }
0x293: {  	s17 =	simm.s32 $0xF1;
	v19 =	vmul.f32 v19, v19;
	v22 =	vld [tilespmem:s20+$0x0];
	v11 =	vmul.f32 v17, v11  }
0x294: {  	v20 =	vmul.f32 v20, v20;
	v13 =	vmul.f32 v13, v18;
	v18 =	vld [tilespmem:s17+$0x0];
	v21 =	vsub.f32 v21, v7  }
0x295: {  	v12 =	vadd.f32 v15, v12;
	v16 =	vadd.f32 $9.999999970e-07, v16;
	v11 =	vmul.f32 v11, v17  }
0x296: {  	v19 =	vadd.f32 v20, v19;
	v0 =	vmul.f32 v13, v0;
	v20 =	vmul.f32 v21, v21  }
0x297: {  	v16 =	vbroadcast v16, $0x0;
	v10 =	vmul.f32 v10, v23;
	v11 =	vsub.f32 $1.500000000e+00, v11  }
0x298: {  	v21 =	vmov s18;
	v0 =	vmul.f32 v0, v13;
	v15 =	vadd.f32 v20, v19  }
0x299: {  	v11 =	vmul.f32 v11, v17;
	v17 =	vadd.f32 $9.999999970e-07, v18;
	v18 =	vadd.f32 $9.999999970e-07, v22  }
0x29a: {  	v19 =	vshra.s32 v15, $0x1;
	v15 =	vmul.f32 $5.000000000e-01, v15;
	v0 =	vsub.f32 $1.500000000e+00, v0  }
0x29b: {  	v19 =	vsub.s32 $0x5F3759DF, v19;
	v17 =	vbroadcast v17, $0x0;
	v18 =	vbroadcast v18, $0x0  }
0x29c: {  	s31 =	simm.s32 $0x272;
	vm15 =	vlt.u32 v21, v14;
	v14 =	vmul.f32 v19, v15;
	v10 =	vmul.f32 v11, v10  }
0x29d: {  	s18 =	simm.s32 $0xF2;
	v21 =	vld [tilespmem:s31+$0x0];
	v0 =	vmul.f32 v0, v13;
	v17 =	vsub.f32 v17, v9;
	v18 =	vsub.f32 v18, v8  }
0x29e: {  	v16 =	vsub.f32 v16, v7;
	v11 =	vld [tilespmem:s18+$0x0];
	v13 =	vmul.f32 v6, v23;
	v14 =	vmul.f32 v19, v14  }
0x29f: {  	v17 =	vmul.f32 v17, v17;
	v18 =	vmul.f32 v18, v18  }
0x2a0: {  	s30 =	simm.s32 $0x3F2;
	v16 =	vmul.f32 v16, v16;
	v14 =	vsub.f32 $1.500000000e+00, v14  }
0x2a1: {  	v20 =	vld [tilespmem:s30+$0x0];
	v10 =	vnsel vm15, $0x0, v10;
	v0 =	vmul.f32 v0, v13;
	v17 =	vadd.f32 v18, v17  }
0x2a2: {  	s20 =	simm.s32 $0x570;
	v13 =	vadd.f32 $9.999999970e-07, v21;
	v10 =	vadd.f32 v10, v12;
	v23 =	vmul.f32 v19, v14  }
0x2a3: {  	v11 =	vadd.f32 $9.999999970e-07, v11;
	v18 =	vld.msk [tilespmem:s20+$0x0 ss:$0x0], $0xffff;
	v12 =	vadd.f32 v16, v17  }
0x2a4: {  	v19 =	vbroadcast v13, $0x0;
	v15 =	vmul.f32 v23, v15  }
0x2a5: {  	v11 =	vbroadcast v11, $0x0;
	v14 =	vshra.s32 v12, $0x1;
	v12 =	vmul.f32 $5.000000000e-01, v12  }
0x2a6: {  	v17 =	vadd.f32 $9.999999970e-07, v20;
	v15 =	vmul.f32 v15, v23;
	v14 =	vsub.s32 $0x5F3759DF, v14  }
0x2a7: {  	s21 =	simm.s32 $0x3F3;
	v63 =	vsub.f32 v19, v8;
	v11 =	vsub.f32 v11, v9;
	v21 =	vmul.f32 v14, v12  }
0x2a8: {  	s19 =	simm.s32 $0xF3;
	v16 =	vld [tilespmem:s21+$0x0];
	v22 =	vbroadcast v17, $0x0;
	v13 =	vmul.f32 v6, v18;
	v15 =	vsub.f32 $1.500000000e+00, v15  }
0x2a9: {  	s22 =	simm.s32 $0x273;
	v10 =	vadd.f32 v0, v10;
	v17 =	vld [tilespmem:s19+$0x0];
	v20 =	vmul.f32 v11, v11;
	v18 =	vmul.f32 v14, v21  }
0x2aa: {  	s23 =	simm.s32 $0xF4;
	s24 =	simm.s32 $0xF3;
	v19 =	vld [tilespmem:s22+$0x0];
	v21 =	vsub.f32 v22, v7;
	v22 =	vmul.f32 v63, v63;
	v15 =	vmul.f32 v15, v23  }
.LBB2_14:
0x2ab: {  	p0 =	sne.s32 s23, $0xFF;
	v0 =	vsub.f32 $1.500000000e+00, v18;
	v18 =	vmov s16;
	v11 =	vor.u32 $0xF0, v2;
	s20 =	sadd.s32 $0x1, s20;
	s16 =	smov.u32 s17  }
0x2ac: {  	s17 =	smov.u32 s18;
	s18 =	smov.u32 s19;
	s19 =	smov.u32 s23;
	v20 =	vadd.f32 v22, v20;
	v21 =	vmul.f32 v21, v21;
	v22 =	vld.msk [tilespmem:s20+$0x0 ss:$0x0], $0xffff;
	v13 =	vmul.f32 v15, v13  }
0x2ad: {  	vm0 =	vlt.u32 v18, v11;
	v15 =	vadd.f32 $9.999999970e-07, v16;
	v0 =	vmul.f32 v14, v0  }
0x2ae: {  	v14 =	vadd.f32 $9.999999970e-07, v17;
	v16 =	vadd.f32 v21, v20;
	v13 =	vnsel vm0, $0x0, v13  }
0x2af: {  	v17 =	vadd.f32 $9.999999970e-07, v19;
	v18 =	vmul.f32 v0, v12;
	v10 =	vadd.f32 v13, v10  }
0x2b0: {  	v13 =	vbroadcast v14, $0x0;
	v14 =	vshra.s32 v16, $0x1;
	v12 =	vmul.f32 $5.000000000e-01, v16  }
.Ltmp6:
0x2b1: {  	v17 =	vbroadcast v17, $0x0;
	v14 =	vsub.s32 $0x5F3759DF, v14;
	v18 =	vmul.f32 v18, v0;
	(pc) =	sbr.rel @p0 .LBB2_14-.Ltmp6, $4  }
0x2b2: {  	s21 =	sadd.s32 $0x1, s21;
	v19 =	vsub.f32 v13, v9;
	v21 =	vmul.f32 v14, v12;
	v13 =	vmul.f32 v6, v22  }
0x2b3: {  	s24 =	sadd.s32 $0x1, s24;
	v15 =	vbroadcast v15, $0x0;
	v16 =	vld [tilespmem:s21+$0x0];
	v22 =	vsub.f32 v17, v8;
	v23 =	vsub.f32 $1.500000000e+00, v18  }
0x2b4: {  	s22 =	sadd.s32 $0x1, s22;
	v17 =	vld [tilespmem:s24+$0x0];
	v20 =	vmul.f32 v19, v19;
	v18 =	vmul.f32 v14, v21  }
0x2b5: {  	s23 =	sadd.s32 $0x1, s23;
	v21 =	vsub.f32 v15, v7;
	v19 =	vld [tilespmem:s22+$0x0];
	v22 =	vmul.f32 v22, v22;
	v15 =	vmul.f32 v23, v0  }
0x2b6: {  	_ =	sdelay $0x3  }
0x2b7: {  	v0 =	vadd.f32 $9.999999970e-07, v17;
	v44 =	vadd.f32 $9.999999970e-07, v19;
	_ =	sdelay $0x1  }
0x2b8: {  	v16 =	vadd.f32 $9.999999970e-07, v16;
	v0 =	vbroadcast v0, $0x0;
	v17 =	vbroadcast v44, $0x0;
	_ =	sdelay $0x1  }
0x2b9: {  	v45 =	vbroadcast v16, $0x0;
	v0 =	vsub.f32 v0, v9;
	v8 =	vsub.f32 v17, v8  }
0x2ba: {  	v46 =	vadd.f32 v22, v20;
	v47 =	vmul.f32 v21, v21  }
0x2bb: {  	v7 =	vsub.f32 v45, v7;
	v0 =	vmul.f32 v0, v0;
	v8 =	vmul.f32 v8, v8;
	_ =	sdelay $0x1  }
0x2bc: {  	v48 =	vadd.f32 v47, v46;
	v7 =	vmul.f32 v7, v7;
	v0 =	vadd.f32 v8, v0;
	_ =	sdelay $0x1  }
0x2bd: {  	v49 =	vshra.s32 v48, $0x1;
	v9 =	vmul.f32 $5.000000000e-01, v48;
	v0 =	vadd.f32 v7, v0  }
0x2be: {  	v8 =	vsub.s32 $0x5F3759DF, v49  }
0x2bf: {  	v7 =	vmul.f32 v8, v9;
	v51 =	vshra.s32 v0, $0x1;
	v0 =	vmul.f32 $5.000000000e-01, v0  }
0x2c0: {  	v50 =	vsub.f32 $1.500000000e+00, v18;
	v17 =	vsub.s32 $0x5F3759DF, v51  }
0x2c1: {  	v7 =	vmul.f32 v8, v7;
	v52 =	vmul.f32 v17, v0  }
0x2c2: {  	v14 =	vmul.f32 v14, v50  }
0x2c3: {  	v7 =	vsub.f32 $1.500000000e+00, v7;
	v16 =	vmul.f32 v17, v52  }
0x2c4: {  	s20 =	sadd.s32 $0x1, s20;
	v12 =	vmul.f32 v14, v12  }
0x2c5: {  	v53 =	vld.msk [tilespmem:s20+$0x0 ss:$0x0], $0xffff;
	v7 =	vmul.f32 v8, v7;
	v55 =	vsub.f32 $1.500000000e+00, v16  }
0x2c6: {  	s20 =	sadd.s32 $0x1, s20;
	v54 =	vmul.f32 v12, v14  }
0x2c7: {  	v56 =	vld.msk [tilespmem:s20+$0x0 ss:$0x0], $0xffff;
	v9 =	vmul.f32 v7, v9;
	v12 =	vmul.f32 v17, v55  }
0x2c8: {  	v58 =	vmov s16;
	v60 =	vmov s17;
	s20 =	sadd.s32 $0x1, s20  }
0x2c9: {  	v59 =	vld.msk [tilespmem:s20+$0x0 ss:$0x0], $0xffff;
	v8 =	vsub.f32 $1.500000000e+00, v54;
	v9 =	vmul.f32 v9, v7;
	v0 =	vmul.f32 v12, v0  }
0x2ca: {  	v13 =	vmul.f32 v15, v13;
	vm0 =	vlt.u32 v58, v11;
	v57 =	vmul.f32 v6, v53  }
0x2cb: {  	v8 =	vmul.f32 v8, v14;
	v9 =	vsub.f32 $1.500000000e+00, v9;
	v0 =	vmul.f32 v0, v12  }
0x2cc: {  	v62 =	vmov s18;
	v61 =	vnsel vm0, $0x0, v13;
	v16 =	vmul.f32 v6, v56  }
0x2cd: {  	v8 =	vmul.f32 v8, v57;
	v7 =	vmul.f32 v9, v7;
	v0 =	vsub.f32 $1.500000000e+00, v0  }
0x2ce: {  	vm13 =	vlt.u32 v60, v11;
	v6 =	vmul.f32 v6, v59;
	v9 =	vadd.f32 v61, v10  }
0x2cf: {  	v8 =	vnsel vm13, $0x0, v8;
	v7 =	vmul.f32 v7, v16;
	v0 =	vmul.f32 v0, v12  }
0x2d0: {  	vm14 =	vlt.u32 v62, v11;
	v8 =	vadd.f32 v8, v9  }
0x2d1: {  	v63 =	vmov s19;
	v7 =	vnsel vm14, $0x0, v7;
	v0 =	vmul.f32 v0, v6  }
0x2d2: {  	vm15 =	vlt.u32 v63, v11;
	v6 =	vadd.f32 v7, v8  }
0x2d3: {  	v0 =	vnsel vm15, $0x0, v0  }
0x2d4: {  	v0 =	vadd.f32 v0, v6;
	v6 =	vld [tilespmem:$0x1FFF0];
	_ =	sdelay $0x4  }
0x2d5: {  	v6 =	vperm.xlane v0, v6;
	_ =	sdelay $0x1  }
0x2d6: {  	v0 =	vadd.f32 v6, v0;
	_ =	sdelay $0x1  }
0x2d7: {  	v6 =	vperm.xlane v0, v1;
	_ =	sdelay $0x1  }
0x2d8: {  	v0 =	vadd.f32 v6, v0;
	_ =	sdelay $0x1  }
0x2d9: {  	v6 =	vperm.xlane v0, v3;
	_ =	sdelay $0x1  }
0x2da: {  	v0 =	vadd.f32 v6, v0;
	_ =	sdelay $0x1  }
0x2db: {  	v6 =	vperm.xlane v0, v5;
	_ =	sdelay $0x1  }
0x2dc: {  	v0 =	vadd.f32 v6, v0;
	_ =	sdelay $0x1  }
0x2dd: {  	s15 =	sadd.s32 $0x1, s15;
	v0 =	vmul.f32 $1.439964580e+01, v0  }
0x2de: {  	p0 =	sne.s32 s15, s8  }
.Ltmp7:
0x2df: {  	[tilespmem:$0x600] =	vst v0;
	(pc) =	sbr.rel @p0 .LBB2_1-.Ltmp7, $4  }
0x2e0: {  	[hbm4b:s7+s1] =	stream.linear.scatter [tilespmem:s13], [sflag:$0x2], $0x80, $0x38;
	[tilespmem:$0x680] =	vst v63  }
0x2e1: {  	_ =	swait.ge [sflag:s14], $0x80  }
0x2e2: {  	[sflag:s14] =	ssyncset.done $0x0  }
0x2e3: {  	[sflag:s14] =	ssyncadd.s32 $0xFFFFFF80  }
0x2e4: {  	_ =	sfence.sel $0x180000  }
0x2e5: {  	[bflag:$0x0] =	sbarrier.arrive $0xFFFF  }
0x2e6: {  	p0 =	sne.s32 s0, $0x0;
	_ =	strace $0x90000047  }
0x2e7: {  	s0 =	sadd.s32 @!p0 $0x100000, s2;
	[bflag:$0x2] =	sbarrier.arrive $0xFFFF  }
0x2e8: {  	[sflag:s0] =	ssyncadd.tile.s32 @!p0 $0x1;
	_ =	shalt  }
.Lfunc_end2:
_tile_overlayer_lowered:
.L_overlay_start_2:
0x2e9: {  	(tag) =	ssettag $0x2  }
0x2ea: {  	s0 =	rddreg [dreg:$0x0];
	s2 =	stileid.u32  }
0x2eb: {  	s1 =	rddreg [dreg:$0x1];
	p0 =	sne.s32 s2, $0x0  }
0x2ec: {  	s3 =	rddreg [dreg:$0x2];
	[bflag:$0x3] =	sbarrier.arrive $0xFFFF;
	s2 =	simm.s32 @!p0 $0x1C02  }
0x2ed: {  	[timem:s3], [sflag:s2] =	dma.local @!p0 [hbm:s0], s1  }
0x2ee: {  	s0 =	simm.s32 @!p0 $0x2  }
0x2ef: {  	_ =	swait.ge @!p0 [sflag:s0], s1  }
0x2f0: {  	s1 =	ssub.s32 @!p0 $0x0, s1;
	[sflag:s0] =	ssyncset.done @!p0 $0x0  }
0x2f1: {  	[sflag:s0] =	ssyncadd.s32 @!p0 s1  }
0x2f2: {  	[bflag:$0x3] =	sbarrier.arrive $0xFFFF  }
0x2f3: {  	_ =	shalt  }

</sc_bundles>
